<compile_context>
chip_gen: v7x
topology: tpu7x:2x2x1
jax: 0.10.2.dev20260603
libtpu: 0.0.44.dev20260713+nightly
codegen_flags: <defaults>
</compile_context>

<pallas_src>
import functools

import numpy as np
import jax
import jax.numpy as jnp
from jax import lax
from jax.experimental import pallas as pl
from jax.experimental.pallas import tpu as pltpu
from jax.experimental.pallas import tpu_sc as plsc

B, Q, C = 8, 300, 300
QP = 304
NCH = QP // 16
INF = np.float32(3e38)
SENT = np.float32(-3e38)


def _softplus(x):
    return jnp.log1p(jnp.exp(-jnp.abs(x))) + jnp.maximum(x, 0.0)



def _prep_kernel(logits_ref, ann_ref, lT_ref, vinit_ref):
    x = logits_ref[...]
    annv = ann_ref[...]
    neg = _softplus(x)
    qt = jnp.sum(jnp.where(annv == 0, neg, 0.0), axis=2)
    vin = jnp.concatenate(
        [-qt, jnp.full((B, QP - Q), jnp.nan, jnp.float32)], axis=1)
    vinit_ref[...] = vin
    t = jnp.swapaxes(x, 1, 2)
    t = jnp.concatenate([t, jnp.zeros((B, QP - C, Q), jnp.float32)], axis=1)
    t = jnp.concatenate([t, jnp.zeros((B, QP, QP - Q), jnp.float32)], axis=2)
    lT_ref[...] = t


def _prep_call(logits, ann3):
    return pl.pallas_call(
        _prep_kernel,
        out_shape=(
            jax.ShapeDtypeStruct((B, QP, QP), jnp.float32),
            jax.ShapeDtypeStruct((B, QP), jnp.float32),
        ),
    )(logits, ann3)



def _splat_i(x):
    return jnp.full((16,), x, jnp.int32)


def _sread(ref, i):
    return jnp.min(plsc.load_gather(ref, [_splat_i(i)]))


def _lane0():
    return lax.iota(jnp.int32, 16) == 0


def _phase(c, G, v, vph, usedD, way, p_col, u):
    iota16 = lax.iota(jnp.int32, 16)
    for ci in range(NCH):
        sl = pl.ds(ci * 16, 16)
        usedD[sl] = jnp.full((16,), INF)
        vph[sl] = v[sl]
    u_c = plsc.load_gather(u, [_splat_i(c)])
    key0 = [jnp.full((16,), INF) for _ in range(NCH)]
    way0 = [_splat_i(-1) for _ in range(NCH)]

    def cond(carry):
        return jnp.logical_not(carry[3])

    def body(carry):
        i0, j0v, sv, _, _ = carry[:5]
        keyr = list(carry[5:5 + NCH])
        wayr = list(carry[5 + NCH:])
        negs = 0.0 - sv
        NACC = 4
        accv = [jnp.full((16,), INF) for _ in range(NACC)]
        acci = [jnp.zeros((16,), jnp.int32) for _ in range(NACC)]
        for ci in range(NCH):
            sl = pl.ds(ci * 16, 16)
            col = iota16 + (16 * ci)
            g = G[i0, sl]
            cand = negs - (g + vph[sl])
            upd = cand < keyr[ci]
            nk = jnp.where(upd, cand, keyr[ci])
            keyr[ci] = nk
            wayr[ci] = jnp.where(upd, j0v, wayr[ci])
            k = ci % NACC
            cm = nk < accv[k]
            accv[k] = jnp.where(cm, nk, accv[k])
            acci[k] = jnp.where(cm, col, acci[k])
        for k in (1, 2, 3):
            cm = accv[k] < accv[0]
            accv[0] = jnp.where(cm, accv[k], accv[0])
            acci[0] = jnp.where(cm, acci[k], acci[0])
        sk, sj = plsc.sort_key_val(accv[0], acci[0])
        m = sk[0]
        j1 = sj[0]
        mv = jnp.full((16,), m)
        j1v = jnp.full((16,), j1, jnp.int32)
        for ci in range(NCH):
            keyr[ci] = jnp.where(iota16 + (16 * ci) == j1v, INF, keyr[ci])
        plsc.store_scatter(usedD, [j1v], mv, mask=_lane0())
        plsc.store_scatter(vph, [j1v], jnp.full((16,), SENT), mask=_lane0())
        pjv = plsc.load_gather(p_col, [j1v])
        pj = pjv[0]
        fin = pj < 0
        u_pj = plsc.load_gather(u, [jnp.maximum(pjv, 0)])
        sn = jnp.where(pjv < 0, sv, u_pj - mv)
        return (jnp.maximum(pj, 0), j1v, sn, fin, mv, *keyr, *wayr)

    fincar = lax.while_loop(
        cond, body,
        (c, _splat_i(-1), u_c, jnp.bool_(False),
         jnp.zeros((16,), jnp.float32), *key0, *way0))
    jfinv, Dendv = fincar[1], fincar[4]
    for ci in range(NCH):
        way[pl.ds(ci * 16, 16)] = fincar[5 + NCH + ci]

    plsc.store_scatter(usedD, [jfinv], jnp.full((16,), INF), mask=_lane0())
    for ci in range(NCH):
        sl = pl.ds(ci * 16, 16)
        ud = usedD[sl]
        msk = ud < jnp.float32(1e38)
        w = Dendv - ud
        v[sl] = jnp.where(msk, v[sl] - w, v[sl])
        pc = p_col[sl]
        plsc.addupdate_scatter(u, [jnp.where(msk, pc, 0)],
                               jnp.where(msk, w, 0.0), mask=msk)
    plsc.addupdate_scatter(u, [_splat_i(c)], Dendv, mask=_lane0())

    cv = _splat_i(c)

    def acond(car):
        return jnp.logical_not(car[1])

    def abody(car):
        jv = car[0]
        pjv = plsc.load_gather(way, [jv])
        rootv = pjv < 0
        isroot = jnp.min(pjv) < 0
        val = jnp.where(rootv, cv,
                        plsc.load_gather(p_col, [jnp.maximum(pjv, 0)]))
        plsc.store_scatter(p_col, [jv], val, mask=_lane0())
        return (jnp.where(rootv, jv, pjv), isroot)

    lax.while_loop(acond, abody, (jfinv, jnp.bool_(False)))


def _sc_jv(lT_hbm, vinit_hbm, ann_hbm, mc_hbm,
           G, v, vph, usedD, way, p_col, u, annv, sem):
    del sem
    cid = lax.axis_index("c")
    sid = lax.axis_index("s")
    b = sid * 2 + cid

    @pl.when(b < B)
    def _():
        pltpu.sync_copy(lT_hbm.at[b], G)
        pltpu.sync_copy(vinit_hbm.at[b], v)
        pltpu.sync_copy(ann_hbm.at[b], annv)
        for ci in range(NCH):
            sl = pl.ds(ci * 16, 16)
            u[sl] = jnp.zeros((16,), jnp.float32)
            p_col[sl] = jnp.full((16,), -1, jnp.int32)

        def phase_body(c, carry):
            a = _sread(annv, c)

            @pl.when(a > 0)
            def _():
                _phase(c, G, v, vph, usedD, way, p_col, u)

            return carry

        lax.fori_loop(0, C, phase_body, jnp.int32(0))
        pltpu.sync_copy(p_col, mc_hbm.at[b])


@functools.cache
def _sc_kernel():
    return functools.partial(
        pl.kernel,
        mesh=plsc.VectorSubcoreMesh(core_axis_name="c", subcore_axis_name="s"),
        out_type=jax.ShapeDtypeStruct((B, QP), jnp.int32),
        compiler_params=pltpu.CompilerParams(
            use_tc_tiling_on_sc=False, needs_layout_passes=False),
        scratch_types=[
            pltpu.VMEM((QP, QP), jnp.float32),
            pltpu.VMEM((QP,), jnp.float32),
            pltpu.VMEM((QP,), jnp.float32),
            pltpu.VMEM((QP,), jnp.float32),
            pltpu.VMEM((QP,), jnp.int32),
            pltpu.VMEM((QP,), jnp.int32),
            pltpu.VMEM((QP,), jnp.float32),
            pltpu.VMEM((QP,), jnp.int32),
            pltpu.SemaphoreType.DMA,
        ],
    )(_sc_jv)


def _sc_call(lT, vinit, ann_pad):
    return _sc_kernel()(lT, vinit, ann_pad)



def _loss_kernel(logits_ref, ann_ref, mc_ref, matches_ref, lsum_ref):
    x = logits_ref[...]
    annv = ann_ref[...]
    mcq = mc_ref[...]
    iota_c = lax.broadcasted_iota(jnp.int32, (B, Q, C), 2)
    matches = (mcq == iota_c).astype(jnp.float32)
    matched = (mcq >= 0).astype(jnp.float32)
    cond0 = annv == 0
    pos = _softplus(-x)
    neg = _softplus(x)
    neg_mask = jnp.where(cond0, matched * jnp.ones((B, Q, C), jnp.float32),
                         1.0 - matches)
    contrib = matches * pos + neg_mask * neg
    matches_ref[...] = matches
    lsum_ref[0, 0] = jnp.sum(contrib) / np.float32(B * Q * C)


def _loss_call(logits, ann3, mc3):
    return pl.pallas_call(
        _loss_kernel,
        out_shape=(
            jax.ShapeDtypeStruct((B, Q, C), jnp.float32),
            jax.ShapeDtypeStruct((1, 1), jnp.float32),
        ),
        out_specs=(
            pl.BlockSpec(memory_space=pltpu.VMEM),
            pl.BlockSpec(memory_space=pltpu.SMEM),
        ),
    )(logits, ann3, mc3)



def kernel(logits, annotations):
    ann3 = annotations.reshape(B, 1, C)
    lT, vinit = _prep_call(logits, ann3)
    ann_pad = jnp.pad(annotations, ((0, 0), (0, QP - C)))
    mc = _sc_call(lT, vinit, ann_pad)
    mc3 = mc[:, :Q].reshape(B, Q, 1)
    matches, lsum = _loss_call(logits, ann3, mc3)
    return (lsum[0, 0], matches)

# --- scband reference (transcript-rebuilt; emitter-appended) ---
"""Pipeline reference for scband-hungarian-matcher-87686052315423 (READ-ONLY COPY).

The authoritative reference and input builder live on the scoring server;
editing this copy changes nothing except your own understanding.
"""

import jax, jax.numpy as jnp
import numpy as np


def _lsa(cost):
    # Jonker-Volgenant / e-maxx Hungarian for cost (n, m) with n <= m.
    # Returns for each row the assigned column; equivalent to scipy.optimize.linear_sum_assignment.
    cost = np.asarray(cost, dtype=np.float64)
    n, m = cost.shape
    u = np.zeros(n + 1)
    v = np.zeros(m + 1)
    p = np.zeros(m + 1, dtype=np.int64)
    way = np.zeros(m + 1, dtype=np.int64)
    for i in range(1, n + 1):
        p[0] = i
        j0 = 0
        minv = np.full(m + 1, np.inf)
        used = np.zeros(m + 1, dtype=bool)
        while True:
            used[j0] = True
            i0 = p[j0]
            cur = cost[i0 - 1, :] - u[i0] - v[1:]
            free = ~used[1:]
            mv = minv[1:]
            wy = way[1:]
            upd = free & (cur < mv)
            mv[upd] = cur[upd]
            wy[upd] = j0
            masked = np.where(free, mv, np.inf)
            j1 = int(np.argmin(masked)) + 1
            delta = masked[j1 - 1]
            u[p[used]] += delta
            v[used] -= delta
            mv[free] -= delta
            j0 = j1
            if p[j0] == 0:
                break
        while j0 != 0:
            j1 = int(way[j0])
            p[j0] = p[j1]
            j0 = j1
    row_to_col = np.full(n, -1, dtype=np.int64)
    for j in range(1, m + 1):
        if p[j] > 0:
            row_to_col[p[j] - 1] = j - 1
    return row_to_col


def _compute_matches(logits_np, ann_np):
    # match_phase (torch.no_grad) done in numpy on host, like the scipy original.
    B, Q, C = logits_np.shape
    pos = np.logaddexp(0.0, -logits_np)  # pos_match_loss_fn: softplus(-logits)
    neg = np.logaddexp(0.0, logits_np)   # neg_match_loss_fn: softplus(logits)
    matches = np.zeros((B, Q, C), dtype=np.float32)
    for b in range(B):
        pos_idx = np.nonzero(ann_np[b] > 0)[0]
        if pos_idx.size == 0:
            continue
        pos_match_part = (pos[b] - neg[b])[:, pos_idx]
        query_taken_part = neg[b][:, ann_np[b] == 0].sum(-1, keepdims=True)
        cost = pos_match_part + query_taken_part  # (Q, P), P <= Q
        rows = _lsa(cost.T)  # assign each positive class to a distinct query row
        matches[b, rows, pos_idx] = 1.0
    return matches


def _compute_matches_host(logits, annotations):
    return _compute_matches(np.asarray(logits, dtype=np.float64), np.asarray(annotations))


def setup_inputs(seed: int = 0):
    key = jax.random.key(seed)
    k1, k2 = jax.random.split(key)
    logits = jax.random.normal(k1, (8, 300, 300), dtype=jnp.float32)
    annotations = jax.random.randint(k2, (8, 300), 0, 2, dtype=jnp.int32)
    return {"logits": logits, "annotations": annotations}


def reference(logits, annotations):
    matches = jax.pure_callback(
        _compute_matches_host,
        jax.ShapeDtypeStruct(logits.shape, jnp.float32),
        logits,
        annotations,
    )
    # optimization_phase
    pos_losses = jax.nn.softplus(-logits)
    neg_losses = jax.nn.softplus(logits)
    cond0 = (annotations[:, None, :] == 0) & jnp.ones(matches.shape, dtype=bool)
    neg_mask = 1.0 - matches
    neg_mask = jnp.where(cond0, 0.0, neg_mask)
    matched_rows = jnp.max(matches, axis=-1, keepdims=True) > 0
    neg_mask = jnp.where(matched_rows & cond0, 1.0, neg_mask)
    loss = jnp.mean(matches * pos_losses + neg_mask * neg_losses)
    return (loss, matches)

if __name__ == "__main__":
    import jax
    _d = setup_inputs()
    print(jax.jit(kernel)(*tuple(_d.values())))

</pallas_src>

<mosaic_0001>
#map = affine_map<(d0, d1) -> (0, 0, 0)>
#map1 = affine_map<(d0, d1) -> (0, 0)>
module attributes {stable_mosaic.version = 14 : i64} {
  func.func @_sc_jv(%arg0: i32, %arg1: i32, %arg2: memref<8x304x304xf32, #tpu.memory_space<hbm>>, %arg3: memref<8x304xf32, #tpu.memory_space<hbm>>, %arg4: memref<8x304xi32, #tpu.memory_space<hbm>>, %arg5: memref<8x304xi32, #tpu.memory_space<hbm>>, %arg6: memref<304x304xf32, #tpu.memory_space<vmem>>, %arg7: memref<304xf32, #tpu.memory_space<vmem>>, %arg8: memref<304xf32, #tpu.memory_space<vmem>>, %arg9: memref<304xf32, #tpu.memory_space<vmem>>, %arg10: memref<304xi32, #tpu.memory_space<vmem>>, %arg11: memref<304xi32, #tpu.memory_space<vmem>>, %arg12: memref<304xf32, #tpu.memory_space<vmem>>, %arg13: memref<304xi32, #tpu.memory_space<vmem>>, %arg14: memref<!tpu.dma_semaphore, #tpu.memory_space<semaphore_mem>>) attributes {dimension_semantics = [#tpu.dimension_semantics<core_parallel>, #tpu.dimension_semantics<subcore_parallel>], iteration_bounds = array<i64: 2, 16>, scalar_prefetch = 0 : i64, scratch_operands = 9 : i64, tpu.core_type = #tpu.core_type<sc_vector_subcore>, window_params = [{transform_indices = #map}, {transform_indices = #map1}, {transform_indices = #map1}, {transform_indices = #map1}]} {
    %mul3A = arith.constant 2 : i32
    %mul3A_0 = arith.muli %arg1, %mul3A : i32
    %add3A = arith.addi %mul3A_0, %arg0 : i32
    %lt3A = arith.constant 8 : i32
    %lt3A_1 = arith.cmpi slt, %add3A, %lt3A : i32
    %convert_element_type3A = arith.extui %lt3A_1 : i1 to i32
    %cond3A = arith.constant 0 : i32
    %cond3A_2 = arith.cmpi ne, %convert_element_type3A, %cond3A : i32
    scf.if %cond3A_2 {
      "tpu.region"() ({
        %run_scoped3A = tpu.sem_alloc : memref<!tpu.dma_semaphore, #tpu.memory_space<semaphore_mem>>
        %dma_start3A = arith.constant 0 : i32
        %dma_start3A_158 = arith.constant 0 : i32
        %dma_start3A_159 = tpu.memref_slice %arg2[%add3A, %dma_start3A, %dma_start3A_158] : memref<8x304x304xf32, #tpu.memory_space<hbm>> -> memref<1x304x304xf32, #tpu.memory_space<hbm>>
        %dma_start3A_160 = tpu.memref_squeeze %dma_start3A_159 : memref<1x304x304xf32, #tpu.memory_space<hbm>> -> memref<304x304xf32, #tpu.memory_space<hbm>>
        %dma_start3A_161 = arith.constant 0 : i32
        %dma_start3A_162 = arith.constant 0 : i32
        %dma_start3A_163 = tpu.memref_slice %arg2[%add3A, %dma_start3A_161, %dma_start3A_162] : memref<8x304x304xf32, #tpu.memory_space<hbm>> -> memref<1x304x304xf32, #tpu.memory_space<hbm>>
        %dma_start3A_164 = tpu.memref_squeeze %dma_start3A_163 : memref<1x304x304xf32, #tpu.memory_space<hbm>> -> memref<304x304xf32, #tpu.memory_space<hbm>>
        tpu.enqueue_dma source(%dma_start3A_164 : memref<304x304xf32, #tpu.memory_space<hbm>>) target(%arg6 : memref<304x304xf32, #tpu.memory_space<vmem>>) target_semaphore(%run_scoped3A : memref<!tpu.dma_semaphore, #tpu.memory_space<semaphore_mem>>)
        %dma_wait3A = arith.constant 0 : i32
        %dma_wait3A_165 = arith.constant 0 : i32
        %dma_wait3A_166 = tpu.memref_slice %arg2[%add3A, %dma_wait3A, %dma_wait3A_165] : memref<8x304x304xf32, #tpu.memory_space<hbm>> -> memref<1x304x304xf32, #tpu.memory_space<hbm>>
        %dma_wait3A_167 = tpu.memref_squeeze %dma_wait3A_166 : memref<1x304x304xf32, #tpu.memory_space<hbm>> -> memref<304x304xf32, #tpu.memory_space<hbm>>
        %dma_wait3A_168 = arith.constant 0 : i32
        %dma_wait3A_169 = arith.constant 0 : i32
        %dma_wait3A_170 = tpu.memref_slice %arg2[%add3A, %dma_wait3A_168, %dma_wait3A_169] : memref<8x304x304xf32, #tpu.memory_space<hbm>> -> memref<1x304x304xf32, #tpu.memory_space<hbm>>
        %dma_wait3A_171 = tpu.memref_squeeze %dma_wait3A_170 : memref<1x304x304xf32, #tpu.memory_space<hbm>> -> memref<304x304xf32, #tpu.memory_space<hbm>>
        tpu.wait_dma2 semaphore(%run_scoped3A : memref<!tpu.dma_semaphore, #tpu.memory_space<semaphore_mem>>) src(%dma_wait3A_171 : memref<304x304xf32, #tpu.memory_space<hbm>>) dst(%arg6 : memref<304x304xf32, #tpu.memory_space<vmem>>)
        tpu.yield
      }) : () -> ()
      "tpu.region"() ({
        %run_scoped3A = tpu.sem_alloc : memref<!tpu.dma_semaphore, #tpu.memory_space<semaphore_mem>>
        %dma_start3A = arith.constant 0 : i32
        %dma_start3A_158 = tpu.memref_slice %arg3[%add3A, %dma_start3A] : memref<8x304xf32, #tpu.memory_space<hbm>> -> memref<1x304xf32, #tpu.memory_space<hbm>>
        %dma_start3A_159 = tpu.memref_squeeze %dma_start3A_158 : memref<1x304xf32, #tpu.memory_space<hbm>> -> memref<304xf32, #tpu.memory_space<hbm>>
        %dma_start3A_160 = arith.constant 0 : i32
        %dma_start3A_161 = tpu.memref_slice %arg3[%add3A, %dma_start3A_160] : memref<8x304xf32, #tpu.memory_space<hbm>> -> memref<1x304xf32, #tpu.memory_space<hbm>>
        %dma_start3A_162 = tpu.memref_squeeze %dma_start3A_161 : memref<1x304xf32, #tpu.memory_space<hbm>> -> memref<304xf32, #tpu.memory_space<hbm>>
        tpu.enqueue_dma source(%dma_start3A_162 : memref<304xf32, #tpu.memory_space<hbm>>) target(%arg7 : memref<304xf32, #tpu.memory_space<vmem>>) target_semaphore(%run_scoped3A : memref<!tpu.dma_semaphore, #tpu.memory_space<semaphore_mem>>)
        %dma_wait3A = arith.constant 0 : i32
        %dma_wait3A_163 = tpu.memref_slice %arg3[%add3A, %dma_wait3A] : memref<8x304xf32, #tpu.memory_space<hbm>> -> memref<1x304xf32, #tpu.memory_space<hbm>>
        %dma_wait3A_164 = tpu.memref_squeeze %dma_wait3A_163 : memref<1x304xf32, #tpu.memory_space<hbm>> -> memref<304xf32, #tpu.memory_space<hbm>>
        %dma_wait3A_165 = arith.constant 0 : i32
        %dma_wait3A_166 = tpu.memref_slice %arg3[%add3A, %dma_wait3A_165] : memref<8x304xf32, #tpu.memory_space<hbm>> -> memref<1x304xf32, #tpu.memory_space<hbm>>
        %dma_wait3A_167 = tpu.memref_squeeze %dma_wait3A_166 : memref<1x304xf32, #tpu.memory_space<hbm>> -> memref<304xf32, #tpu.memory_space<hbm>>
        tpu.wait_dma2 semaphore(%run_scoped3A : memref<!tpu.dma_semaphore, #tpu.memory_space<semaphore_mem>>) src(%dma_wait3A_167 : memref<304xf32, #tpu.memory_space<hbm>>) dst(%arg7 : memref<304xf32, #tpu.memory_space<vmem>>)
        tpu.yield
      }) : () -> ()
      "tpu.region"() ({
        %run_scoped3A = tpu.sem_alloc : memref<!tpu.dma_semaphore, #tpu.memory_space<semaphore_mem>>
        %dma_start3A = arith.constant 0 : i32
        %dma_start3A_158 = tpu.memref_slice %arg4[%add3A, %dma_start3A] : memref<8x304xi32, #tpu.memory_space<hbm>> -> memref<1x304xi32, #tpu.memory_space<hbm>>
        %dma_start3A_159 = tpu.memref_squeeze %dma_start3A_158 : memref<1x304xi32, #tpu.memory_space<hbm>> -> memref<304xi32, #tpu.memory_space<hbm>>
        %dma_start3A_160 = arith.constant 0 : i32
        %dma_start3A_161 = tpu.memref_slice %arg4[%add3A, %dma_start3A_160] : memref<8x304xi32, #tpu.memory_space<hbm>> -> memref<1x304xi32, #tpu.memory_space<hbm>>
        %dma_start3A_162 = tpu.memref_squeeze %dma_start3A_161 : memref<1x304xi32, #tpu.memory_space<hbm>> -> memref<304xi32, #tpu.memory_space<hbm>>
        tpu.enqueue_dma source(%dma_start3A_162 : memref<304xi32, #tpu.memory_space<hbm>>) target(%arg13 : memref<304xi32, #tpu.memory_space<vmem>>) target_semaphore(%run_scoped3A : memref<!tpu.dma_semaphore, #tpu.memory_space<semaphore_mem>>)
        %dma_wait3A = arith.constant 0 : i32
        %dma_wait3A_163 = tpu.memref_slice %arg4[%add3A, %dma_wait3A] : memref<8x304xi32, #tpu.memory_space<hbm>> -> memref<1x304xi32, #tpu.memory_space<hbm>>
        %dma_wait3A_164 = tpu.memref_squeeze %dma_wait3A_163 : memref<1x304xi32, #tpu.memory_space<hbm>> -> memref<304xi32, #tpu.memory_space<hbm>>
        %dma_wait3A_165 = arith.constant 0 : i32
        %dma_wait3A_166 = tpu.memref_slice %arg4[%add3A, %dma_wait3A_165] : memref<8x304xi32, #tpu.memory_space<hbm>> -> memref<1x304xi32, #tpu.memory_space<hbm>>
        %dma_wait3A_167 = tpu.memref_squeeze %dma_wait3A_166 : memref<1x304xi32, #tpu.memory_space<hbm>> -> memref<304xi32, #tpu.memory_space<hbm>>
        tpu.wait_dma2 semaphore(%run_scoped3A : memref<!tpu.dma_semaphore, #tpu.memory_space<semaphore_mem>>) src(%dma_wait3A_167 : memref<304xi32, #tpu.memory_space<hbm>>) dst(%arg13 : memref<304xi32, #tpu.memory_space<vmem>>)
        tpu.yield
      }) : () -> ()
      %broadcast_in_dim3A = arith.constant 0.000000e+00 : f32
      %broadcast_in_dim3A_3 = vector.broadcast %broadcast_in_dim3A : f32 to vector<16xf32>
      %swap3A = arith.constant 0 : index
      %swap3A_4 = tpu.vector_load %arg12[%swap3A] {strides = array<i32>} : memref<304xf32, #tpu.memory_space<vmem>>, vector<16xf32>,
      tpu.vector_store %arg12[%swap3A], %broadcast_in_dim3A_3 {strides = array<i32>} : memref<304xf32, #tpu.memory_space<vmem>>, vector<16xf32>,
      %broadcast_in_dim3A_5 = arith.constant -1 : i32
      %broadcast_in_dim3A_6 = vector.broadcast %broadcast_in_dim3A_5 : i32 to vector<16xi32>
      %swap3A_7 = arith.constant 0 : index
      %swap3A_8 = tpu.vector_load %arg11[%swap3A_7] {strides = array<i32>} : memref<304xi32, #tpu.memory_space<vmem>>, vector<16xi32>,
      tpu.vector_store %arg11[%swap3A_7], %broadcast_in_dim3A_6 {strides = array<i32>} : memref<304xi32, #tpu.memory_space<vmem>>, vector<16xi32>,
      %broadcast_in_dim3A_9 = arith.constant 0.000000e+00 : f32
      %broadcast_in_dim3A_10 = vector.broadcast %broadcast_in_dim3A_9 : f32 to vector<16xf32>
      %swap3A_11 = arith.constant 16 : index
      %swap3A_12 = tpu.vector_load %arg12[%swap3A_11] {strides = array<i32>} : memref<304xf32, #tpu.memory_space<vmem>>, vector<16xf32>,
      tpu.vector_store %arg12[%swap3A_11], %broadcast_in_dim3A_10 {strides = array<i32>} : memref<304xf32, #tpu.memory_space<vmem>>, vector<16xf32>,
      %broadcast_in_dim3A_13 = arith.constant -1 : i32
      %broadcast_in_dim3A_14 = vector.broadcast %broadcast_in_dim3A_13 : i32 to vector<16xi32>
      %swap3A_15 = arith.constant 16 : index
      %swap3A_16 = tpu.vector_load %arg11[%swap3A_15] {strides = array<i32>} : memref<304xi32, #tpu.memory_space<vmem>>, vector<16xi32>,
      tpu.vector_store %arg11[%swap3A_15], %broadcast_in_dim3A_14 {strides = array<i32>} : memref<304xi32, #tpu.memory_space<vmem>>, vector<16xi32>,
      %broadcast_in_dim3A_17 = arith.constant 0.000000e+00 : f32
      %broadcast_in_dim3A_18 = vector.broadcast %broadcast_in_dim3A_17 : f32 to vector<16xf32>
      %swap3A_19 = arith.constant 32 : index
      %swap3A_20 = tpu.vector_load %arg12[%swap3A_19] {strides = array<i32>} : memref<304xf32, #tpu.memory_space<vmem>>, vector<16xf32>,
      tpu.vector_store %arg12[%swap3A_19], %broadcast_in_dim3A_18 {strides = array<i32>} : memref<304xf32, #tpu.memory_space<vmem>>, vector<16xf32>,
      %broadcast_in_dim3A_21 = arith.constant -1 : i32
      %broadcast_in_dim3A_22 = vector.broadcast %broadcast_in_dim3A_21 : i32 to vector<16xi32>
      %swap3A_23 = arith.constant 32 : index
      %swap3A_24 = tpu.vector_load %arg11[%swap3A_23] {strides = array<i32>} : memref<304xi32, #tpu.memory_space<vmem>>, vector<16xi32>,
      tpu.vector_store %arg11[%swap3A_23], %broadcast_in_dim3A_22 {strides = array<i32>} : memref<304xi32, #tpu.memory_space<vmem>>, vector<16xi32>,
      %broadcast_in_dim3A_25 = arith.constant 0.000000e+00 : f32
      %broadcast_in_dim3A_26 = vector.broadcast %broadcast_in_dim3A_25 : f32 to vector<16xf32>
      %swap3A_27 = arith.constant 48 : index
      %swap3A_28 = tpu.vector_load %arg12[%swap3A_27] {strides = array<i32>} : memref<304xf32, #tpu.memory_space<vmem>>, vector<16xf32>,
      tpu.vector_store %arg12[%swap3A_27], %broadcast_in_dim3A_26 {strides = array<i32>} : memref<304xf32, #tpu.memory_space<vmem>>, vector<16xf32>,
      %broadcast_in_dim3A_29 = arith.constant -1 : i32
      %broadcast_in_dim3A_30 = vector.broadcast %broadcast_in_dim3A_29 : i32 to vector<16xi32>
      %swap3A_31 = arith.constant 48 : index
      %swap3A_32 = tpu.vector_load %arg11[%swap3A_31] {strides = array<i32>} : memref<304xi32, #tpu.memory_space<vmem>>, vector<16xi32>,
      tpu.vector_store %arg11[%swap3A_31], %broadcast_in_dim3A_30 {strides = array<i32>} : memref<304xi32, #tpu.memory_space<vmem>>, vector<16xi32>,
      %broadcast_in_dim3A_33 = arith.constant 0.000000e+00 : f32
      %broadcast_in_dim3A_34 = vector.broadcast %broadcast_in_dim3A_33 : f32 to vector<16xf32>
      %swap3A_35 = arith.constant 64 : index
      %swap3A_36 = tpu.vector_load %arg12[%swap3A_35] {strides = array<i32>} : memref<304xf32, #tpu.memory_space<vmem>>, vector<16xf32>,
      tpu.vector_store %arg12[%swap3A_35], %broadcast_in_dim3A_34 {strides = array<i32>} : memref<304xf32, #tpu.memory_space<vmem>>, vector<16xf32>,
      %broadcast_in_dim3A_37 = arith.constant -1 : i32
      %broadcast_in_dim3A_38 = vector.broadcast %broadcast_in_dim3A_37 : i32 to vector<16xi32>
      %swap3A_39 = arith.constant 64 : index
      %swap3A_40 = tpu.vector_load %arg11[%swap3A_39] {strides = array<i32>} : memref<304xi32, #tpu.memory_space<vmem>>, vector<16xi32>,
      tpu.vector_store %arg11[%swap3A_39], %broadcast_in_dim3A_38 {strides = array<i32>} : memref<304xi32, #tpu.memory_space<vmem>>, vector<16xi32>,
      %broadcast_in_dim3A_41 = arith.constant 0.000000e+00 : f32
      %broadcast_in_dim3A_42 = vector.broadcast %broadcast_in_dim3A_41 : f32 to vector<16xf32>
      %swap3A_43 = arith.constant 80 : index
      %swap3A_44 = tpu.vector_load %arg12[%swap3A_43] {strides = array<i32>} : memref<304xf32, #tpu.memory_space<vmem>>, vector<16xf32>,
      tpu.vector_store %arg12[%swap3A_43], %broadcast_in_dim3A_42 {strides = array<i32>} : memref<304xf32, #tpu.memory_space<vmem>>, vector<16xf32>,
      %broadcast_in_dim3A_45 = arith.constant -1 : i32
      %broadcast_in_dim3A_46 = vector.broadcast %broadcast_in_dim3A_45 : i32 to vector<16xi32>
      %swap3A_47 = arith.constant 80 : index
      %swap3A_48 = tpu.vector_load %arg11[%swap3A_47] {strides = array<i32>} : memref<304xi32, #tpu.memory_space<vmem>>, vector<16xi32>,
      tpu.vector_store %arg11[%swap3A_47], %broadcast_in_dim3A_46 {strides = array<i32>} : memref<304xi32, #tpu.memory_space<vmem>>, vector<16xi32>,
      %broadcast_in_dim3A_49 = arith.constant 0.000000e+00 : f32
      %broadcast_in_dim3A_50 = vector.broadcast %broadcast_in_dim3A_49 : f32 to vector<16xf32>
      %swap3A_51 = arith.constant 96 : index
      %swap3A_52 = tpu.vector_load %arg12[%swap3A_51] {strides = array<i32>} : memref<304xf32, #tpu.memory_space<vmem>>, vector<16xf32>,
      tpu.vector_store %arg12[%swap3A_51], %broadcast_in_dim3A_50 {strides = array<i32>} : memref<304xf32, #tpu.memory_space<vmem>>, vector<16xf32>,
      %broadcast_in_dim3A_53 = arith.constant -1 : i32
      %broadcast_in_dim3A_54 = vector.broadcast %broadcast_in_dim3A_53 : i32 to vector<16xi32>
      %swap3A_55 = arith.constant 96 : index
      %swap3A_56 = tpu.vector_load %arg11[%swap3A_55] {strides = array<i32>} : memref<304xi32, #tpu.memory_space<vmem>>, vector<16xi32>,
      tpu.vector_store %arg11[%swap3A_55], %broadcast_in_dim3A_54 {strides = array<i32>} : memref<304xi32, #tpu.memory_space<vmem>>, vector<16xi32>,
      %broadcast_in_dim3A_57 = arith.constant 0.000000e+00 : f32
      %broadcast_in_dim3A_58 = vector.broadcast %broadcast_in_dim3A_57 : f32 to vector<16xf32>
      %swap3A_59 = arith.constant 112 : index
      %swap3A_60 = tpu.vector_load %arg12[%swap3A_59] {strides = array<i32>} : memref<304xf32, #tpu.memory_space<vmem>>, vector<16xf32>,
      tpu.vector_store %arg12[%swap3A_59], %broadcast_in_dim3A_58 {strides = array<i32>} : memref<304xf32, #tpu.memory_space<vmem>>, vector<16xf32>,
      %broadcast_in_dim3A_61 = arith.constant -1 : i32
      %broadcast_in_dim3A_62 = vector.broadcast %broadcast_in_dim3A_61 : i32 to vector<16xi32>
      %swap3A_63 = arith.constant 112 : index
      %swap3A_64 = tpu.vector_load %arg11[%swap3A_63] {strides = array<i32>} : memref<304xi32, #tpu.memory_space<vmem>>, vector<16xi32>,
      tpu.vector_store %arg11[%swap3A_63], %broadcast_in_dim3A_62 {strides = array<i32>} : memref<304xi32, #tpu.memory_space<vmem>>, vector<16xi32>,
      %broadcast_in_dim3A_65 = arith.constant 0.000000e+00 : f32
      %broadcast_in_dim3A_66 = vector.broadcast %broadcast_in_dim3A_65 : f32 to vector<16xf32>
      %swap3A_67 = arith.constant 128 : index
      %swap3A_68 = tpu.vector_load %arg12[%swap3A_67] {strides = array<i32>} : memref<304xf32, #tpu.memory_space<vmem>>, vector<16xf32>,
      tpu.vector_store %arg12[%swap3A_67], %broadcast_in_dim3A_66 {strides = array<i32>} : memref<304xf32, #tpu.memory_space<vmem>>, vector<16xf32>,
      %broadcast_in_dim3A_69 = arith.constant -1 : i32
      %broadcast_in_dim3A_70 = vector.broadcast %broadcast_in_dim3A_69 : i32 to vector<16xi32>
      %swap3A_71 = arith.constant 128 : index
      %swap3A_72 = tpu.vector_load %arg11[%swap3A_71] {strides = array<i32>} : memref<304xi32, #tpu.memory_space<vmem>>, vector<16xi32>,
      tpu.vector_store %arg11[%swap3A_71], %broadcast_in_dim3A_70 {strides = array<i32>} : memref<304xi32, #tpu.memory_space<vmem>>, vector<16xi32>,
      %broadcast_in_dim3A_73 = arith.constant 0.000000e+00 : f32
      %broadcast_in_dim3A_74 = vector.broadcast %broadcast_in_dim3A_73 : f32 to vector<16xf32>
      %swap3A_75 = arith.constant 144 : index
      %swap3A_76 = tpu.vector_load %arg12[%swap3A_75] {strides = array<i32>} : memref<304xf32, #tpu.memory_space<vmem>>, vector<16xf32>,
      tpu.vector_store %arg12[%swap3A_75], %broadcast_in_dim3A_74 {strides = array<i32>} : memref<304xf32, #tpu.memory_space<vmem>>, vector<16xf32>,
      %broadcast_in_dim3A_77 = arith.constant -1 : i32
      %broadcast_in_dim3A_78 = vector.broadcast %broadcast_in_dim3A_77 : i32 to vector<16xi32>
      %swap3A_79 = arith.constant 144 : index
      %swap3A_80 = tpu.vector_load %arg11[%swap3A_79] {strides = array<i32>} : memref<304xi32, #tpu.memory_space<vmem>>, vector<16xi32>,
      tpu.vector_store %arg11[%swap3A_79], %broadcast_in_dim3A_78 {strides = array<i32>} : memref<304xi32, #tpu.memory_space<vmem>>, vector<16xi32>,
      %broadcast_in_dim3A_81 = arith.constant 0.000000e+00 : f32
      %broadcast_in_dim3A_82 = vector.broadcast %broadcast_in_dim3A_81 : f32 to vector<16xf32>
      %swap3A_83 = arith.constant 160 : index
      %swap3A_84 = tpu.vector_load %arg12[%swap3A_83] {strides = array<i32>} : memref<304xf32, #tpu.memory_space<vmem>>, vector<16xf32>,
      tpu.vector_store %arg12[%swap3A_83], %broadcast_in_dim3A_82 {strides = array<i32>} : memref<304xf32, #tpu.memory_space<vmem>>, vector<16xf32>,
      %broadcast_in_dim3A_85 = arith.constant -1 : i32
      %broadcast_in_dim3A_86 = vector.broadcast %broadcast_in_dim3A_85 : i32 to vector<16xi32>
      %swap3A_87 = arith.constant 160 : index
      %swap3A_88 = tpu.vector_load %arg11[%swap3A_87] {strides = array<i32>} : memref<304xi32, #tpu.memory_space<vmem>>, vector<16xi32>,
      tpu.vector_store %arg11[%swap3A_87], %broadcast_in_dim3A_86 {strides = array<i32>} : memref<304xi32, #tpu.memory_space<vmem>>, vector<16xi32>,
      %broadcast_in_dim3A_89 = arith.constant 0.000000e+00 : f32
      %broadcast_in_dim3A_90 = vector.broadcast %broadcast_in_dim3A_89 : f32 to vector<16xf32>
      %swap3A_91 = arith.constant 176 : index
      %swap3A_92 = tpu.vector_load %arg12[%swap3A_91] {strides = array<i32>} : memref<304xf32, #tpu.memory_space<vmem>>, vector<16xf32>,
      tpu.vector_store %arg12[%swap3A_91], %broadcast_in_dim3A_90 {strides = array<i32>} : memref<304xf32, #tpu.memory_space<vmem>>, vector<16xf32>,
      %broadcast_in_dim3A_93 = arith.constant -1 : i32
      %broadcast_in_dim3A_94 = vector.broadcast %broadcast_in_dim3A_93 : i32 to vector<16xi32>
      %swap3A_95 = arith.constant 176 : index
      %swap3A_96 = tpu.vector_load %arg11[%swap3A_95] {strides = array<i32>} : memref<304xi32, #tpu.memory_space<vmem>>, vector<16xi32>,
      tpu.vector_store %arg11[%swap3A_95], %broadcast_in_dim3A_94 {strides = array<i32>} : memref<304xi32, #tpu.memory_space<vmem>>, vector<16xi32>,
      %broadcast_in_dim3A_97 = arith.constant 0.000000e+00 : f32
      %broadcast_in_dim3A_98 = vector.broadcast %broadcast_in_dim3A_97 : f32 to vector<16xf32>
      %swap3A_99 = arith.constant 192 : index
      %swap3A_100 = tpu.vector_load %arg12[%swap3A_99] {strides = array<i32>} : memref<304xf32, #tpu.memory_space<vmem>>, vector<16xf32>,
      tpu.vector_store %arg12[%swap3A_99], %broadcast_in_dim3A_98 {strides = array<i32>} : memref<304xf32, #tpu.memory_space<vmem>>, vector<16xf32>,
      %broadcast_in_dim3A_101 = arith.constant -1 : i32
      %broadcast_in_dim3A_102 = vector.broadcast %broadcast_in_dim3A_101 : i32 to vector<16xi32>
      %swap3A_103 = arith.constant 192 : index
      %swap3A_104 = tpu.vector_load %arg11[%swap3A_103] {strides = array<i32>} : memref<304xi32, #tpu.memory_space<vmem>>, vector<16xi32>,
      tpu.vector_store %arg11[%swap3A_103], %broadcast_in_dim3A_102 {strides = array<i32>} : memref<304xi32, #tpu.memory_space<vmem>>, vector<16xi32>,
      %broadcast_in_dim3A_105 = arith.constant 0.000000e+00 : f32
      %broadcast_in_dim3A_106 = vector.broadcast %broadcast_in_dim3A_105 : f32 to vector<16xf32>
      %swap3A_107 = arith.constant 208 : index
      %swap3A_108 = tpu.vector_load %arg12[%swap3A_107] {strides = array<i32>} : memref<304xf32, #tpu.memory_space<vmem>>, vector<16xf32>,
      tpu.vector_store %arg12[%swap3A_107], %broadcast_in_dim3A_106 {strides = array<i32>} : memref<304xf32, #tpu.memory_space<vmem>>, vector<16xf32>,
      %broadcast_in_dim3A_109 = arith.constant -1 : i32
      %broadcast_in_dim3A_110 = vector.broadcast %broadcast_in_dim3A_109 : i32 to vector<16xi32>
      %swap3A_111 = arith.constant 208 : index
      %swap3A_112 = tpu.vector_load %arg11[%swap3A_111] {strides = array<i32>} : memref<304xi32, #tpu.memory_space<vmem>>, vector<16xi32>,
      tpu.vector_store %arg11[%swap3A_111], %broadcast_in_dim3A_110 {strides = array<i32>} : memref<304xi32, #tpu.memory_space<vmem>>, vector<16xi32>,
      %broadcast_in_dim3A_113 = arith.constant 0.000000e+00 : f32
      %broadcast_in_dim3A_114 = vector.broadcast %broadcast_in_dim3A_113 : f32 to vector<16xf32>
      %swap3A_115 = arith.constant 224 : index
      %swap3A_116 = tpu.vector_load %arg12[%swap3A_115] {strides = array<i32>} : memref<304xf32, #tpu.memory_space<vmem>>, vector<16xf32>,
      tpu.vector_store %arg12[%swap3A_115], %broadcast_in_dim3A_114 {strides = array<i32>} : memref<304xf32, #tpu.memory_space<vmem>>, vector<16xf32>,
      %broadcast_in_dim3A_117 = arith.constant -1 : i32
      %broadcast_in_dim3A_118 = vector.broadcast %broadcast_in_dim3A_117 : i32 to vector<16xi32>
      %swap3A_119 = arith.constant 224 : index
      %swap3A_120 = tpu.vector_load %arg11[%swap3A_119] {strides = array<i32>} : memref<304xi32, #tpu.memory_space<vmem>>, vector<16xi32>,
      tpu.vector_store %arg11[%swap3A_119], %broadcast_in_dim3A_118 {strides = array<i32>} : memref<304xi32, #tpu.memory_space<vmem>>, vector<16xi32>,
      %broadcast_in_dim3A_121 = arith.constant 0.000000e+00 : f32
      %broadcast_in_dim3A_122 = vector.broadcast %broadcast_in_dim3A_121 : f32 to vector<16xf32>
      %swap3A_123 = arith.constant 240 : index
      %swap3A_124 = tpu.vector_load %arg12[%swap3A_123] {strides = array<i32>} : memref<304xf32, #tpu.memory_space<vmem>>, vector<16xf32>,
      tpu.vector_store %arg12[%swap3A_123], %broadcast_in_dim3A_122 {strides = array<i32>} : memref<304xf32, #tpu.memory_space<vmem>>, vector<16xf32>,
      %broadcast_in_dim3A_125 = arith.constant -1 : i32
      %broadcast_in_dim3A_126 = vector.broadcast %broadcast_in_dim3A_125 : i32 to vector<16xi32>
      %swap3A_127 = arith.constant 240 : index
      %swap3A_128 = tpu.vector_load %arg11[%swap3A_127] {strides = array<i32>} : memref<304xi32, #tpu.memory_space<vmem>>, vector<16xi32>,
      tpu.vector_store %arg11[%swap3A_127], %broadcast_in_dim3A_126 {strides = array<i32>} : memref<304xi32, #tpu.memory_space<vmem>>, vector<16xi32>,
      %broadcast_in_dim3A_129 = arith.constant 0.000000e+00 : f32
      %broadcast_in_dim3A_130 = vector.broadcast %broadcast_in_dim3A_129 : f32 to vector<16xf32>
      %swap3A_131 = arith.constant 256 : index
      %swap3A_132 = tpu.vector_load %arg12[%swap3A_131] {strides = array<i32>} : memref<304xf32, #tpu.memory_space<vmem>>, vector<16xf32>,
      tpu.vector_store %arg12[%swap3A_131], %broadcast_in_dim3A_130 {strides = array<i32>} : memref<304xf32, #tpu.memory_space<vmem>>, vector<16xf32>,
      %broadcast_in_dim3A_133 = arith.constant -1 : i32
      %broadcast_in_dim3A_134 = vector.broadcast %broadcast_in_dim3A_133 : i32 to vector<16xi32>
      %swap3A_135 = arith.constant 256 : index
      %swap3A_136 = tpu.vector_load %arg11[%swap3A_135] {strides = array<i32>} : memref<304xi32, #tpu.memory_space<vmem>>, vector<16xi32>,
      tpu.vector_store %arg11[%swap3A_135], %broadcast_in_dim3A_134 {strides = array<i32>} : memref<304xi32, #tpu.memory_space<vmem>>, vector<16xi32>,
      %broadcast_in_dim3A_137 = arith.constant 0.000000e+00 : f32
      %broadcast_in_dim3A_138 = vector.broadcast %broadcast_in_dim3A_137 : f32 to vector<16xf32>
      %swap3A_139 = arith.constant 272 : index
      %swap3A_140 = tpu.vector_load %arg12[%swap3A_139] {strides = array<i32>} : memref<304xf32, #tpu.memory_space<vmem>>, vector<16xf32>,
      tpu.vector_store %arg12[%swap3A_139], %broadcast_in_dim3A_138 {strides = array<i32>} : memref<304xf32, #tpu.memory_space<vmem>>, vector<16xf32>,
      %broadcast_in_dim3A_141 = arith.constant -1 : i32
      %broadcast_in_dim3A_142 = vector.broadcast %broadcast_in_dim3A_141 : i32 to vector<16xi32>
      %swap3A_143 = arith.constant 272 : index
      %swap3A_144 = tpu.vector_load %arg11[%swap3A_143] {strides = array<i32>} : memref<304xi32, #tpu.memory_space<vmem>>, vector<16xi32>,
      tpu.vector_store %arg11[%swap3A_143], %broadcast_in_dim3A_142 {strides = array<i32>} : memref<304xi32, #tpu.memory_space<vmem>>, vector<16xi32>,
      %broadcast_in_dim3A_145 = arith.constant 0.000000e+00 : f32
      %broadcast_in_dim3A_146 = vector.broadcast %broadcast_in_dim3A_145 : f32 to vector<16xf32>
      %swap3A_147 = arith.constant 288 : index
      %swap3A_148 = tpu.vector_load %arg12[%swap3A_147] {strides = array<i32>} : memref<304xf32, #tpu.memory_space<vmem>>, vector<16xf32>,
      tpu.vector_store %arg12[%swap3A_147], %broadcast_in_dim3A_146 {strides = array<i32>} : memref<304xf32, #tpu.memory_space<vmem>>, vector<16xf32>,
      %broadcast_in_dim3A_149 = arith.constant -1 : i32
      %broadcast_in_dim3A_150 = vector.broadcast %broadcast_in_dim3A_149 : i32 to vector<16xi32>
      %swap3A_151 = arith.constant 288 : index
      %swap3A_152 = tpu.vector_load %arg11[%swap3A_151] {strides = array<i32>} : memref<304xi32, #tpu.memory_space<vmem>>, vector<16xi32>,
      tpu.vector_store %arg11[%swap3A_151], %broadcast_in_dim3A_150 {strides = array<i32>} : memref<304xi32, #tpu.memory_space<vmem>>, vector<16xi32>,
      %scan3A = arith.constant 0 : i32
      %scan3A_153 = arith.constant 0 : i32
      %scan3A_154 = arith.constant 300 : i32
      %scan3A_155 = arith.addi %scan3A_153, %scan3A_154 : i32
      %scan3A_156 = arith.constant 1 : i32
      scf.for %scan3A_158 = %scan3A_153 to %scan3A_155 step %scan3A_156  : i32 {
        %broadcast_in_dim3A_159 = vector.broadcast %scan3A_158 : i32 to vector<16xi32>
        %gather3A = tpu.vector_load_idx %arg13[%broadcast_in_dim3A_159] : memref<304xi32, #tpu.memory_space<vmem>>[vector<16xi32>], vector<16xi32>,
        %reduce_min3A = arith.constant true
        %reduce_min3A_160 = vector.broadcast %reduce_min3A : i1 to vector<16xi1>
        %reduce_min3A_161 = arith.constant -2147483648 : i32
        %reduce_min3A_162 = vector.broadcast %reduce_min3A_161 : i32 to vector<16xi32>
        %reduce_min3A_163 = arith.xori %gather3A, %reduce_min3A_162 : vector<16xi32>
        %reduce_min3A_164 = tpu.scan <min>, %reduce_min3A_163 masked %reduce_min3A_160 : vector<16xi32>, vector<16xi1> -> vector<16xi32>
        %reduce_min3A_165 = arith.xori %reduce_min3A_164, %reduce_min3A_162 : vector<16xi32>
        %reduce_min3A_166 = vector.extract %reduce_min3A_165[15] : i32 from vector<16xi32>
        %gt3A = arith.constant 0 : i32
        %gt3A_167 = arith.cmpi sgt, %reduce_min3A_166, %gt3A : i32
        %convert_element_type3A_168 = arith.extui %gt3A_167 : i1 to i32
        %cond3A_169 = arith.constant 0 : i32
        %cond3A_170 = arith.cmpi ne, %convert_element_type3A_168, %cond3A_169 : i32
        scf.if %cond3A_170 {
          %iota3A = tpu.iota {dimensions = array<i32: 0>} : vector<16xi32>
          %broadcast_in_dim3A_171 = arith.constant 3.000000e+38 : f32
          %broadcast_in_dim3A_172 = vector.broadcast %broadcast_in_dim3A_171 : f32 to vector<16xf32>
          %swap3A_173 = arith.constant 0 : index
          %swap3A_174 = tpu.vector_load %arg9[%swap3A_173] {strides = array<i32>} : memref<304xf32, #tpu.memory_space<vmem>>, vector<16xf32>,
          tpu.vector_store %arg9[%swap3A_173], %broadcast_in_dim3A_172 {strides = array<i32>} : memref<304xf32, #tpu.memory_space<vmem>>, vector<16xf32>,
          %get3A = arith.constant 0 : index
          %get3A_175 = tpu.vector_load %arg7[%get3A] {strides = array<i32>} : memref<304xf32, #tpu.memory_space<vmem>>, vector<16xf32>,
          %swap3A_176 = arith.constant 0 : index
          %swap3A_177 = tpu.vector_load %arg8[%swap3A_176] {strides = array<i32>} : memref<304xf32, #tpu.memory_space<vmem>>, vector<16xf32>,
          tpu.vector_store %arg8[%swap3A_176], %get3A_175 {strides = array<i32>} : memref<304xf32, #tpu.memory_space<vmem>>, vector<16xf32>,
          %broadcast_in_dim3A_178 = arith.constant 3.000000e+38 : f32
          %broadcast_in_dim3A_179 = vector.broadcast %broadcast_in_dim3A_178 : f32 to vector<16xf32>
          %swap3A_180 = arith.constant 16 : index
          %swap3A_181 = tpu.vector_load %arg9[%swap3A_180] {strides = array<i32>} : memref<304xf32, #tpu.memory_space<vmem>>, vector<16xf32>,
          tpu.vector_store %arg9[%swap3A_180], %broadcast_in_dim3A_179 {strides = array<i32>} : memref<304xf32, #tpu.memory_space<vmem>>, vector<16xf32>,
          %get3A_182 = arith.constant 16 : index
          %get3A_183 = tpu.vector_load %arg7[%get3A_182] {strides = array<i32>} : memref<304xf32, #tpu.memory_space<vmem>>, vector<16xf32>,
          %swap3A_184 = arith.constant 16 : index
          %swap3A_185 = tpu.vector_load %arg8[%swap3A_184] {strides = array<i32>} : memref<304xf32, #tpu.memory_space<vmem>>, vector<16xf32>,
          tpu.vector_store %arg8[%swap3A_184], %get3A_183 {strides = array<i32>} : memref<304xf32, #tpu.memory_space<vmem>>, vector<16xf32>,
          %broadcast_in_dim3A_186 = arith.constant 3.000000e+38 : f32
          %broadcast_in_dim3A_187 = vector.broadcast %broadcast_in_dim3A_186 : f32 to vector<16xf32>
          %swap3A_188 = arith.constant 32 : index
          %swap3A_189 = tpu.vector_load %arg9[%swap3A_188] {strides = array<i32>} : memref<304xf32, #tpu.memory_space<vmem>>, vector<16xf32>,
          tpu.vector_store %arg9[%swap3A_188], %broadcast_in_dim3A_187 {strides = array<i32>} : memref<304xf32, #tpu.memory_space<vmem>>, vector<16xf32>,
          %get3A_190 = arith.constant 32 : index
          %get3A_191 = tpu.vector_load %arg7[%get3A_190] {strides = array<i32>} : memref<304xf32, #tpu.memory_space<vmem>>, vector<16xf32>,
          %swap3A_192 = arith.constant 32 : index
          %swap3A_193 = tpu.vector_load %arg8[%swap3A_192] {strides = array<i32>} : memref<304xf32, #tpu.memory_space<vmem>>, vector<16xf32>,
          tpu.vector_store %arg8[%swap3A_192], %get3A_191 {strides = array<i32>} : memref<304xf32, #tpu.memory_space<vmem>>, vector<16xf32>,
          %broadcast_in_dim3A_194 = arith.constant 3.000000e+38 : f32
          %broadcast_in_dim3A_195 = vector.broadcast %broadcast_in_dim3A_194 : f32 to vector<16xf32>
          %swap3A_196 = arith.constant 48 : index
          %swap3A_197 = tpu.vector_load %arg9[%swap3A_196] {strides = array<i32>} : memref<304xf32, #tpu.memory_space<vmem>>, vector<16xf32>,
          tpu.vector_store %arg9[%swap3A_196], %broadcast_in_dim3A_195 {strides = array<i32>} : memref<304xf32, #tpu.memory_space<vmem>>, vector<16xf32>,
          %get3A_198 = arith.constant 48 : index
          %get3A_199 = tpu.vector_load %arg7[%get3A_198] {strides = array<i32>} : memref<304xf32, #tpu.memory_space<vmem>>, vector<16xf32>,
          %swap3A_200 = arith.constant 48 : index
          %swap3A_201 = tpu.vector_load %arg8[%swap3A_200] {strides = array<i32>} : memref<304xf32, #tpu.memory_space<vmem>>, vector<16xf32>,
          tpu.vector_store %arg8[%swap3A_200], %get3A_199 {strides = array<i32>} : memref<304xf32, #tpu.memory_space<vmem>>, vector<16xf32>,
          %broadcast_in_dim3A_202 = arith.constant 3.000000e+38 : f32
          %broadcast_in_dim3A_203 = vector.broadcast %broadcast_in_dim3A_202 : f32 to vector<16xf32>
          %swap3A_204 = arith.constant 64 : index
          %swap3A_205 = tpu.vector_load %arg9[%swap3A_204] {strides = array<i32>} : memref<304xf32, #tpu.memory_space<vmem>>, vector<16xf32>,
          tpu.vector_store %arg9[%swap3A_204], %broadcast_in_dim3A_203 {strides = array<i32>} : memref<304xf32, #tpu.memory_space<vmem>>, vector<16xf32>,
          %get3A_206 = arith.constant 64 : index
          %get3A_207 = tpu.vector_load %arg7[%get3A_206] {strides = array<i32>} : memref<304xf32, #tpu.memory_space<vmem>>, vector<16xf32>,
          %swap3A_208 = arith.constant 64 : index
          %swap3A_209 = tpu.vector_load %arg8[%swap3A_208] {strides = array<i32>} : memref<304xf32, #tpu.memory_space<vmem>>, vector<16xf32>,
          tpu.vector_store %arg8[%swap3A_208], %get3A_207 {strides = array<i32>} : memref<304xf32, #tpu.memory_space<vmem>>, vector<16xf32>,
          %broadcast_in_dim3A_210 = arith.constant 3.000000e+38 : f32
          %broadcast_in_dim3A_211 = vector.broadcast %broadcast_in_dim3A_210 : f32 to vector<16xf32>
          %swap3A_212 = arith.constant 80 : index
          %swap3A_213 = tpu.vector_load %arg9[%swap3A_212] {strides = array<i32>} : memref<304xf32, #tpu.memory_space<vmem>>, vector<16xf32>,
          tpu.vector_store %arg9[%swap3A_212], %broadcast_in_dim3A_211 {strides = array<i32>} : memref<304xf32, #tpu.memory_space<vmem>>, vector<16xf32>,
          %get3A_214 = arith.constant 80 : index
          %get3A_215 = tpu.vector_load %arg7[%get3A_214] {strides = array<i32>} : memref<304xf32, #tpu.memory_space<vmem>>, vector<16xf32>,
          %swap3A_216 = arith.constant 80 : index
          %swap3A_217 = tpu.vector_load %arg8[%swap3A_216] {strides = array<i32>} : memref<304xf32, #tpu.memory_space<vmem>>, vector<16xf32>,
          tpu.vector_store %arg8[%swap3A_216], %get3A_215 {strides = array<i32>} : memref<304xf32, #tpu.memory_space<vmem>>, vector<16xf32>,
          %broadcast_in_dim3A_218 = arith.constant 3.000000e+38 : f32
          %broadcast_in_dim3A_219 = vector.broadcast %broadcast_in_dim3A_218 : f32 to vector<16xf32>
          %swap3A_220 = arith.constant 96 : index
          %swap3A_221 = tpu.vector_load %arg9[%swap3A_220] {strides = array<i32>} : memref<304xf32, #tpu.memory_space<vmem>>, vector<16xf32>,
          tpu.vector_store %arg9[%swap3A_220], %broadcast_in_dim3A_219 {strides = array<i32>} : memref<304xf32, #tpu.memory_space<vmem>>, vector<16xf32>,
          %get3A_222 = arith.constant 96 : index
          %get3A_223 = tpu.vector_load %arg7[%get3A_222] {strides = array<i32>} : memref<304xf32, #tpu.memory_space<vmem>>, vector<16xf32>,
          %swap3A_224 = arith.constant 96 : index
          %swap3A_225 = tpu.vector_load %arg8[%swap3A_224] {strides = array<i32>} : memref<304xf32, #tpu.memory_space<vmem>>, vector<16xf32>,
          tpu.vector_store %arg8[%swap3A_224], %get3A_223 {strides = array<i32>} : memref<304xf32, #tpu.memory_space<vmem>>, vector<16xf32>,
          %broadcast_in_dim3A_226 = arith.constant 3.000000e+38 : f32
          %broadcast_in_dim3A_227 = vector.broadcast %broadcast_in_dim3A_226 : f32 to vector<16xf32>
          %swap3A_228 = arith.constant 112 : index
          %swap3A_229 = tpu.vector_load %arg9[%swap3A_228] {strides = array<i32>} : memref<304xf32, #tpu.memory_space<vmem>>, vector<16xf32>,
          tpu.vector_store %arg9[%swap3A_228], %broadcast_in_dim3A_227 {strides = array<i32>} : memref<304xf32, #tpu.memory_space<vmem>>, vector<16xf32>,
          %get3A_230 = arith.constant 112 : index
          %get3A_231 = tpu.vector_load %arg7[%get3A_230] {strides = array<i32>} : memref<304xf32, #tpu.memory_space<vmem>>, vector<16xf32>,
          %swap3A_232 = arith.constant 112 : index
          %swap3A_233 = tpu.vector_load %arg8[%swap3A_232] {strides = array<i32>} : memref<304xf32, #tpu.memory_space<vmem>>, vector<16xf32>,
          tpu.vector_store %arg8[%swap3A_232], %get3A_231 {strides = array<i32>} : memref<304xf32, #tpu.memory_space<vmem>>, vector<16xf32>,
          %broadcast_in_dim3A_234 = arith.constant 3.000000e+38 : f32
          %broadcast_in_dim3A_235 = vector.broadcast %broadcast_in_dim3A_234 : f32 to vector<16xf32>
          %swap3A_236 = arith.constant 128 : index
          %swap3A_237 = tpu.vector_load %arg9[%swap3A_236] {strides = array<i32>} : memref<304xf32, #tpu.memory_space<vmem>>, vector<16xf32>,
          tpu.vector_store %arg9[%swap3A_236], %broadcast_in_dim3A_235 {strides = array<i32>} : memref<304xf32, #tpu.memory_space<vmem>>, vector<16xf32>,
          %get3A_238 = arith.constant 128 : index
          %get3A_239 = tpu.vector_load %arg7[%get3A_238] {strides = array<i32>} : memref<304xf32, #tpu.memory_space<vmem>>, vector<16xf32>,
          %swap3A_240 = arith.constant 128 : index
          %swap3A_241 = tpu.vector_load %arg8[%swap3A_240] {strides = array<i32>} : memref<304xf32, #tpu.memory_space<vmem>>, vector<16xf32>,
          tpu.vector_store %arg8[%swap3A_240], %get3A_239 {strides = array<i32>} : memref<304xf32, #tpu.memory_space<vmem>>, vector<16xf32>,
          %broadcast_in_dim3A_242 = arith.constant 3.000000e+38 : f32
          %broadcast_in_dim3A_243 = vector.broadcast %broadcast_in_dim3A_242 : f32 to vector<16xf32>
          %swap3A_244 = arith.constant 144 : index
          %swap3A_245 = tpu.vector_load %arg9[%swap3A_244] {strides = array<i32>} : memref<304xf32, #tpu.memory_space<vmem>>, vector<16xf32>,
          tpu.vector_store %arg9[%swap3A_244], %broadcast_in_dim3A_243 {strides = array<i32>} : memref<304xf32, #tpu.memory_space<vmem>>, vector<16xf32>,
          %get3A_246 = arith.constant 144 : index
          %get3A_247 = tpu.vector_load %arg7[%get3A_246] {strides = array<i32>} : memref<304xf32, #tpu.memory_space<vmem>>, vector<16xf32>,
          %swap3A_248 = arith.constant 144 : index
          %swap3A_249 = tpu.vector_load %arg8[%swap3A_248] {strides = array<i32>} : memref<304xf32, #tpu.memory_space<vmem>>, vector<16xf32>,
          tpu.vector_store %arg8[%swap3A_248], %get3A_247 {strides = array<i32>} : memref<304xf32, #tpu.memory_space<vmem>>, vector<16xf32>,
          %broadcast_in_dim3A_250 = arith.constant 3.000000e+38 : f32
          %broadcast_in_dim3A_251 = vector.broadcast %broadcast_in_dim3A_250 : f32 to vector<16xf32>
          %swap3A_252 = arith.constant 160 : index
          %swap3A_253 = tpu.vector_load %arg9[%swap3A_252] {strides = array<i32>} : memref<304xf32, #tpu.memory_space<vmem>>, vector<16xf32>,
          tpu.vector_store %arg9[%swap3A_252], %broadcast_in_dim3A_251 {strides = array<i32>} : memref<304xf32, #tpu.memory_space<vmem>>, vector<16xf32>,
          %get3A_254 = arith.constant 160 : index
          %get3A_255 = tpu.vector_load %arg7[%get3A_254] {strides = array<i32>} : memref<304xf32, #tpu.memory_space<vmem>>, vector<16xf32>,
          %swap3A_256 = arith.constant 160 : index
          %swap3A_257 = tpu.vector_load %arg8[%swap3A_256] {strides = array<i32>} : memref<304xf32, #tpu.memory_space<vmem>>, vector<16xf32>,
          tpu.vector_store %arg8[%swap3A_256], %get3A_255 {strides = array<i32>} : memref<304xf32, #tpu.memory_space<vmem>>, vector<16xf32>,
          %broadcast_in_dim3A_258 = arith.constant 3.000000e+38 : f32
          %broadcast_in_dim3A_259 = vector.broadcast %broadcast_in_dim3A_258 : f32 to vector<16xf32>
          %swap3A_260 = arith.constant 176 : index
          %swap3A_261 = tpu.vector_load %arg9[%swap3A_260] {strides = array<i32>} : memref<304xf32, #tpu.memory_space<vmem>>, vector<16xf32>,
          tpu.vector_store %arg9[%swap3A_260], %broadcast_in_dim3A_259 {strides = array<i32>} : memref<304xf32, #tpu.memory_space<vmem>>, vector<16xf32>,
          %get3A_262 = arith.constant 176 : index
          %get3A_263 = tpu.vector_load %arg7[%get3A_262] {strides = array<i32>} : memref<304xf32, #tpu.memory_space<vmem>>, vector<16xf32>,
          %swap3A_264 = arith.constant 176 : index
          %swap3A_265 = tpu.vector_load %arg8[%swap3A_264] {strides = array<i32>} : memref<304xf32, #tpu.memory_space<vmem>>, vector<16xf32>,
          tpu.vector_store %arg8[%swap3A_264], %get3A_263 {strides = array<i32>} : memref<304xf32, #tpu.memory_space<vmem>>, vector<16xf32>,
          %broadcast_in_dim3A_266 = arith.constant 3.000000e+38 : f32
          %broadcast_in_dim3A_267 = vector.broadcast %broadcast_in_dim3A_266 : f32 to vector<16xf32>
          %swap3A_268 = arith.constant 192 : index
          %swap3A_269 = tpu.vector_load %arg9[%swap3A_268] {strides = array<i32>} : memref<304xf32, #tpu.memory_space<vmem>>, vector<16xf32>,
          tpu.vector_store %arg9[%swap3A_268], %broadcast_in_dim3A_267 {strides = array<i32>} : memref<304xf32, #tpu.memory_space<vmem>>, vector<16xf32>,
          %get3A_270 = arith.constant 192 : index
          %get3A_271 = tpu.vector_load %arg7[%get3A_270] {strides = array<i32>} : memref<304xf32, #tpu.memory_space<vmem>>, vector<16xf32>,
          %swap3A_272 = arith.constant 192 : index
          %swap3A_273 = tpu.vector_load %arg8[%swap3A_272] {strides = array<i32>} : memref<304xf32, #tpu.memory_space<vmem>>, vector<16xf32>,
          tpu.vector_store %arg8[%swap3A_272], %get3A_271 {strides = array<i32>} : memref<304xf32, #tpu.memory_space<vmem>>, vector<16xf32>,
          %broadcast_in_dim3A_274 = arith.constant 3.000000e+38 : f32
          %broadcast_in_dim3A_275 = vector.broadcast %broadcast_in_dim3A_274 : f32 to vector<16xf32>
          %swap3A_276 = arith.constant 208 : index
          %swap3A_277 = tpu.vector_load %arg9[%swap3A_276] {strides = array<i32>} : memref<304xf32, #tpu.memory_space<vmem>>, vector<16xf32>,
          tpu.vector_store %arg9[%swap3A_276], %broadcast_in_dim3A_275 {strides = array<i32>} : memref<304xf32, #tpu.memory_space<vmem>>, vector<16xf32>,
          %get3A_278 = arith.constant 208 : index
          %get3A_279 = tpu.vector_load %arg7[%get3A_278] {strides = array<i32>} : memref<304xf32, #tpu.memory_space<vmem>>, vector<16xf32>,
          %swap3A_280 = arith.constant 208 : index
          %swap3A_281 = tpu.vector_load %arg8[%swap3A_280] {strides = array<i32>} : memref<304xf32, #tpu.memory_space<vmem>>, vector<16xf32>,
          tpu.vector_store %arg8[%swap3A_280], %get3A_279 {strides = array<i32>} : memref<304xf32, #tpu.memory_space<vmem>>, vector<16xf32>,
          %broadcast_in_dim3A_282 = arith.constant 3.000000e+38 : f32
          %broadcast_in_dim3A_283 = vector.broadcast %broadcast_in_dim3A_282 : f32 to vector<16xf32>
          %swap3A_284 = arith.constant 224 : index
          %swap3A_285 = tpu.vector_load %arg9[%swap3A_284] {strides = array<i32>} : memref<304xf32, #tpu.memory_space<vmem>>, vector<16xf32>,
          tpu.vector_store %arg9[%swap3A_284], %broadcast_in_dim3A_283 {strides = array<i32>} : memref<304xf32, #tpu.memory_space<vmem>>, vector<16xf32>,
          %get3A_286 = arith.constant 224 : index
          %get3A_287 = tpu.vector_load %arg7[%get3A_286] {strides = array<i32>} : memref<304xf32, #tpu.memory_space<vmem>>, vector<16xf32>,
          %swap3A_288 = arith.constant 224 : index
          %swap3A_289 = tpu.vector_load %arg8[%swap3A_288] {strides = array<i32>} : memref<304xf32, #tpu.memory_space<vmem>>, vector<16xf32>,
          tpu.vector_store %arg8[%swap3A_288], %get3A_287 {strides = array<i32>} : memref<304xf32, #tpu.memory_space<vmem>>, vector<16xf32>,
          %broadcast_in_dim3A_290 = arith.constant 3.000000e+38 : f32
          %broadcast_in_dim3A_291 = vector.broadcast %broadcast_in_dim3A_290 : f32 to vector<16xf32>
          %swap3A_292 = arith.constant 240 : index
          %swap3A_293 = tpu.vector_load %arg9[%swap3A_292] {strides = array<i32>} : memref<304xf32, #tpu.memory_space<vmem>>, vector<16xf32>,
          tpu.vector_store %arg9[%swap3A_292], %broadcast_in_dim3A_291 {strides = array<i32>} : memref<304xf32, #tpu.memory_space<vmem>>, vector<16xf32>,
          %get3A_294 = arith.constant 240 : index
          %get3A_295 = tpu.vector_load %arg7[%get3A_294] {strides = array<i32>} : memref<304xf32, #tpu.memory_space<vmem>>, vector<16xf32>,
          %swap3A_296 = arith.constant 240 : index
          %swap3A_297 = tpu.vector_load %arg8[%swap3A_296] {strides = array<i32>} : memref<304xf32, #tpu.memory_space<vmem>>, vector<16xf32>,
          tpu.vector_store %arg8[%swap3A_296], %get3A_295 {strides = array<i32>} : memref<304xf32, #tpu.memory_space<vmem>>, vector<16xf32>,
          %broadcast_in_dim3A_298 = arith.constant 3.000000e+38 : f32
          %broadcast_in_dim3A_299 = vector.broadcast %broadcast_in_dim3A_298 : f32 to vector<16xf32>
          %swap3A_300 = arith.constant 256 : index
          %swap3A_301 = tpu.vector_load %arg9[%swap3A_300] {strides = array<i32>} : memref<304xf32, #tpu.memory_space<vmem>>, vector<16xf32>,
          tpu.vector_store %arg9[%swap3A_300], %broadcast_in_dim3A_299 {strides = array<i32>} : memref<304xf32, #tpu.memory_space<vmem>>, vector<16xf32>,
          %get3A_302 = arith.constant 256 : index
          %get3A_303 = tpu.vector_load %arg7[%get3A_302] {strides = array<i32>} : memref<304xf32, #tpu.memory_space<vmem>>, vector<16xf32>,
          %swap3A_304 = arith.constant 256 : index
          %swap3A_305 = tpu.vector_load %arg8[%swap3A_304] {strides = array<i32>} : memref<304xf32, #tpu.memory_space<vmem>>, vector<16xf32>,
          tpu.vector_store %arg8[%swap3A_304], %get3A_303 {strides = array<i32>} : memref<304xf32, #tpu.memory_space<vmem>>, vector<16xf32>,
          %broadcast_in_dim3A_306 = arith.constant 3.000000e+38 : f32
          %broadcast_in_dim3A_307 = vector.broadcast %broadcast_in_dim3A_306 : f32 to vector<16xf32>
          %swap3A_308 = arith.constant 272 : index
          %swap3A_309 = tpu.vector_load %arg9[%swap3A_308] {strides = array<i32>} : memref<304xf32, #tpu.memory_space<vmem>>, vector<16xf32>,
          tpu.vector_store %arg9[%swap3A_308], %broadcast_in_dim3A_307 {strides = array<i32>} : memref<304xf32, #tpu.memory_space<vmem>>, vector<16xf32>,
          %get3A_310 = arith.constant 272 : index
          %get3A_311 = tpu.vector_load %arg7[%get3A_310] {strides = array<i32>} : memref<304xf32, #tpu.memory_space<vmem>>, vector<16xf32>,
          %swap3A_312 = arith.constant 272 : index
          %swap3A_313 = tpu.vector_load %arg8[%swap3A_312] {strides = array<i32>} : memref<304xf32, #tpu.memory_space<vmem>>, vector<16xf32>,
          tpu.vector_store %arg8[%swap3A_312], %get3A_311 {strides = array<i32>} : memref<304xf32, #tpu.memory_space<vmem>>, vector<16xf32>,
          %broadcast_in_dim3A_314 = arith.constant 3.000000e+38 : f32
          %broadcast_in_dim3A_315 = vector.broadcast %broadcast_in_dim3A_314 : f32 to vector<16xf32>
          %swap3A_316 = arith.constant 288 : index
          %swap3A_317 = tpu.vector_load %arg9[%swap3A_316] {strides = array<i32>} : memref<304xf32, #tpu.memory_space<vmem>>, vector<16xf32>,
          tpu.vector_store %arg9[%swap3A_316], %broadcast_in_dim3A_315 {strides = array<i32>} : memref<304xf32, #tpu.memory_space<vmem>>, vector<16xf32>,
          %get3A_318 = arith.constant 288 : index
          %get3A_319 = tpu.vector_load %arg7[%get3A_318] {strides = array<i32>} : memref<304xf32, #tpu.memory_space<vmem>>, vector<16xf32>,
          %swap3A_320 = arith.constant 288 : index
          %swap3A_321 = tpu.vector_load %arg8[%swap3A_320] {strides = array<i32>} : memref<304xf32, #tpu.memory_space<vmem>>, vector<16xf32>,
          tpu.vector_store %arg8[%swap3A_320], %get3A_319 {strides = array<i32>} : memref<304xf32, #tpu.memory_space<vmem>>, vector<16xf32>,
          %broadcast_in_dim3A_322 = vector.broadcast %scan3A_158 : i32 to vector<16xi32>
          %gather3A_323 = tpu.vector_load_idx %arg12[%broadcast_in_dim3A_322] : memref<304xf32, #tpu.memory_space<vmem>>[vector<16xi32>], vector<16xf32>,
          %broadcast_in_dim3A_324 = arith.constant 3.000000e+38 : f32
          %broadcast_in_dim3A_325 = vector.broadcast %broadcast_in_dim3A_324 : f32 to vector<16xf32>
          %broadcast_in_dim3A_326 = arith.constant 3.000000e+38 : f32
          %broadcast_in_dim3A_327 = vector.broadcast %broadcast_in_dim3A_326 : f32 to vector<16xf32>
          %broadcast_in_dim3A_328 = arith.constant 3.000000e+38 : f32
          %broadcast_in_dim3A_329 = vector.broadcast %broadcast_in_dim3A_328 : f32 to vector<16xf32>
          %broadcast_in_dim3A_330 = arith.constant 3.000000e+38 : f32
          %broadcast_in_dim3A_331 = vector.broadcast %broadcast_in_dim3A_330 : f32 to vector<16xf32>
          %broadcast_in_dim3A_332 = arith.constant 3.000000e+38 : f32
          %broadcast_in_dim3A_333 = vector.broadcast %broadcast_in_dim3A_332 : f32 to vector<16xf32>
          %broadcast_in_dim3A_334 = arith.constant 3.000000e+38 : f32
          %broadcast_in_dim3A_335 = vector.broadcast %broadcast_in_dim3A_334 : f32 to vector<16xf32>
          %broadcast_in_dim3A_336 = arith.constant 3.000000e+38 : f32
          %broadcast_in_dim3A_337 = vector.broadcast %broadcast_in_dim3A_336 : f32 to vector<16xf32>
          %broadcast_in_dim3A_338 = arith.constant 3.000000e+38 : f32
          %broadcast_in_dim3A_339 = vector.broadcast %broadcast_in_dim3A_338 : f32 to vector<16xf32>
          %broadcast_in_dim3A_340 = arith.constant 3.000000e+38 : f32
          %broadcast_in_dim3A_341 = vector.broadcast %broadcast_in_dim3A_340 : f32 to vector<16xf32>
          %broadcast_in_dim3A_342 = arith.constant 3.000000e+38 : f32
          %broadcast_in_dim3A_343 = vector.broadcast %broadcast_in_dim3A_342 : f32 to vector<16xf32>
          %broadcast_in_dim3A_344 = arith.constant 3.000000e+38 : f32
          %broadcast_in_dim3A_345 = vector.broadcast %broadcast_in_dim3A_344 : f32 to vector<16xf32>
          %broadcast_in_dim3A_346 = arith.constant 3.000000e+38 : f32
          %broadcast_in_dim3A_347 = vector.broadcast %broadcast_in_dim3A_346 : f32 to vector<16xf32>
          %broadcast_in_dim3A_348 = arith.constant 3.000000e+38 : f32
          %broadcast_in_dim3A_349 = vector.broadcast %broadcast_in_dim3A_348 : f32 to vector<16xf32>
          %broadcast_in_dim3A_350 = arith.constant 3.000000e+38 : f32
          %broadcast_in_dim3A_351 = vector.broadcast %broadcast_in_dim3A_350 : f32 to vector<16xf32>
          %broadcast_in_dim3A_352 = arith.constant 3.000000e+38 : f32
          %broadcast_in_dim3A_353 = vector.broadcast %broadcast_in_dim3A_352 : f32 to vector<16xf32>
          %broadcast_in_dim3A_354 = arith.constant 3.000000e+38 : f32
          %broadcast_in_dim3A_355 = vector.broadcast %broadcast_in_dim3A_354 : f32 to vector<16xf32>
          %broadcast_in_dim3A_356 = arith.constant 3.000000e+38 : f32
          %broadcast_in_dim3A_357 = vector.broadcast %broadcast_in_dim3A_356 : f32 to vector<16xf32>
          %broadcast_in_dim3A_358 = arith.constant 3.000000e+38 : f32
          %broadcast_in_dim3A_359 = vector.broadcast %broadcast_in_dim3A_358 : f32 to vector<16xf32>
          %broadcast_in_dim3A_360 = arith.constant 3.000000e+38 : f32
          %broadcast_in_dim3A_361 = vector.broadcast %broadcast_in_dim3A_360 : f32 to vector<16xf32>
          %broadcast_in_dim3A_362 = arith.constant -1 : i32
          %broadcast_in_dim3A_363 = vector.broadcast %broadcast_in_dim3A_362 : i32 to vector<16xi32>
          %broadcast_in_dim3A_364 = arith.constant -1 : i32
          %broadcast_in_dim3A_365 = vector.broadcast %broadcast_in_dim3A_364 : i32 to vector<16xi32>
          %broadcast_in_dim3A_366 = arith.constant -1 : i32
          %broadcast_in_dim3A_367 = vector.broadcast %broadcast_in_dim3A_366 : i32 to vector<16xi32>
          %broadcast_in_dim3A_368 = arith.constant -1 : i32
          %broadcast_in_dim3A_369 = vector.broadcast %broadcast_in_dim3A_368 : i32 to vector<16xi32>
          %broadcast_in_dim3A_370 = arith.constant -1 : i32
          %broadcast_in_dim3A_371 = vector.broadcast %broadcast_in_dim3A_370 : i32 to vector<16xi32>
          %broadcast_in_dim3A_372 = arith.constant -1 : i32
          %broadcast_in_dim3A_373 = vector.broadcast %broadcast_in_dim3A_372 : i32 to vector<16xi32>
          %broadcast_in_dim3A_374 = arith.constant -1 : i32
          %broadcast_in_dim3A_375 = vector.broadcast %broadcast_in_dim3A_374 : i32 to vector<16xi32>
          %broadcast_in_dim3A_376 = arith.constant -1 : i32
          %broadcast_in_dim3A_377 = vector.broadcast %broadcast_in_dim3A_376 : i32 to vector<16xi32>
          %broadcast_in_dim3A_378 = arith.constant -1 : i32
          %broadcast_in_dim3A_379 = vector.broadcast %broadcast_in_dim3A_378 : i32 to vector<16xi32>
          %broadcast_in_dim3A_380 = arith.constant -1 : i32
          %broadcast_in_dim3A_381 = vector.broadcast %broadcast_in_dim3A_380 : i32 to vector<16xi32>
          %broadcast_in_dim3A_382 = arith.constant -1 : i32
          %broadcast_in_dim3A_383 = vector.broadcast %broadcast_in_dim3A_382 : i32 to vector<16xi32>
          %broadcast_in_dim3A_384 = arith.constant -1 : i32
          %broadcast_in_dim3A_385 = vector.broadcast %broadcast_in_dim3A_384 : i32 to vector<16xi32>
          %broadcast_in_dim3A_386 = arith.constant -1 : i32
          %broadcast_in_dim3A_387 = vector.broadcast %broadcast_in_dim3A_386 : i32 to vector<16xi32>
          %broadcast_in_dim3A_388 = arith.constant -1 : i32
          %broadcast_in_dim3A_389 = vector.broadcast %broadcast_in_dim3A_388 : i32 to vector<16xi32>
          %broadcast_in_dim3A_390 = arith.constant -1 : i32
          %broadcast_in_dim3A_391 = vector.broadcast %broadcast_in_dim3A_390 : i32 to vector<16xi32>
          %broadcast_in_dim3A_392 = arith.constant -1 : i32
          %broadcast_in_dim3A_393 = vector.broadcast %broadcast_in_dim3A_392 : i32 to vector<16xi32>
          %broadcast_in_dim3A_394 = arith.constant -1 : i32
          %broadcast_in_dim3A_395 = vector.broadcast %broadcast_in_dim3A_394 : i32 to vector<16xi32>
          %broadcast_in_dim3A_396 = arith.constant -1 : i32
          %broadcast_in_dim3A_397 = vector.broadcast %broadcast_in_dim3A_396 : i32 to vector<16xi32>
          %broadcast_in_dim3A_398 = arith.constant -1 : i32
          %broadcast_in_dim3A_399 = vector.broadcast %broadcast_in_dim3A_398 : i32 to vector<16xi32>
          %broadcast_in_dim3A_400 = arith.constant -1 : i32
          %broadcast_in_dim3A_401 = vector.broadcast %broadcast_in_dim3A_400 : i32 to vector<16xi32>
          %broadcast_in_dim3A_402 = arith.constant 0.000000e+00 : f32
          %broadcast_in_dim3A_403 = vector.broadcast %broadcast_in_dim3A_402 : f32 to vector<16xf32>
          %while3A = arith.constant false
          %while3A_404:43 = scf.while (%while3A_871 = %scan3A_158, %while3A_872 = %broadcast_in_dim3A_401, %while3A_873 = %gather3A_323, %while3A_874 = %while3A, %while3A_875 = %broadcast_in_dim3A_403, %while3A_876 = %broadcast_in_dim3A_325, %while3A_877 = %broadcast_in_dim3A_327, %while3A_878 = %broadcast_in_dim3A_329, %while3A_879 = %broadcast_in_dim3A_331, %while3A_880 = %broadcast_in_dim3A_333, %while3A_881 = %broadcast_in_dim3A_335, %while3A_882 = %broadcast_in_dim3A_337, %while3A_883 = %broadcast_in_dim3A_339, %while3A_884 = %broadcast_in_dim3A_341, %while3A_885 = %broadcast_in_dim3A_343, %while3A_886 = %broadcast_in_dim3A_345, %while3A_887 = %broadcast_in_dim3A_347, %while3A_888 = %broadcast_in_dim3A_349, %while3A_889 = %broadcast_in_dim3A_351, %while3A_890 = %broadcast_in_dim3A_353, %while3A_891 = %broadcast_in_dim3A_355, %while3A_892 = %broadcast_in_dim3A_357, %while3A_893 = %broadcast_in_dim3A_359, %while3A_894 = %broadcast_in_dim3A_361, %while3A_895 = %broadcast_in_dim3A_363, %while3A_896 = %broadcast_in_dim3A_365, %while3A_897 = %broadcast_in_dim3A_367, %while3A_898 = %broadcast_in_dim3A_369, %while3A_899 = %broadcast_in_dim3A_371, %while3A_900 = %broadcast_in_dim3A_373, %while3A_901 = %broadcast_in_dim3A_375, %while3A_902 = %broadcast_in_dim3A_377, %while3A_903 = %broadcast_in_dim3A_379, %while3A_904 = %broadcast_in_dim3A_381, %while3A_905 = %broadcast_in_dim3A_383, %while3A_906 = %broadcast_in_dim3A_385, %while3A_907 = %broadcast_in_dim3A_387, %while3A_908 = %broadcast_in_dim3A_389, %while3A_909 = %broadcast_in_dim3A_391, %while3A_910 = %broadcast_in_dim3A_393, %while3A_911 = %broadcast_in_dim3A_395, %while3A_912 = %broadcast_in_dim3A_397, %while3A_913 = %broadcast_in_dim3A_399) : (i32, vector<16xi32>, vector<16xf32>, i1, vector<16xf32>, vector<16xf32>, vector<16xf32>, vector<16xf32>, vector<16xf32>, vector<16xf32>, vector<16xf32>, vector<16xf32>, vector<16xf32>, vector<16xf32>, vector<16xf32>, vector<16xf32>, vector<16xf32>, vector<16xf32>, vector<16xf32>, vector<16xf32>, vector<16xf32>, vector<16xf32>, vector<16xf32>, vector<16xf32>, vector<16xi32>, vector<16xi32>, vector<16xi32>, vector<16xi32>, vector<16xi32>, vector<16xi32>, vector<16xi32>, vector<16xi32>, vector<16xi32>, vector<16xi32>, vector<16xi32>, vector<16xi32>, vector<16xi32>, vector<16xi32>, vector<16xi32>, vector<16xi32>, vector<16xi32>, vector<16xi32>, vector<16xi32>) -> (i32, vector<16xi32>, vector<16xf32>, i1, vector<16xf32>, vector<16xf32>, vector<16xf32>, vector<16xf32>, vector<16xf32>, vector<16xf32>, vector<16xf32>, vector<16xf32>, vector<16xf32>, vector<16xf32>, vector<16xf32>, vector<16xf32>, vector<16xf32>, vector<16xf32>, vector<16xf32>, vector<16xf32>, vector<16xf32>, vector<16xf32>, vector<16xf32>, vector<16xf32>, vector<16xi32>, vector<16xi32>, vector<16xi32>, vector<16xi32>, vector<16xi32>, vector<16xi32>, vector<16xi32>, vector<16xi32>, vector<16xi32>, vector<16xi32>, vector<16xi32>, vector<16xi32>, vector<16xi32>, vector<16xi32>, vector<16xi32>, vector<16xi32>, vector<16xi32>, vector<16xi32>, vector<16xi32>) {
            %not3A = arith.constant true
            %not3A_914 = arith.xori %while3A_874, %not3A : i1
            scf.condition(%not3A_914) %while3A_871, %while3A_872, %while3A_873, %while3A_874, %while3A_875, %while3A_876, %while3A_877, %while3A_878, %while3A_879, %while3A_880, %while3A_881, %while3A_882, %while3A_883, %while3A_884, %while3A_885, %while3A_886, %while3A_887, %while3A_888, %while3A_889, %while3A_890, %while3A_891, %while3A_892, %while3A_893, %while3A_894, %while3A_895, %while3A_896, %while3A_897, %while3A_898, %while3A_899, %while3A_900, %while3A_901, %while3A_902, %while3A_903, %while3A_904, %while3A_905, %while3A_906, %while3A_907, %while3A_908, %while3A_909, %while3A_910, %while3A_911, %while3A_912, %while3A_913 : i32, vector<16xi32>, vector<16xf32>, i1, vector<16xf32>, vector<16xf32>, vector<16xf32>, vector<16xf32>, vector<16xf32>, vector<16xf32>, vector<16xf32>, vector<16xf32>, vector<16xf32>, vector<16xf32>, vector<16xf32>, vector<16xf32>, vector<16xf32>, vector<16xf32>, vector<16xf32>, vector<16xf32>, vector<16xf32>, vector<16xf32>, vector<16xf32>, vector<16xf32>, vector<16xi32>, vector<16xi32>, vector<16xi32>, vector<16xi32>, vector<16xi32>, vector<16xi32>, vector<16xi32>, vector<16xi32>, vector<16xi32>, vector<16xi32>, vector<16xi32>, vector<16xi32>, vector<16xi32>, vector<16xi32>, vector<16xi32>, vector<16xi32>, vector<16xi32>, vector<16xi32>, vector<16xi32>
          } do {
          ^bb0(%while3A_871: i32, %while3A_872: vector<16xi32>, %while3A_873: vector<16xf32>, %while3A_874: i1, %while3A_875: vector<16xf32>, %while3A_876: vector<16xf32>, %while3A_877: vector<16xf32>, %while3A_878: vector<16xf32>, %while3A_879: vector<16xf32>, %while3A_880: vector<16xf32>, %while3A_881: vector<16xf32>, %while3A_882: vector<16xf32>, %while3A_883: vector<16xf32>, %while3A_884: vector<16xf32>, %while3A_885: vector<16xf32>, %while3A_886: vector<16xf32>, %while3A_887: vector<16xf32>, %while3A_888: vector<16xf32>, %while3A_889: vector<16xf32>, %while3A_890: vector<16xf32>, %while3A_891: vector<16xf32>, %while3A_892: vector<16xf32>, %while3A_893: vector<16xf32>, %while3A_894: vector<16xf32>, %while3A_895: vector<16xi32>, %while3A_896: vector<16xi32>, %while3A_897: vector<16xi32>, %while3A_898: vector<16xi32>, %while3A_899: vector<16xi32>, %while3A_900: vector<16xi32>, %while3A_901: vector<16xi32>, %while3A_902: vector<16xi32>, %while3A_903: vector<16xi32>, %while3A_904: vector<16xi32>, %while3A_905: vector<16xi32>, %while3A_906: vector<16xi32>, %while3A_907: vector<16xi32>, %while3A_908: vector<16xi32>, %while3A_909: vector<16xi32>, %while3A_910: vector<16xi32>, %while3A_911: vector<16xi32>, %while3A_912: vector<16xi32>, %while3A_913: vector<16xi32>):
            %sub3A_914 = arith.constant 0.000000e+00 : f32
            %sub3A_915 = vector.broadcast %sub3A_914 : f32 to vector<16xf32>
            %sub3A_916 = arith.subf %sub3A_915, %while3A_873 : vector<16xf32>
            %broadcast_in_dim3A_917 = arith.constant 3.000000e+38 : f32
            %broadcast_in_dim3A_918 = vector.broadcast %broadcast_in_dim3A_917 : f32 to vector<16xf32>
            %broadcast_in_dim3A_919 = arith.constant 3.000000e+38 : f32
            %broadcast_in_dim3A_920 = vector.broadcast %broadcast_in_dim3A_919 : f32 to vector<16xf32>
            %broadcast_in_dim3A_921 = arith.constant 3.000000e+38 : f32
            %broadcast_in_dim3A_922 = vector.broadcast %broadcast_in_dim3A_921 : f32 to vector<16xf32>
            %broadcast_in_dim3A_923 = arith.constant 3.000000e+38 : f32
            %broadcast_in_dim3A_924 = vector.broadcast %broadcast_in_dim3A_923 : f32 to vector<16xf32>
            %broadcast_in_dim3A_925 = arith.constant 0 : i32
            %broadcast_in_dim3A_926 = vector.broadcast %broadcast_in_dim3A_925 : i32 to vector<16xi32>
            %broadcast_in_dim3A_927 = arith.constant 0 : i32
            %broadcast_in_dim3A_928 = vector.broadcast %broadcast_in_dim3A_927 : i32 to vector<16xi32>
            %broadcast_in_dim3A_929 = arith.constant 0 : i32
            %broadcast_in_dim3A_930 = vector.broadcast %broadcast_in_dim3A_929 : i32 to vector<16xi32>
            %broadcast_in_dim3A_931 = arith.constant 0 : i32
            %broadcast_in_dim3A_932 = vector.broadcast %broadcast_in_dim3A_931 : i32 to vector<16xi32>
            %add3A_933 = arith.constant 0 : i32
            %add3A_934 = vector.broadcast %add3A_933 : i32 to vector<16xi32>
            %add3A_935 = arith.addi %iota3A, %add3A_934 : vector<16xi32>
            %get3A_936 = arith.index_cast %while3A_871 : i32 to index
            %get3A_937 = arith.constant 0 : index
            %get3A_938 = tpu.vector_load %arg6[%get3A_936, %get3A_937] {strides = array<i32>} : memref<304x304xf32, #tpu.memory_space<vmem>>, vector<16xf32>,
            %get3A_939 = arith.constant 0 : index
            %get3A_940 = tpu.vector_load %arg8[%get3A_939] {strides = array<i32>} : memref<304xf32, #tpu.memory_space<vmem>>, vector<16xf32>,
            %add3A_941 = arith.addf %get3A_938, %get3A_940 : vector<16xf32>
            %sub3A_942 = arith.subf %sub3A_916, %add3A_941 : vector<16xf32>
            %lt3A_943 = arith.cmpf olt, %sub3A_942, %while3A_876 : vector<16xf32>
            %select_n3A_944 = arith.select %lt3A_943, %sub3A_942, %while3A_876 : vector<16xi1>, vector<16xf32>
            %select_n3A_945 = arith.select %lt3A_943, %while3A_872, %while3A_895 : vector<16xi1>, vector<16xi32>
            %lt3A_946 = arith.cmpf olt, %select_n3A_944, %broadcast_in_dim3A_918 : vector<16xf32>
            %select_n3A_947 = arith.select %lt3A_946, %select_n3A_944, %broadcast_in_dim3A_918 : vector<16xi1>, vector<16xf32>
            %select_n3A_948 = arith.select %lt3A_946, %add3A_935, %broadcast_in_dim3A_926 : vector<16xi1>, vector<16xi32>
            %add3A_949 = arith.constant 16 : i32
            %add3A_950 = vector.broadcast %add3A_949 : i32 to vector<16xi32>
            %add3A_951 = arith.addi %iota3A, %add3A_950 : vector<16xi32>
            %get3A_952 = arith.index_cast %while3A_871 : i32 to index
            %get3A_953 = arith.constant 16 : index
            %get3A_954 = tpu.vector_load %arg6[%get3A_952, %get3A_953] {strides = array<i32>} : memref<304x304xf32, #tpu.memory_space<vmem>>, vector<16xf32>,
            %get3A_955 = arith.constant 16 : index
            %get3A_956 = tpu.vector_load %arg8[%get3A_955] {strides = array<i32>} : memref<304xf32, #tpu.memory_space<vmem>>, vector<16xf32>,
            %add3A_957 = arith.addf %get3A_954, %get3A_956 : vector<16xf32>
            %sub3A_958 = arith.subf %sub3A_916, %add3A_957 : vector<16xf32>
            %lt3A_959 = arith.cmpf olt, %sub3A_958, %while3A_877 : vector<16xf32>
            %select_n3A_960 = arith.select %lt3A_959, %sub3A_958, %while3A_877 : vector<16xi1>, vector<16xf32>
            %select_n3A_961 = arith.select %lt3A_959, %while3A_872, %while3A_896 : vector<16xi1>, vector<16xi32>
            %lt3A_962 = arith.cmpf olt, %select_n3A_960, %broadcast_in_dim3A_920 : vector<16xf32>
            %select_n3A_963 = arith.select %lt3A_962, %select_n3A_960, %broadcast_in_dim3A_920 : vector<16xi1>, vector<16xf32>
            %select_n3A_964 = arith.select %lt3A_962, %add3A_951, %broadcast_in_dim3A_928 : vector<16xi1>, vector<16xi32>
            %add3A_965 = arith.constant 32 : i32
            %add3A_966 = vector.broadcast %add3A_965 : i32 to vector<16xi32>
            %add3A_967 = arith.addi %iota3A, %add3A_966 : vector<16xi32>
            %get3A_968 = arith.index_cast %while3A_871 : i32 to index
            %get3A_969 = arith.constant 32 : index
            %get3A_970 = tpu.vector_load %arg6[%get3A_968, %get3A_969] {strides = array<i32>} : memref<304x304xf32, #tpu.memory_space<vmem>>, vector<16xf32>,
            %get3A_971 = arith.constant 32 : index
            %get3A_972 = tpu.vector_load %arg8[%get3A_971] {strides = array<i32>} : memref<304xf32, #tpu.memory_space<vmem>>, vector<16xf32>,
            %add3A_973 = arith.addf %get3A_970, %get3A_972 : vector<16xf32>
            %sub3A_974 = arith.subf %sub3A_916, %add3A_973 : vector<16xf32>
            %lt3A_975 = arith.cmpf olt, %sub3A_974, %while3A_878 : vector<16xf32>
            %select_n3A_976 = arith.select %lt3A_975, %sub3A_974, %while3A_878 : vector<16xi1>, vector<16xf32>
            %select_n3A_977 = arith.select %lt3A_975, %while3A_872, %while3A_897 : vector<16xi1>, vector<16xi32>
            %lt3A_978 = arith.cmpf olt, %select_n3A_976, %broadcast_in_dim3A_922 : vector<16xf32>
            %select_n3A_979 = arith.select %lt3A_978, %select_n3A_976, %broadcast_in_dim3A_922 : vector<16xi1>, vector<16xf32>
            %select_n3A_980 = arith.select %lt3A_978, %add3A_967, %broadcast_in_dim3A_930 : vector<16xi1>, vector<16xi32>
            %add3A_981 = arith.constant 48 : i32
            %add3A_982 = vector.broadcast %add3A_981 : i32 to vector<16xi32>
            %add3A_983 = arith.addi %iota3A, %add3A_982 : vector<16xi32>
            %get3A_984 = arith.index_cast %while3A_871 : i32 to index
            %get3A_985 = arith.constant 48 : index
            %get3A_986 = tpu.vector_load %arg6[%get3A_984, %get3A_985] {strides = array<i32>} : memref<304x304xf32, #tpu.memory_space<vmem>>, vector<16xf32>,
            %get3A_987 = arith.constant 48 : index
            %get3A_988 = tpu.vector_load %arg8[%get3A_987] {strides = array<i32>} : memref<304xf32, #tpu.memory_space<vmem>>, vector<16xf32>,
            %add3A_989 = arith.addf %get3A_986, %get3A_988 : vector<16xf32>
            %sub3A_990 = arith.subf %sub3A_916, %add3A_989 : vector<16xf32>
            %lt3A_991 = arith.cmpf olt, %sub3A_990, %while3A_879 : vector<16xf32>
            %select_n3A_992 = arith.select %lt3A_991, %sub3A_990, %while3A_879 : vector<16xi1>, vector<16xf32>
            %select_n3A_993 = arith.select %lt3A_991, %while3A_872, %while3A_898 : vector<16xi1>, vector<16xi32>
            %lt3A_994 = arith.cmpf olt, %select_n3A_992, %broadcast_in_dim3A_924 : vector<16xf32>
            %select_n3A_995 = arith.select %lt3A_994, %select_n3A_992, %broadcast_in_dim3A_924 : vector<16xi1>, vector<16xf32>
            %select_n3A_996 = arith.select %lt3A_994, %add3A_983, %broadcast_in_dim3A_932 : vector<16xi1>, vector<16xi32>
            %add3A_997 = arith.constant 64 : i32
            %add3A_998 = vector.broadcast %add3A_997 : i32 to vector<16xi32>
            %add3A_999 = arith.addi %iota3A, %add3A_998 : vector<16xi32>
            %get3A_1000 = arith.index_cast %while3A_871 : i32 to index
            %get3A_1001 = arith.constant 64 : index
            %get3A_1002 = tpu.vector_load %arg6[%get3A_1000, %get3A_1001] {strides = array<i32>} : memref<304x304xf32, #tpu.memory_space<vmem>>, vector<16xf32>,
            %get3A_1003 = arith.constant 64 : index
            %get3A_1004 = tpu.vector_load %arg8[%get3A_1003] {strides = array<i32>} : memref<304xf32, #tpu.memory_space<vmem>>, vector<16xf32>,
            %add3A_1005 = arith.addf %get3A_1002, %get3A_1004 : vector<16xf32>
            %sub3A_1006 = arith.subf %sub3A_916, %add3A_1005 : vector<16xf32>
            %lt3A_1007 = arith.cmpf olt, %sub3A_1006, %while3A_880 : vector<16xf32>
            %select_n3A_1008 = arith.select %lt3A_1007, %sub3A_1006, %while3A_880 : vector<16xi1>, vector<16xf32>
            %select_n3A_1009 = arith.select %lt3A_1007, %while3A_872, %while3A_899 : vector<16xi1>, vector<16xi32>
            %lt3A_1010 = arith.cmpf olt, %select_n3A_1008, %select_n3A_947 : vector<16xf32>
            %select_n3A_1011 = arith.select %lt3A_1010, %select_n3A_1008, %select_n3A_947 : vector<16xi1>, vector<16xf32>
            %select_n3A_1012 = arith.select %lt3A_1010, %add3A_999, %select_n3A_948 : vector<16xi1>, vector<16xi32>
            %add3A_1013 = arith.constant 80 : i32
            %add3A_1014 = vector.broadcast %add3A_1013 : i32 to vector<16xi32>
            %add3A_1015 = arith.addi %iota3A, %add3A_1014 : vector<16xi32>
            %get3A_1016 = arith.index_cast %while3A_871 : i32 to index
            %get3A_1017 = arith.constant 80 : index
            %get3A_1018 = tpu.vector_load %arg6[%get3A_1016, %get3A_1017] {strides = array<i32>} : memref<304x304xf32, #tpu.memory_space<vmem>>, vector<16xf32>,
            %get3A_1019 = arith.constant 80 : index
            %get3A_1020 = tpu.vector_load %arg8[%get3A_1019] {strides = array<i32>} : memref<304xf32, #tpu.memory_space<vmem>>, vector<16xf32>,
            %add3A_1021 = arith.addf %get3A_1018, %get3A_1020 : vector<16xf32>
            %sub3A_1022 = arith.subf %sub3A_916, %add3A_1021 : vector<16xf32>
            %lt3A_1023 = arith.cmpf olt, %sub3A_1022, %while3A_881 : vector<16xf32>
            %select_n3A_1024 = arith.select %lt3A_1023, %sub3A_1022, %while3A_881 : vector<16xi1>, vector<16xf32>
            %select_n3A_1025 = arith.select %lt3A_1023, %while3A_872, %while3A_900 : vector<16xi1>, vector<16xi32>
            %lt3A_1026 = arith.cmpf olt, %select_n3A_1024, %select_n3A_963 : vector<16xf32>
            %select_n3A_1027 = arith.select %lt3A_1026, %select_n3A_1024, %select_n3A_963 : vector<16xi1>, vector<16xf32>
            %select_n3A_1028 = arith.select %lt3A_1026, %add3A_1015, %select_n3A_964 : vector<16xi1>, vector<16xi32>
            %add3A_1029 = arith.constant 96 : i32
            %add3A_1030 = vector.broadcast %add3A_1029 : i32 to vector<16xi32>
            %add3A_1031 = arith.addi %iota3A, %add3A_1030 : vector<16xi32>
            %get3A_1032 = arith.index_cast %while3A_871 : i32 to index
            %get3A_1033 = arith.constant 96 : index
            %get3A_1034 = tpu.vector_load %arg6[%get3A_1032, %get3A_1033] {strides = array<i32>} : memref<304x304xf32, #tpu.memory_space<vmem>>, vector<16xf32>,
            %get3A_1035 = arith.constant 96 : index
            %get3A_1036 = tpu.vector_load %arg8[%get3A_1035] {strides = array<i32>} : memref<304xf32, #tpu.memory_space<vmem>>, vector<16xf32>,
            %add3A_1037 = arith.addf %get3A_1034, %get3A_1036 : vector<16xf32>
            %sub3A_1038 = arith.subf %sub3A_916, %add3A_1037 : vector<16xf32>
            %lt3A_1039 = arith.cmpf olt, %sub3A_1038, %while3A_882 : vector<16xf32>
            %select_n3A_1040 = arith.select %lt3A_1039, %sub3A_1038, %while3A_882 : vector<16xi1>, vector<16xf32>
            %select_n3A_1041 = arith.select %lt3A_1039, %while3A_872, %while3A_901 : vector<16xi1>, vector<16xi32>
            %lt3A_1042 = arith.cmpf olt, %select_n3A_1040, %select_n3A_979 : vector<16xf32>
            %select_n3A_1043 = arith.select %lt3A_1042, %select_n3A_1040, %select_n3A_979 : vector<16xi1>, vector<16xf32>
            %select_n3A_1044 = arith.select %lt3A_1042, %add3A_1031, %select_n3A_980 : vector<16xi1>, vector<16xi32>
            %add3A_1045 = arith.constant 112 : i32
            %add3A_1046 = vector.broadcast %add3A_1045 : i32 to vector<16xi32>
            %add3A_1047 = arith.addi %iota3A, %add3A_1046 : vector<16xi32>
            %get3A_1048 = arith.index_cast %while3A_871 : i32 to index
            %get3A_1049 = arith.constant 112 : index
            %get3A_1050 = tpu.vector_load %arg6[%get3A_1048, %get3A_1049] {strides = array<i32>} : memref<304x304xf32, #tpu.memory_space<vmem>>, vector<16xf32>,
            %get3A_1051 = arith.constant 112 : index
            %get3A_1052 = tpu.vector_load %arg8[%get3A_1051] {strides = array<i32>} : memref<304xf32, #tpu.memory_space<vmem>>, vector<16xf32>,
            %add3A_1053 = arith.addf %get3A_1050, %get3A_1052 : vector<16xf32>
            %sub3A_1054 = arith.subf %sub3A_916, %add3A_1053 : vector<16xf32>
            %lt3A_1055 = arith.cmpf olt, %sub3A_1054, %while3A_883 : vector<16xf32>
            %select_n3A_1056 = arith.select %lt3A_1055, %sub3A_1054, %while3A_883 : vector<16xi1>, vector<16xf32>
            %select_n3A_1057 = arith.select %lt3A_1055, %while3A_872, %while3A_902 : vector<16xi1>, vector<16xi32>
            %lt3A_1058 = arith.cmpf olt, %select_n3A_1056, %select_n3A_995 : vector<16xf32>
            %select_n3A_1059 = arith.select %lt3A_1058, %select_n3A_1056, %select_n3A_995 : vector<16xi1>, vector<16xf32>
            %select_n3A_1060 = arith.select %lt3A_1058, %add3A_1047, %select_n3A_996 : vector<16xi1>, vector<16xi32>
            %add3A_1061 = arith.constant 128 : i32
            %add3A_1062 = vector.broadcast %add3A_1061 : i32 to vector<16xi32>
            %add3A_1063 = arith.addi %iota3A, %add3A_1062 : vector<16xi32>
            %get3A_1064 = arith.index_cast %while3A_871 : i32 to index
            %get3A_1065 = arith.constant 128 : index
            %get3A_1066 = tpu.vector_load %arg6[%get3A_1064, %get3A_1065] {strides = array<i32>} : memref<304x304xf32, #tpu.memory_space<vmem>>, vector<16xf32>,
            %get3A_1067 = arith.constant 128 : index
            %get3A_1068 = tpu.vector_load %arg8[%get3A_1067] {strides = array<i32>} : memref<304xf32, #tpu.memory_space<vmem>>, vector<16xf32>,
            %add3A_1069 = arith.addf %get3A_1066, %get3A_1068 : vector<16xf32>
            %sub3A_1070 = arith.subf %sub3A_916, %add3A_1069 : vector<16xf32>
            %lt3A_1071 = arith.cmpf olt, %sub3A_1070, %while3A_884 : vector<16xf32>
            %select_n3A_1072 = arith.select %lt3A_1071, %sub3A_1070, %while3A_884 : vector<16xi1>, vector<16xf32>
            %select_n3A_1073 = arith.select %lt3A_1071, %while3A_872, %while3A_903 : vector<16xi1>, vector<16xi32>
            %lt3A_1074 = arith.cmpf olt, %select_n3A_1072, %select_n3A_1011 : vector<16xf32>
            %select_n3A_1075 = arith.select %lt3A_1074, %select_n3A_1072, %select_n3A_1011 : vector<16xi1>, vector<16xf32>
            %select_n3A_1076 = arith.select %lt3A_1074, %add3A_1063, %select_n3A_1012 : vector<16xi1>, vector<16xi32>
            %add3A_1077 = arith.constant 144 : i32
            %add3A_1078 = vector.broadcast %add3A_1077 : i32 to vector<16xi32>
            %add3A_1079 = arith.addi %iota3A, %add3A_1078 : vector<16xi32>
            %get3A_1080 = arith.index_cast %while3A_871 : i32 to index
            %get3A_1081 = arith.constant 144 : index
            %get3A_1082 = tpu.vector_load %arg6[%get3A_1080, %get3A_1081] {strides = array<i32>} : memref<304x304xf32, #tpu.memory_space<vmem>>, vector<16xf32>,
            %get3A_1083 = arith.constant 144 : index
            %get3A_1084 = tpu.vector_load %arg8[%get3A_1083] {strides = array<i32>} : memref<304xf32, #tpu.memory_space<vmem>>, vector<16xf32>,
            %add3A_1085 = arith.addf %get3A_1082, %get3A_1084 : vector<16xf32>
            %sub3A_1086 = arith.subf %sub3A_916, %add3A_1085 : vector<16xf32>
            %lt3A_1087 = arith.cmpf olt, %sub3A_1086, %while3A_885 : vector<16xf32>
            %select_n3A_1088 = arith.select %lt3A_1087, %sub3A_1086, %while3A_885 : vector<16xi1>, vector<16xf32>
            %select_n3A_1089 = arith.select %lt3A_1087, %while3A_872, %while3A_904 : vector<16xi1>, vector<16xi32>
            %lt3A_1090 = arith.cmpf olt, %select_n3A_1088, %select_n3A_1027 : vector<16xf32>
            %select_n3A_1091 = arith.select %lt3A_1090, %select_n3A_1088, %select_n3A_1027 : vector<16xi1>, vector<16xf32>
            %select_n3A_1092 = arith.select %lt3A_1090, %add3A_1079, %select_n3A_1028 : vector<16xi1>, vector<16xi32>
            %add3A_1093 = arith.constant 160 : i32
            %add3A_1094 = vector.broadcast %add3A_1093 : i32 to vector<16xi32>
            %add3A_1095 = arith.addi %iota3A, %add3A_1094 : vector<16xi32>
            %get3A_1096 = arith.index_cast %while3A_871 : i32 to index
            %get3A_1097 = arith.constant 160 : index
            %get3A_1098 = tpu.vector_load %arg6[%get3A_1096, %get3A_1097] {strides = array<i32>} : memref<304x304xf32, #tpu.memory_space<vmem>>, vector<16xf32>,
            %get3A_1099 = arith.constant 160 : index
            %get3A_1100 = tpu.vector_load %arg8[%get3A_1099] {strides = array<i32>} : memref<304xf32, #tpu.memory_space<vmem>>, vector<16xf32>,
            %add3A_1101 = arith.addf %get3A_1098, %get3A_1100 : vector<16xf32>
            %sub3A_1102 = arith.subf %sub3A_916, %add3A_1101 : vector<16xf32>
            %lt3A_1103 = arith.cmpf olt, %sub3A_1102, %while3A_886 : vector<16xf32>
            %select_n3A_1104 = arith.select %lt3A_1103, %sub3A_1102, %while3A_886 : vector<16xi1>, vector<16xf32>
            %select_n3A_1105 = arith.select %lt3A_1103, %while3A_872, %while3A_905 : vector<16xi1>, vector<16xi32>
            %lt3A_1106 = arith.cmpf olt, %select_n3A_1104, %select_n3A_1043 : vector<16xf32>
            %select_n3A_1107 = arith.select %lt3A_1106, %select_n3A_1104, %select_n3A_1043 : vector<16xi1>, vector<16xf32>
            %select_n3A_1108 = arith.select %lt3A_1106, %add3A_1095, %select_n3A_1044 : vector<16xi1>, vector<16xi32>
            %add3A_1109 = arith.constant 176 : i32
            %add3A_1110 = vector.broadcast %add3A_1109 : i32 to vector<16xi32>
            %add3A_1111 = arith.addi %iota3A, %add3A_1110 : vector<16xi32>
            %get3A_1112 = arith.index_cast %while3A_871 : i32 to index
            %get3A_1113 = arith.constant 176 : index
            %get3A_1114 = tpu.vector_load %arg6[%get3A_1112, %get3A_1113] {strides = array<i32>} : memref<304x304xf32, #tpu.memory_space<vmem>>, vector<16xf32>,
            %get3A_1115 = arith.constant 176 : index
            %get3A_1116 = tpu.vector_load %arg8[%get3A_1115] {strides = array<i32>} : memref<304xf32, #tpu.memory_space<vmem>>, vector<16xf32>,
            %add3A_1117 = arith.addf %get3A_1114, %get3A_1116 : vector<16xf32>
            %sub3A_1118 = arith.subf %sub3A_916, %add3A_1117 : vector<16xf32>
            %lt3A_1119 = arith.cmpf olt, %sub3A_1118, %while3A_887 : vector<16xf32>
            %select_n3A_1120 = arith.select %lt3A_1119, %sub3A_1118, %while3A_887 : vector<16xi1>, vector<16xf32>
            %select_n3A_1121 = arith.select %lt3A_1119, %while3A_872, %while3A_906 : vector<16xi1>, vector<16xi32>
            %lt3A_1122 = arith.cmpf olt, %select_n3A_1120, %select_n3A_1059 : vector<16xf32>
            %select_n3A_1123 = arith.select %lt3A_1122, %select_n3A_1120, %select_n3A_1059 : vector<16xi1>, vector<16xf32>
            %select_n3A_1124 = arith.select %lt3A_1122, %add3A_1111, %select_n3A_1060 : vector<16xi1>, vector<16xi32>
            %add3A_1125 = arith.constant 192 : i32
            %add3A_1126 = vector.broadcast %add3A_1125 : i32 to vector<16xi32>
            %add3A_1127 = arith.addi %iota3A, %add3A_1126 : vector<16xi32>
            %get3A_1128 = arith.index_cast %while3A_871 : i32 to index
            %get3A_1129 = arith.constant 192 : index
            %get3A_1130 = tpu.vector_load %arg6[%get3A_1128, %get3A_1129] {strides = array<i32>} : memref<304x304xf32, #tpu.memory_space<vmem>>, vector<16xf32>,
            %get3A_1131 = arith.constant 192 : index
            %get3A_1132 = tpu.vector_load %arg8[%get3A_1131] {strides = array<i32>} : memref<304xf32, #tpu.memory_space<vmem>>, vector<16xf32>,
            %add3A_1133 = arith.addf %get3A_1130, %get3A_1132 : vector<16xf32>
            %sub3A_1134 = arith.subf %sub3A_916, %add3A_1133 : vector<16xf32>
            %lt3A_1135 = arith.cmpf olt, %sub3A_1134, %while3A_888 : vector<16xf32>
            %select_n3A_1136 = arith.select %lt3A_1135, %sub3A_1134, %while3A_888 : vector<16xi1>, vector<16xf32>
            %select_n3A_1137 = arith.select %lt3A_1135, %while3A_872, %while3A_907 : vector<16xi1>, vector<16xi32>
            %lt3A_1138 = arith.cmpf olt, %select_n3A_1136, %select_n3A_1075 : vector<16xf32>
            %select_n3A_1139 = arith.select %lt3A_1138, %select_n3A_1136, %select_n3A_1075 : vector<16xi1>, vector<16xf32>
            %select_n3A_1140 = arith.select %lt3A_1138, %add3A_1127, %select_n3A_1076 : vector<16xi1>, vector<16xi32>
            %add3A_1141 = arith.constant 208 : i32
            %add3A_1142 = vector.broadcast %add3A_1141 : i32 to vector<16xi32>
            %add3A_1143 = arith.addi %iota3A, %add3A_1142 : vector<16xi32>
            %get3A_1144 = arith.index_cast %while3A_871 : i32 to index
            %get3A_1145 = arith.constant 208 : index
            %get3A_1146 = tpu.vector_load %arg6[%get3A_1144, %get3A_1145] {strides = array<i32>} : memref<304x304xf32, #tpu.memory_space<vmem>>, vector<16xf32>,
            %get3A_1147 = arith.constant 208 : index
            %get3A_1148 = tpu.vector_load %arg8[%get3A_1147] {strides = array<i32>} : memref<304xf32, #tpu.memory_space<vmem>>, vector<16xf32>,
            %add3A_1149 = arith.addf %get3A_1146, %get3A_1148 : vector<16xf32>
            %sub3A_1150 = arith.subf %sub3A_916, %add3A_1149 : vector<16xf32>
            %lt3A_1151 = arith.cmpf olt, %sub3A_1150, %while3A_889 : vector<16xf32>
            %select_n3A_1152 = arith.select %lt3A_1151, %sub3A_1150, %while3A_889 : vector<16xi1>, vector<16xf32>
            %select_n3A_1153 = arith.select %lt3A_1151, %while3A_872, %while3A_908 : vector<16xi1>, vector<16xi32>
            %lt3A_1154 = arith.cmpf olt, %select_n3A_1152, %select_n3A_1091 : vector<16xf32>
            %select_n3A_1155 = arith.select %lt3A_1154, %select_n3A_1152, %select_n3A_1091 : vector<16xi1>, vector<16xf32>
            %select_n3A_1156 = arith.select %lt3A_1154, %add3A_1143, %select_n3A_1092 : vector<16xi1>, vector<16xi32>
            %add3A_1157 = arith.constant 224 : i32
            %add3A_1158 = vector.broadcast %add3A_1157 : i32 to vector<16xi32>
            %add3A_1159 = arith.addi %iota3A, %add3A_1158 : vector<16xi32>
            %get3A_1160 = arith.index_cast %while3A_871 : i32 to index
            %get3A_1161 = arith.constant 224 : index
            %get3A_1162 = tpu.vector_load %arg6[%get3A_1160, %get3A_1161] {strides = array<i32>} : memref<304x304xf32, #tpu.memory_space<vmem>>, vector<16xf32>,
            %get3A_1163 = arith.constant 224 : index
            %get3A_1164 = tpu.vector_load %arg8[%get3A_1163] {strides = array<i32>} : memref<304xf32, #tpu.memory_space<vmem>>, vector<16xf32>,
            %add3A_1165 = arith.addf %get3A_1162, %get3A_1164 : vector<16xf32>
            %sub3A_1166 = arith.subf %sub3A_916, %add3A_1165 : vector<16xf32>
            %lt3A_1167 = arith.cmpf olt, %sub3A_1166, %while3A_890 : vector<16xf32>
            %select_n3A_1168 = arith.select %lt3A_1167, %sub3A_1166, %while3A_890 : vector<16xi1>, vector<16xf32>
            %select_n3A_1169 = arith.select %lt3A_1167, %while3A_872, %while3A_909 : vector<16xi1>, vector<16xi32>
            %lt3A_1170 = arith.cmpf olt, %select_n3A_1168, %select_n3A_1107 : vector<16xf32>
            %select_n3A_1171 = arith.select %lt3A_1170, %select_n3A_1168, %select_n3A_1107 : vector<16xi1>, vector<16xf32>
            %select_n3A_1172 = arith.select %lt3A_1170, %add3A_1159, %select_n3A_1108 : vector<16xi1>, vector<16xi32>
            %add3A_1173 = arith.constant 240 : i32
            %add3A_1174 = vector.broadcast %add3A_1173 : i32 to vector<16xi32>
            %add3A_1175 = arith.addi %iota3A, %add3A_1174 : vector<16xi32>
            %get3A_1176 = arith.index_cast %while3A_871 : i32 to index
            %get3A_1177 = arith.constant 240 : index
            %get3A_1178 = tpu.vector_load %arg6[%get3A_1176, %get3A_1177] {strides = array<i32>} : memref<304x304xf32, #tpu.memory_space<vmem>>, vector<16xf32>,
            %get3A_1179 = arith.constant 240 : index
            %get3A_1180 = tpu.vector_load %arg8[%get3A_1179] {strides = array<i32>} : memref<304xf32, #tpu.memory_space<vmem>>, vector<16xf32>,
            %add3A_1181 = arith.addf %get3A_1178, %get3A_1180 : vector<16xf32>
            %sub3A_1182 = arith.subf %sub3A_916, %add3A_1181 : vector<16xf32>
            %lt3A_1183 = arith.cmpf olt, %sub3A_1182, %while3A_891 : vector<16xf32>
            %select_n3A_1184 = arith.select %lt3A_1183, %sub3A_1182, %while3A_891 : vector<16xi1>, vector<16xf32>
            %select_n3A_1185 = arith.select %lt3A_1183, %while3A_872, %while3A_910 : vector<16xi1>, vector<16xi32>
            %lt3A_1186 = arith.cmpf olt, %select_n3A_1184, %select_n3A_1123 : vector<16xf32>
            %select_n3A_1187 = arith.select %lt3A_1186, %select_n3A_1184, %select_n3A_1123 : vector<16xi1>, vector<16xf32>
            %select_n3A_1188 = arith.select %lt3A_1186, %add3A_1175, %select_n3A_1124 : vector<16xi1>, vector<16xi32>
            %add3A_1189 = arith.constant 256 : i32
            %add3A_1190 = vector.broadcast %add3A_1189 : i32 to vector<16xi32>
            %add3A_1191 = arith.addi %iota3A, %add3A_1190 : vector<16xi32>
            %get3A_1192 = arith.index_cast %while3A_871 : i32 to index
            %get3A_1193 = arith.constant 256 : index
            %get3A_1194 = tpu.vector_load %arg6[%get3A_1192, %get3A_1193] {strides = array<i32>} : memref<304x304xf32, #tpu.memory_space<vmem>>, vector<16xf32>,
            %get3A_1195 = arith.constant 256 : index
            %get3A_1196 = tpu.vector_load %arg8[%get3A_1195] {strides = array<i32>} : memref<304xf32, #tpu.memory_space<vmem>>, vector<16xf32>,
            %add3A_1197 = arith.addf %get3A_1194, %get3A_1196 : vector<16xf32>
            %sub3A_1198 = arith.subf %sub3A_916, %add3A_1197 : vector<16xf32>
            %lt3A_1199 = arith.cmpf olt, %sub3A_1198, %while3A_892 : vector<16xf32>
            %select_n3A_1200 = arith.select %lt3A_1199, %sub3A_1198, %while3A_892 : vector<16xi1>, vector<16xf32>
            %select_n3A_1201 = arith.select %lt3A_1199, %while3A_872, %while3A_911 : vector<16xi1>, vector<16xi32>
            %lt3A_1202 = arith.cmpf olt, %select_n3A_1200, %select_n3A_1139 : vector<16xf32>
            %select_n3A_1203 = arith.select %lt3A_1202, %select_n3A_1200, %select_n3A_1139 : vector<16xi1>, vector<16xf32>
            %select_n3A_1204 = arith.select %lt3A_1202, %add3A_1191, %select_n3A_1140 : vector<16xi1>, vector<16xi32>
            %add3A_1205 = arith.constant 272 : i32
            %add3A_1206 = vector.broadcast %add3A_1205 : i32 to vector<16xi32>
            %add3A_1207 = arith.addi %iota3A, %add3A_1206 : vector<16xi32>
            %get3A_1208 = arith.index_cast %while3A_871 : i32 to index
            %get3A_1209 = arith.constant 272 : index
            %get3A_1210 = tpu.vector_load %arg6[%get3A_1208, %get3A_1209] {strides = array<i32>} : memref<304x304xf32, #tpu.memory_space<vmem>>, vector<16xf32>,
            %get3A_1211 = arith.constant 272 : index
            %get3A_1212 = tpu.vector_load %arg8[%get3A_1211] {strides = array<i32>} : memref<304xf32, #tpu.memory_space<vmem>>, vector<16xf32>,
            %add3A_1213 = arith.addf %get3A_1210, %get3A_1212 : vector<16xf32>
            %sub3A_1214 = arith.subf %sub3A_916, %add3A_1213 : vector<16xf32>
            %lt3A_1215 = arith.cmpf olt, %sub3A_1214, %while3A_893 : vector<16xf32>
            %select_n3A_1216 = arith.select %lt3A_1215, %sub3A_1214, %while3A_893 : vector<16xi1>, vector<16xf32>
            %select_n3A_1217 = arith.select %lt3A_1215, %while3A_872, %while3A_912 : vector<16xi1>, vector<16xi32>
            %lt3A_1218 = arith.cmpf olt, %select_n3A_1216, %select_n3A_1155 : vector<16xf32>
            %select_n3A_1219 = arith.select %lt3A_1218, %select_n3A_1216, %select_n3A_1155 : vector<16xi1>, vector<16xf32>
            %select_n3A_1220 = arith.select %lt3A_1218, %add3A_1207, %select_n3A_1156 : vector<16xi1>, vector<16xi32>
            %add3A_1221 = arith.constant 288 : i32
            %add3A_1222 = vector.broadcast %add3A_1221 : i32 to vector<16xi32>
            %add3A_1223 = arith.addi %iota3A, %add3A_1222 : vector<16xi32>
            %get3A_1224 = arith.index_cast %while3A_871 : i32 to index
            %get3A_1225 = arith.constant 288 : index
            %get3A_1226 = tpu.vector_load %arg6[%get3A_1224, %get3A_1225] {strides = array<i32>} : memref<304x304xf32, #tpu.memory_space<vmem>>, vector<16xf32>,
            %get3A_1227 = arith.constant 288 : index
            %get3A_1228 = tpu.vector_load %arg8[%get3A_1227] {strides = array<i32>} : memref<304xf32, #tpu.memory_space<vmem>>, vector<16xf32>,
            %add3A_1229 = arith.addf %get3A_1226, %get3A_1228 : vector<16xf32>
            %sub3A_1230 = arith.subf %sub3A_916, %add3A_1229 : vector<16xf32>
            %lt3A_1231 = arith.cmpf olt, %sub3A_1230, %while3A_894 : vector<16xf32>
            %select_n3A_1232 = arith.select %lt3A_1231, %sub3A_1230, %while3A_894 : vector<16xi1>, vector<16xf32>
            %select_n3A_1233 = arith.select %lt3A_1231, %while3A_872, %while3A_913 : vector<16xi1>, vector<16xi32>
            %lt3A_1234 = arith.cmpf olt, %select_n3A_1232, %select_n3A_1171 : vector<16xf32>
            %select_n3A_1235 = arith.select %lt3A_1234, %select_n3A_1232, %select_n3A_1171 : vector<16xi1>, vector<16xf32>
            %select_n3A_1236 = arith.select %lt3A_1234, %add3A_1223, %select_n3A_1172 : vector<16xi1>, vector<16xi32>
            %lt3A_1237 = arith.cmpf olt, %select_n3A_1219, %select_n3A_1203 : vector<16xf32>
            %select_n3A_1238 = arith.select %lt3A_1237, %select_n3A_1219, %select_n3A_1203 : vector<16xi1>, vector<16xf32>
            %select_n3A_1239 = arith.select %lt3A_1237, %select_n3A_1220, %select_n3A_1204 : vector<16xi1>, vector<16xi32>
            %lt3A_1240 = arith.cmpf olt, %select_n3A_1235, %select_n3A_1238 : vector<16xf32>
            %select_n3A_1241 = arith.select %lt3A_1240, %select_n3A_1235, %select_n3A_1238 : vector<16xi1>, vector<16xf32>
            %select_n3A_1242 = arith.select %lt3A_1240, %select_n3A_1236, %select_n3A_1239 : vector<16xi1>, vector<16xi32>
            %lt3A_1243 = arith.cmpf olt, %select_n3A_1187, %select_n3A_1241 : vector<16xf32>
            %select_n3A_1244 = arith.select %lt3A_1243, %select_n3A_1187, %select_n3A_1241 : vector<16xi1>, vector<16xf32>
            %select_n3A_1245 = arith.select %lt3A_1243, %select_n3A_1188, %select_n3A_1242 : vector<16xi1>, vector<16xi32>
            %masked_sort3A = arith.constant dense<true> : vector<16xi1>
            %masked_sort3A_1246, %masked_sort3A_1247, %masked_sort3A_1248 = tpu.sort %select_n3A_1244, %select_n3A_1245 masked %masked_sort3A : (vector<16xf32>, vector<16xi32>, vector<16xi1>) -> (vector<16xi1>, vector<16xf32>, vector<16xi32>)
            %slice3A = vector.extract_strided_slice %masked_sort3A_1247 {offsets = [0], sizes = [1], strides = [1]} : vector<16xf32> to vector<1xf32>
            %squeeze3A = vector.extract %slice3A[0] : f32 from vector<1xf32>
            %slice3A_1249 = vector.extract_strided_slice %masked_sort3A_1248 {offsets = [0], sizes = [1], strides = [1]} : vector<16xi32> to vector<1xi32>
            %squeeze3A_1250 = vector.extract %slice3A_1249[0] : i32 from vector<1xi32>
            %broadcast_in_dim3A_1251 = vector.broadcast %squeeze3A : f32 to vector<16xf32>
            %broadcast_in_dim3A_1252 = vector.broadcast %squeeze3A_1250 : i32 to vector<16xi32>
            %add3A_1253 = arith.constant 0 : i32
            %add3A_1254 = vector.broadcast %add3A_1253 : i32 to vector<16xi32>
            %add3A_1255 = arith.addi %iota3A, %add3A_1254 : vector<16xi32>
            %eq3A_1256 = arith.cmpi eq, %add3A_1255, %broadcast_in_dim3A_1252 : vector<16xi32>
            %jit3A_1257 = arith.constant 3.000000e+38 : f32
            %broadcast_in_dim3A_1258 = vector.broadcast %jit3A_1257 : f32 to vector<16xf32>
            %select_n3A_1259 = arith.select %eq3A_1256, %broadcast_in_dim3A_1258, %select_n3A_944 : vector<16xi1>, vector<16xf32>
            %add3A_1260 = arith.constant 16 : i32
            %add3A_1261 = vector.broadcast %add3A_1260 : i32 to vector<16xi32>
            %add3A_1262 = arith.addi %iota3A, %add3A_1261 : vector<16xi32>
            %eq3A_1263 = arith.cmpi eq, %add3A_1262, %broadcast_in_dim3A_1252 : vector<16xi32>
            %jit3A_1264 = arith.constant 3.000000e+38 : f32
            %broadcast_in_dim3A_1265 = vector.broadcast %jit3A_1264 : f32 to vector<16xf32>
            %select_n3A_1266 = arith.select %eq3A_1263, %broadcast_in_dim3A_1265, %select_n3A_960 : vector<16xi1>, vector<16xf32>
            %add3A_1267 = arith.constant 32 : i32
            %add3A_1268 = vector.broadcast %add3A_1267 : i32 to vector<16xi32>
            %add3A_1269 = arith.addi %iota3A, %add3A_1268 : vector<16xi32>
            %eq3A_1270 = arith.cmpi eq, %add3A_1269, %broadcast_in_dim3A_1252 : vector<16xi32>
            %jit3A_1271 = arith.constant 3.000000e+38 : f32
            %broadcast_in_dim3A_1272 = vector.broadcast %jit3A_1271 : f32 to vector<16xf32>
            %select_n3A_1273 = arith.select %eq3A_1270, %broadcast_in_dim3A_1272, %select_n3A_976 : vector<16xi1>, vector<16xf32>
            %add3A_1274 = arith.constant 48 : i32
            %add3A_1275 = vector.broadcast %add3A_1274 : i32 to vector<16xi32>
            %add3A_1276 = arith.addi %iota3A, %add3A_1275 : vector<16xi32>
            %eq3A_1277 = arith.cmpi eq, %add3A_1276, %broadcast_in_dim3A_1252 : vector<16xi32>
            %jit3A_1278 = arith.constant 3.000000e+38 : f32
            %broadcast_in_dim3A_1279 = vector.broadcast %jit3A_1278 : f32 to vector<16xf32>
            %select_n3A_1280 = arith.select %eq3A_1277, %broadcast_in_dim3A_1279, %select_n3A_992 : vector<16xi1>, vector<16xf32>
            %add3A_1281 = arith.constant 64 : i32
            %add3A_1282 = vector.broadcast %add3A_1281 : i32 to vector<16xi32>
            %add3A_1283 = arith.addi %iota3A, %add3A_1282 : vector<16xi32>
            %eq3A_1284 = arith.cmpi eq, %add3A_1283, %broadcast_in_dim3A_1252 : vector<16xi32>
            %jit3A_1285 = arith.constant 3.000000e+38 : f32
            %broadcast_in_dim3A_1286 = vector.broadcast %jit3A_1285 : f32 to vector<16xf32>
            %select_n3A_1287 = arith.select %eq3A_1284, %broadcast_in_dim3A_1286, %select_n3A_1008 : vector<16xi1>, vector<16xf32>
            %add3A_1288 = arith.constant 80 : i32
            %add3A_1289 = vector.broadcast %add3A_1288 : i32 to vector<16xi32>
            %add3A_1290 = arith.addi %iota3A, %add3A_1289 : vector<16xi32>
            %eq3A_1291 = arith.cmpi eq, %add3A_1290, %broadcast_in_dim3A_1252 : vector<16xi32>
            %jit3A_1292 = arith.constant 3.000000e+38 : f32
            %broadcast_in_dim3A_1293 = vector.broadcast %jit3A_1292 : f32 to vector<16xf32>
            %select_n3A_1294 = arith.select %eq3A_1291, %broadcast_in_dim3A_1293, %select_n3A_1024 : vector<16xi1>, vector<16xf32>
            %add3A_1295 = arith.constant 96 : i32
            %add3A_1296 = vector.broadcast %add3A_1295 : i32 to vector<16xi32>
            %add3A_1297 = arith.addi %iota3A, %add3A_1296 : vector<16xi32>
            %eq3A_1298 = arith.cmpi eq, %add3A_1297, %broadcast_in_dim3A_1252 : vector<16xi32>
            %jit3A_1299 = arith.constant 3.000000e+38 : f32
            %broadcast_in_dim3A_1300 = vector.broadcast %jit3A_1299 : f32 to vector<16xf32>
            %select_n3A_1301 = arith.select %eq3A_1298, %broadcast_in_dim3A_1300, %select_n3A_1040 : vector<16xi1>, vector<16xf32>
            %add3A_1302 = arith.constant 112 : i32
            %add3A_1303 = vector.broadcast %add3A_1302 : i32 to vector<16xi32>
            %add3A_1304 = arith.addi %iota3A, %add3A_1303 : vector<16xi32>
            %eq3A_1305 = arith.cmpi eq, %add3A_1304, %broadcast_in_dim3A_1252 : vector<16xi32>
            %jit3A_1306 = arith.constant 3.000000e+38 : f32
            %broadcast_in_dim3A_1307 = vector.broadcast %jit3A_1306 : f32 to vector<16xf32>
            %select_n3A_1308 = arith.select %eq3A_1305, %broadcast_in_dim3A_1307, %select_n3A_1056 : vector<16xi1>, vector<16xf32>
            %add3A_1309 = arith.constant 128 : i32
            %add3A_1310 = vector.broadcast %add3A_1309 : i32 to vector<16xi32>
            %add3A_1311 = arith.addi %iota3A, %add3A_1310 : vector<16xi32>
            %eq3A_1312 = arith.cmpi eq, %add3A_1311, %broadcast_in_dim3A_1252 : vector<16xi32>
            %jit3A_1313 = arith.constant 3.000000e+38 : f32
            %broadcast_in_dim3A_1314 = vector.broadcast %jit3A_1313 : f32 to vector<16xf32>
            %select_n3A_1315 = arith.select %eq3A_1312, %broadcast_in_dim3A_1314, %select_n3A_1072 : vector<16xi1>, vector<16xf32>
            %add3A_1316 = arith.constant 144 : i32
            %add3A_1317 = vector.broadcast %add3A_1316 : i32 to vector<16xi32>
            %add3A_1318 = arith.addi %iota3A, %add3A_1317 : vector<16xi32>
            %eq3A_1319 = arith.cmpi eq, %add3A_1318, %broadcast_in_dim3A_1252 : vector<16xi32>
            %jit3A_1320 = arith.constant 3.000000e+38 : f32
            %broadcast_in_dim3A_1321 = vector.broadcast %jit3A_1320 : f32 to vector<16xf32>
            %select_n3A_1322 = arith.select %eq3A_1319, %broadcast_in_dim3A_1321, %select_n3A_1088 : vector<16xi1>, vector<16xf32>
            %add3A_1323 = arith.constant 160 : i32
            %add3A_1324 = vector.broadcast %add3A_1323 : i32 to vector<16xi32>
            %add3A_1325 = arith.addi %iota3A, %add3A_1324 : vector<16xi32>
            %eq3A_1326 = arith.cmpi eq, %add3A_1325, %broadcast_in_dim3A_1252 : vector<16xi32>
            %jit3A_1327 = arith.constant 3.000000e+38 : f32
            %broadcast_in_dim3A_1328 = vector.broadcast %jit3A_1327 : f32 to vector<16xf32>
            %select_n3A_1329 = arith.select %eq3A_1326, %broadcast_in_dim3A_1328, %select_n3A_1104 : vector<16xi1>, vector<16xf32>
            %add3A_1330 = arith.constant 176 : i32
            %add3A_1331 = vector.broadcast %add3A_1330 : i32 to vector<16xi32>
            %add3A_1332 = arith.addi %iota3A, %add3A_1331 : vector<16xi32>
            %eq3A_1333 = arith.cmpi eq, %add3A_1332, %broadcast_in_dim3A_1252 : vector<16xi32>
            %jit3A_1334 = arith.constant 3.000000e+38 : f32
            %broadcast_in_dim3A_1335 = vector.broadcast %jit3A_1334 : f32 to vector<16xf32>
            %select_n3A_1336 = arith.select %eq3A_1333, %broadcast_in_dim3A_1335, %select_n3A_1120 : vector<16xi1>, vector<16xf32>
            %add3A_1337 = arith.constant 192 : i32
            %add3A_1338 = vector.broadcast %add3A_1337 : i32 to vector<16xi32>
            %add3A_1339 = arith.addi %iota3A, %add3A_1338 : vector<16xi32>
            %eq3A_1340 = arith.cmpi eq, %add3A_1339, %broadcast_in_dim3A_1252 : vector<16xi32>
            %jit3A_1341 = arith.constant 3.000000e+38 : f32
            %broadcast_in_dim3A_1342 = vector.broadcast %jit3A_1341 : f32 to vector<16xf32>
            %select_n3A_1343 = arith.select %eq3A_1340, %broadcast_in_dim3A_1342, %select_n3A_1136 : vector<16xi1>, vector<16xf32>
            %add3A_1344 = arith.constant 208 : i32
            %add3A_1345 = vector.broadcast %add3A_1344 : i32 to vector<16xi32>
            %add3A_1346 = arith.addi %iota3A, %add3A_1345 : vector<16xi32>
            %eq3A_1347 = arith.cmpi eq, %add3A_1346, %broadcast_in_dim3A_1252 : vector<16xi32>
            %jit3A_1348 = arith.constant 3.000000e+38 : f32
            %broadcast_in_dim3A_1349 = vector.broadcast %jit3A_1348 : f32 to vector<16xf32>
            %select_n3A_1350 = arith.select %eq3A_1347, %broadcast_in_dim3A_1349, %select_n3A_1152 : vector<16xi1>, vector<16xf32>
            %add3A_1351 = arith.constant 224 : i32
            %add3A_1352 = vector.broadcast %add3A_1351 : i32 to vector<16xi32>
            %add3A_1353 = arith.addi %iota3A, %add3A_1352 : vector<16xi32>
            %eq3A_1354 = arith.cmpi eq, %add3A_1353, %broadcast_in_dim3A_1252 : vector<16xi32>
            %jit3A_1355 = arith.constant 3.000000e+38 : f32
            %broadcast_in_dim3A_1356 = vector.broadcast %jit3A_1355 : f32 to vector<16xf32>
            %select_n3A_1357 = arith.select %eq3A_1354, %broadcast_in_dim3A_1356, %select_n3A_1168 : vector<16xi1>, vector<16xf32>
            %add3A_1358 = arith.constant 240 : i32
            %add3A_1359 = vector.broadcast %add3A_1358 : i32 to vector<16xi32>
            %add3A_1360 = arith.addi %iota3A, %add3A_1359 : vector<16xi32>
            %eq3A_1361 = arith.cmpi eq, %add3A_1360, %broadcast_in_dim3A_1252 : vector<16xi32>
            %jit3A_1362 = arith.constant 3.000000e+38 : f32
            %broadcast_in_dim3A_1363 = vector.broadcast %jit3A_1362 : f32 to vector<16xf32>
            %select_n3A_1364 = arith.select %eq3A_1361, %broadcast_in_dim3A_1363, %select_n3A_1184 : vector<16xi1>, vector<16xf32>
            %add3A_1365 = arith.constant 256 : i32
            %add3A_1366 = vector.broadcast %add3A_1365 : i32 to vector<16xi32>
            %add3A_1367 = arith.addi %iota3A, %add3A_1366 : vector<16xi32>
            %eq3A_1368 = arith.cmpi eq, %add3A_1367, %broadcast_in_dim3A_1252 : vector<16xi32>
            %jit3A_1369 = arith.constant 3.000000e+38 : f32
            %broadcast_in_dim3A_1370 = vector.broadcast %jit3A_1369 : f32 to vector<16xf32>
            %select_n3A_1371 = arith.select %eq3A_1368, %broadcast_in_dim3A_1370, %select_n3A_1200 : vector<16xi1>, vector<16xf32>
            %add3A_1372 = arith.constant 272 : i32
            %add3A_1373 = vector.broadcast %add3A_1372 : i32 to vector<16xi32>
            %add3A_1374 = arith.addi %iota3A, %add3A_1373 : vector<16xi32>
            %eq3A_1375 = arith.cmpi eq, %add3A_1374, %broadcast_in_dim3A_1252 : vector<16xi32>
            %jit3A_1376 = arith.constant 3.000000e+38 : f32
            %broadcast_in_dim3A_1377 = vector.broadcast %jit3A_1376 : f32 to vector<16xf32>
            %select_n3A_1378 = arith.select %eq3A_1375, %broadcast_in_dim3A_1377, %select_n3A_1216 : vector<16xi1>, vector<16xf32>
            %add3A_1379 = arith.constant 288 : i32
            %add3A_1380 = vector.broadcast %add3A_1379 : i32 to vector<16xi32>
            %add3A_1381 = arith.addi %iota3A, %add3A_1380 : vector<16xi32>
            %eq3A_1382 = arith.cmpi eq, %add3A_1381, %broadcast_in_dim3A_1252 : vector<16xi32>
            %jit3A_1383 = arith.constant 3.000000e+38 : f32
            %broadcast_in_dim3A_1384 = vector.broadcast %jit3A_1383 : f32 to vector<16xf32>
            %select_n3A_1385 = arith.select %eq3A_1382, %broadcast_in_dim3A_1384, %select_n3A_1232 : vector<16xi1>, vector<16xf32>
            %iota3A_1386 = tpu.iota {dimensions = array<i32: 0>} : vector<16xi32>
            %eq3A_1387 = arith.constant 0 : i32
            %eq3A_1388 = vector.broadcast %eq3A_1387 : i32 to vector<16xi32>
            %eq3A_1389 = arith.cmpi eq, %iota3A_1386, %eq3A_1388 : vector<16xi32>
            tpu.vector_store_idx %arg9[%broadcast_in_dim3A_1252], %broadcast_in_dim3A_1251 masked %eq3A_1389 : memref<304xf32, #tpu.memory_space<vmem>>[vector<16xi32>], vector<16xf32>, vector<16xi1>
            %broadcast_in_dim3A_1390 = arith.constant -3.000000e+38 : f32
            %broadcast_in_dim3A_1391 = vector.broadcast %broadcast_in_dim3A_1390 : f32 to vector<16xf32>
            %iota3A_1392 = tpu.iota {dimensions = array<i32: 0>} : vector<16xi32>
            %eq3A_1393 = arith.constant 0 : i32
            %eq3A_1394 = vector.broadcast %eq3A_1393 : i32 to vector<16xi32>
            %eq3A_1395 = arith.cmpi eq, %iota3A_1392, %eq3A_1394 : vector<16xi32>
            tpu.vector_store_idx %arg8[%broadcast_in_dim3A_1252], %broadcast_in_dim3A_1391 masked %eq3A_1395 : memref<304xf32, #tpu.memory_space<vmem>>[vector<16xi32>], vector<16xf32>, vector<16xi1>
            %gather3A_1396 = tpu.vector_load_idx %arg11[%broadcast_in_dim3A_1252] : memref<304xi32, #tpu.memory_space<vmem>>[vector<16xi32>], vector<16xi32>,
            %slice3A_1397 = vector.extract_strided_slice %gather3A_1396 {offsets = [0], sizes = [1], strides = [1]} : vector<16xi32> to vector<1xi32>
            %squeeze3A_1398 = vector.extract %slice3A_1397[0] : i32 from vector<1xi32>
            %lt3A_1399 = arith.constant 0 : i32
            %lt3A_1400 = arith.cmpi slt, %squeeze3A_1398, %lt3A_1399 : i32
            %max3A = arith.constant 0 : i32
            %max3A_1401 = vector.broadcast %max3A : i32 to vector<16xi32>
            %max3A_1402 = arith.maxsi %gather3A_1396, %max3A_1401 : vector<16xi32>
            %gather3A_1403 = tpu.vector_load_idx %arg12[%max3A_1402] : memref<304xf32, #tpu.memory_space<vmem>>[vector<16xi32>], vector<16xf32>,
            %lt3A_1404 = arith.constant 0 : i32
            %lt3A_1405 = vector.broadcast %lt3A_1404 : i32 to vector<16xi32>
            %lt3A_1406 = arith.cmpi slt, %gather3A_1396, %lt3A_1405 : vector<16xi32>
            %sub3A_1407 = arith.subf %gather3A_1403, %broadcast_in_dim3A_1251 : vector<16xf32>
            %select_n3A_1408 = arith.select %lt3A_1406, %while3A_873, %sub3A_1407 : vector<16xi1>, vector<16xf32>
            %max3A_1409 = arith.constant 0 : i32
            %max3A_1410 = arith.maxsi %squeeze3A_1398, %max3A_1409 : i32
            scf.yield %max3A_1410, %broadcast_in_dim3A_1252, %select_n3A_1408, %lt3A_1400, %broadcast_in_dim3A_1251, %select_n3A_1259, %select_n3A_1266, %select_n3A_1273, %select_n3A_1280, %select_n3A_1287, %select_n3A_1294, %select_n3A_1301, %select_n3A_1308, %select_n3A_1315, %select_n3A_1322, %select_n3A_1329, %select_n3A_1336, %select_n3A_1343, %select_n3A_1350, %select_n3A_1357, %select_n3A_1364, %select_n3A_1371, %select_n3A_1378, %select_n3A_1385, %select_n3A_945, %select_n3A_961, %select_n3A_977, %select_n3A_993, %select_n3A_1009, %select_n3A_1025, %select_n3A_1041, %select_n3A_1057, %select_n3A_1073, %select_n3A_1089, %select_n3A_1105, %select_n3A_1121, %select_n3A_1137, %select_n3A_1153, %select_n3A_1169, %select_n3A_1185, %select_n3A_1201, %select_n3A_1217, %select_n3A_1233 : i32, vector<16xi32>, vector<16xf32>, i1, vector<16xf32>, vector<16xf32>, vector<16xf32>, vector<16xf32>, vector<16xf32>, vector<16xf32>, vector<16xf32>, vector<16xf32>, vector<16xf32>, vector<16xf32>, vector<16xf32>, vector<16xf32>, vector<16xf32>, vector<16xf32>, vector<16xf32>, vector<16xf32>, vector<16xf32>, vector<16xf32>, vector<16xf32>, vector<16xf32>, vector<16xi32>, vector<16xi32>, vector<16xi32>, vector<16xi32>, vector<16xi32>, vector<16xi32>, vector<16xi32>, vector<16xi32>, vector<16xi32>, vector<16xi32>, vector<16xi32>, vector<16xi32>, vector<16xi32>, vector<16xi32>, vector<16xi32>, vector<16xi32>, vector<16xi32>, vector<16xi32>, vector<16xi32>
          }
          %swap3A_405 = arith.constant 0 : index
          %swap3A_406 = tpu.vector_load %arg10[%swap3A_405] {strides = array<i32>} : memref<304xi32, #tpu.memory_space<vmem>>, vector<16xi32>,
          tpu.vector_store %arg10[%swap3A_405], %while3A_404#24 {strides = array<i32>} : memref<304xi32, #tpu.memory_space<vmem>>, vector<16xi32>,
          %swap3A_407 = arith.constant 16 : index
          %swap3A_408 = tpu.vector_load %arg10[%swap3A_407] {strides = array<i32>} : memref<304xi32, #tpu.memory_space<vmem>>, vector<16xi32>,
          tpu.vector_store %arg10[%swap3A_407], %while3A_404#25 {strides = array<i32>} : memref<304xi32, #tpu.memory_space<vmem>>, vector<16xi32>,
          %swap3A_409 = arith.constant 32 : index
          %swap3A_410 = tpu.vector_load %arg10[%swap3A_409] {strides = array<i32>} : memref<304xi32, #tpu.memory_space<vmem>>, vector<16xi32>,
          tpu.vector_store %arg10[%swap3A_409], %while3A_404#26 {strides = array<i32>} : memref<304xi32, #tpu.memory_space<vmem>>, vector<16xi32>,
          %swap3A_411 = arith.constant 48 : index
          %swap3A_412 = tpu.vector_load %arg10[%swap3A_411] {strides = array<i32>} : memref<304xi32, #tpu.memory_space<vmem>>, vector<16xi32>,
          tpu.vector_store %arg10[%swap3A_411], %while3A_404#27 {strides = array<i32>} : memref<304xi32, #tpu.memory_space<vmem>>, vector<16xi32>,
          %swap3A_413 = arith.constant 64 : index
          %swap3A_414 = tpu.vector_load %arg10[%swap3A_413] {strides = array<i32>} : memref<304xi32, #tpu.memory_space<vmem>>, vector<16xi32>,
          tpu.vector_store %arg10[%swap3A_413], %while3A_404#28 {strides = array<i32>} : memref<304xi32, #tpu.memory_space<vmem>>, vector<16xi32>,
          %swap3A_415 = arith.constant 80 : index
          %swap3A_416 = tpu.vector_load %arg10[%swap3A_415] {strides = array<i32>} : memref<304xi32, #tpu.memory_space<vmem>>, vector<16xi32>,
          tpu.vector_store %arg10[%swap3A_415], %while3A_404#29 {strides = array<i32>} : memref<304xi32, #tpu.memory_space<vmem>>, vector<16xi32>,
          %swap3A_417 = arith.constant 96 : index
          %swap3A_418 = tpu.vector_load %arg10[%swap3A_417] {strides = array<i32>} : memref<304xi32, #tpu.memory_space<vmem>>, vector<16xi32>,
          tpu.vector_store %arg10[%swap3A_417], %while3A_404#30 {strides = array<i32>} : memref<304xi32, #tpu.memory_space<vmem>>, vector<16xi32>,
          %swap3A_419 = arith.constant 112 : index
          %swap3A_420 = tpu.vector_load %arg10[%swap3A_419] {strides = array<i32>} : memref<304xi32, #tpu.memory_space<vmem>>, vector<16xi32>,
          tpu.vector_store %arg10[%swap3A_419], %while3A_404#31 {strides = array<i32>} : memref<304xi32, #tpu.memory_space<vmem>>, vector<16xi32>,
          %swap3A_421 = arith.constant 128 : index
          %swap3A_422 = tpu.vector_load %arg10[%swap3A_421] {strides = array<i32>} : memref<304xi32, #tpu.memory_space<vmem>>, vector<16xi32>,
          tpu.vector_store %arg10[%swap3A_421], %while3A_404#32 {strides = array<i32>} : memref<304xi32, #tpu.memory_space<vmem>>, vector<16xi32>,
          %swap3A_423 = arith.constant 144 : index
          %swap3A_424 = tpu.vector_load %arg10[%swap3A_423] {strides = array<i32>} : memref<304xi32, #tpu.memory_space<vmem>>, vector<16xi32>,
          tpu.vector_store %arg10[%swap3A_423], %while3A_404#33 {strides = array<i32>} : memref<304xi32, #tpu.memory_space<vmem>>, vector<16xi32>,
          %swap3A_425 = arith.constant 160 : index
          %swap3A_426 = tpu.vector_load %arg10[%swap3A_425] {strides = array<i32>} : memref<304xi32, #tpu.memory_space<vmem>>, vector<16xi32>,
          tpu.vector_store %arg10[%swap3A_425], %while3A_404#34 {strides = array<i32>} : memref<304xi32, #tpu.memory_space<vmem>>, vector<16xi32>,
          %swap3A_427 = arith.constant 176 : index
          %swap3A_428 = tpu.vector_load %arg10[%swap3A_427] {strides = array<i32>} : memref<304xi32, #tpu.memory_space<vmem>>, vector<16xi32>,
          tpu.vector_store %arg10[%swap3A_427], %while3A_404#35 {strides = array<i32>} : memref<304xi32, #tpu.memory_space<vmem>>, vector<16xi32>,
          %swap3A_429 = arith.constant 192 : index
          %swap3A_430 = tpu.vector_load %arg10[%swap3A_429] {strides = array<i32>} : memref<304xi32, #tpu.memory_space<vmem>>, vector<16xi32>,
          tpu.vector_store %arg10[%swap3A_429], %while3A_404#36 {strides = array<i32>} : memref<304xi32, #tpu.memory_space<vmem>>, vector<16xi32>,
          %swap3A_431 = arith.constant 208 : index
          %swap3A_432 = tpu.vector_load %arg10[%swap3A_431] {strides = array<i32>} : memref<304xi32, #tpu.memory_space<vmem>>, vector<16xi32>,
          tpu.vector_store %arg10[%swap3A_431], %while3A_404#37 {strides = array<i32>} : memref<304xi32, #tpu.memory_space<vmem>>, vector<16xi32>,
          %swap3A_433 = arith.constant 224 : index
          %swap3A_434 = tpu.vector_load %arg10[%swap3A_433] {strides = array<i32>} : memref<304xi32, #tpu.memory_space<vmem>>, vector<16xi32>,
          tpu.vector_store %arg10[%swap3A_433], %while3A_404#38 {strides = array<i32>} : memref<304xi32, #tpu.memory_space<vmem>>, vector<16xi32>,
          %swap3A_435 = arith.constant 240 : index
          %swap3A_436 = tpu.vector_load %arg10[%swap3A_435] {strides = array<i32>} : memref<304xi32, #tpu.memory_space<vmem>>, vector<16xi32>,
          tpu.vector_store %arg10[%swap3A_435], %while3A_404#39 {strides = array<i32>} : memref<304xi32, #tpu.memory_space<vmem>>, vector<16xi32>,
          %swap3A_437 = arith.constant 256 : index
          %swap3A_438 = tpu.vector_load %arg10[%swap3A_437] {strides = array<i32>} : memref<304xi32, #tpu.memory_space<vmem>>, vector<16xi32>,
          tpu.vector_store %arg10[%swap3A_437], %while3A_404#40 {strides = array<i32>} : memref<304xi32, #tpu.memory_space<vmem>>, vector<16xi32>,
          %swap3A_439 = arith.constant 272 : index
          %swap3A_440 = tpu.vector_load %arg10[%swap3A_439] {strides = array<i32>} : memref<304xi32, #tpu.memory_space<vmem>>, vector<16xi32>,
          tpu.vector_store %arg10[%swap3A_439], %while3A_404#41 {strides = array<i32>} : memref<304xi32, #tpu.memory_space<vmem>>, vector<16xi32>,
          %swap3A_441 = arith.constant 288 : index
          %swap3A_442 = tpu.vector_load %arg10[%swap3A_441] {strides = array<i32>} : memref<304xi32, #tpu.memory_space<vmem>>, vector<16xi32>,
          tpu.vector_store %arg10[%swap3A_441], %while3A_404#42 {strides = array<i32>} : memref<304xi32, #tpu.memory_space<vmem>>, vector<16xi32>,
          %broadcast_in_dim3A_443 = arith.constant 3.000000e+38 : f32
          %broadcast_in_dim3A_444 = vector.broadcast %broadcast_in_dim3A_443 : f32 to vector<16xf32>
          %iota3A_445 = tpu.iota {dimensions = array<i32: 0>} : vector<16xi32>
          %eq3A = arith.constant 0 : i32
          %eq3A_446 = vector.broadcast %eq3A : i32 to vector<16xi32>
          %eq3A_447 = arith.cmpi eq, %iota3A_445, %eq3A_446 : vector<16xi32>
          tpu.vector_store_idx %arg9[%while3A_404#1], %broadcast_in_dim3A_444 masked %eq3A_447 : memref<304xf32, #tpu.memory_space<vmem>>[vector<16xi32>], vector<16xf32>, vector<16xi1>
          %get3A_448 = arith.constant 0 : index
          %get3A_449 = tpu.vector_load %arg9[%get3A_448] {strides = array<i32>} : memref<304xf32, #tpu.memory_space<vmem>>, vector<16xf32>,
          %lt3A_450 = arith.constant 9.99999968E+37 : f32
          %lt3A_451 = vector.broadcast %lt3A_450 : f32 to vector<16xf32>
          %lt3A_452 = arith.cmpf olt, %get3A_449, %lt3A_451 : vector<16xf32>
          %sub3A = arith.subf %while3A_404#4, %get3A_449 : vector<16xf32>
          %get3A_453 = arith.constant 0 : index
          %get3A_454 = tpu.vector_load %arg7[%get3A_453] {strides = array<i32>} : memref<304xf32, #tpu.memory_space<vmem>>, vector<16xf32>,
          %sub3A_455 = arith.subf %get3A_454, %sub3A : vector<16xf32>
          %get3A_456 = arith.constant 0 : index
          %get3A_457 = tpu.vector_load %arg7[%get3A_456] {strides = array<i32>} : memref<304xf32, #tpu.memory_space<vmem>>, vector<16xf32>,
          %select_n3A = arith.select %lt3A_452, %sub3A_455, %get3A_457 : vector<16xi1>, vector<16xf32>
          %swap3A_458 = arith.constant 0 : index
          %swap3A_459 = tpu.vector_load %arg7[%swap3A_458] {strides = array<i32>} : memref<304xf32, #tpu.memory_space<vmem>>, vector<16xf32>,
          tpu.vector_store %arg7[%swap3A_458], %select_n3A {strides = array<i32>} : memref<304xf32, #tpu.memory_space<vmem>>, vector<16xf32>,
          %get3A_460 = arith.constant 0 : index
          %get3A_461 = tpu.vector_load %arg11[%get3A_460] {strides = array<i32>} : memref<304xi32, #tpu.memory_space<vmem>>, vector<16xi32>,
          %jit3A = arith.constant 0 : i32
          %broadcast_in_dim3A_462 = vector.broadcast %jit3A : i32 to vector<16xi32>
          %select_n3A_463 = arith.select %lt3A_452, %get3A_461, %broadcast_in_dim3A_462 : vector<16xi1>, vector<16xi32>
          %jit3A_464 = arith.constant 0.000000e+00 : f32
          %broadcast_in_dim3A_465 = vector.broadcast %jit3A_464 : f32 to vector<16xf32>
          %select_n3A_466 = arith.select %lt3A_452, %sub3A, %broadcast_in_dim3A_465 : vector<16xi1>, vector<16xf32>
          tpu.vector_store_idx %arg12[%select_n3A_463], %select_n3A_466 masked %lt3A_452 {add = true} : memref<304xf32, #tpu.memory_space<vmem>>[vector<16xi32>], vector<16xf32>, vector<16xi1>
          %get3A_467 = arith.constant 16 : index
          %get3A_468 = tpu.vector_load %arg9[%get3A_467] {strides = array<i32>} : memref<304xf32, #tpu.memory_space<vmem>>, vector<16xf32>,
          %lt3A_469 = arith.constant 9.99999968E+37 : f32
          %lt3A_470 = vector.broadcast %lt3A_469 : f32 to vector<16xf32>
          %lt3A_471 = arith.cmpf olt, %get3A_468, %lt3A_470 : vector<16xf32>
          %sub3A_472 = arith.subf %while3A_404#4, %get3A_468 : vector<16xf32>
          %get3A_473 = arith.constant 16 : index
          %get3A_474 = tpu.vector_load %arg7[%get3A_473] {strides = array<i32>} : memref<304xf32, #tpu.memory_space<vmem>>, vector<16xf32>,
          %sub3A_475 = arith.subf %get3A_474, %sub3A_472 : vector<16xf32>
          %get3A_476 = arith.constant 16 : index
          %get3A_477 = tpu.vector_load %arg7[%get3A_476] {strides = array<i32>} : memref<304xf32, #tpu.memory_space<vmem>>, vector<16xf32>,
          %select_n3A_478 = arith.select %lt3A_471, %sub3A_475, %get3A_477 : vector<16xi1>, vector<16xf32>
          %swap3A_479 = arith.constant 16 : index
          %swap3A_480 = tpu.vector_load %arg7[%swap3A_479] {strides = array<i32>} : memref<304xf32, #tpu.memory_space<vmem>>, vector<16xf32>,
          tpu.vector_store %arg7[%swap3A_479], %select_n3A_478 {strides = array<i32>} : memref<304xf32, #tpu.memory_space<vmem>>, vector<16xf32>,
          %get3A_481 = arith.constant 16 : index
          %get3A_482 = tpu.vector_load %arg11[%get3A_481] {strides = array<i32>} : memref<304xi32, #tpu.memory_space<vmem>>, vector<16xi32>,
          %jit3A_483 = arith.constant 0 : i32
          %broadcast_in_dim3A_484 = vector.broadcast %jit3A_483 : i32 to vector<16xi32>
          %select_n3A_485 = arith.select %lt3A_471, %get3A_482, %broadcast_in_dim3A_484 : vector<16xi1>, vector<16xi32>
          %jit3A_486 = arith.constant 0.000000e+00 : f32
          %broadcast_in_dim3A_487 = vector.broadcast %jit3A_486 : f32 to vector<16xf32>
          %select_n3A_488 = arith.select %lt3A_471, %sub3A_472, %broadcast_in_dim3A_487 : vector<16xi1>, vector<16xf32>
          tpu.vector_store_idx %arg12[%select_n3A_485], %select_n3A_488 masked %lt3A_471 {add = true} : memref<304xf32, #tpu.memory_space<vmem>>[vector<16xi32>], vector<16xf32>, vector<16xi1>
          %get3A_489 = arith.constant 32 : index
          %get3A_490 = tpu.vector_load %arg9[%get3A_489] {strides = array<i32>} : memref<304xf32, #tpu.memory_space<vmem>>, vector<16xf32>,
          %lt3A_491 = arith.constant 9.99999968E+37 : f32
          %lt3A_492 = vector.broadcast %lt3A_491 : f32 to vector<16xf32>
          %lt3A_493 = arith.cmpf olt, %get3A_490, %lt3A_492 : vector<16xf32>
          %sub3A_494 = arith.subf %while3A_404#4, %get3A_490 : vector<16xf32>
          %get3A_495 = arith.constant 32 : index
          %get3A_496 = tpu.vector_load %arg7[%get3A_495] {strides = array<i32>} : memref<304xf32, #tpu.memory_space<vmem>>, vector<16xf32>,
          %sub3A_497 = arith.subf %get3A_496, %sub3A_494 : vector<16xf32>
          %get3A_498 = arith.constant 32 : index
          %get3A_499 = tpu.vector_load %arg7[%get3A_498] {strides = array<i32>} : memref<304xf32, #tpu.memory_space<vmem>>, vector<16xf32>,
          %select_n3A_500 = arith.select %lt3A_493, %sub3A_497, %get3A_499 : vector<16xi1>, vector<16xf32>
          %swap3A_501 = arith.constant 32 : index
          %swap3A_502 = tpu.vector_load %arg7[%swap3A_501] {strides = array<i32>} : memref<304xf32, #tpu.memory_space<vmem>>, vector<16xf32>,
          tpu.vector_store %arg7[%swap3A_501], %select_n3A_500 {strides = array<i32>} : memref<304xf32, #tpu.memory_space<vmem>>, vector<16xf32>,
          %get3A_503 = arith.constant 32 : index
          %get3A_504 = tpu.vector_load %arg11[%get3A_503] {strides = array<i32>} : memref<304xi32, #tpu.memory_space<vmem>>, vector<16xi32>,
          %jit3A_505 = arith.constant 0 : i32
          %broadcast_in_dim3A_506 = vector.broadcast %jit3A_505 : i32 to vector<16xi32>
          %select_n3A_507 = arith.select %lt3A_493, %get3A_504, %broadcast_in_dim3A_506 : vector<16xi1>, vector<16xi32>
          %jit3A_508 = arith.constant 0.000000e+00 : f32
          %broadcast_in_dim3A_509 = vector.broadcast %jit3A_508 : f32 to vector<16xf32>
          %select_n3A_510 = arith.select %lt3A_493, %sub3A_494, %broadcast_in_dim3A_509 : vector<16xi1>, vector<16xf32>
          tpu.vector_store_idx %arg12[%select_n3A_507], %select_n3A_510 masked %lt3A_493 {add = true} : memref<304xf32, #tpu.memory_space<vmem>>[vector<16xi32>], vector<16xf32>, vector<16xi1>
          %get3A_511 = arith.constant 48 : index
          %get3A_512 = tpu.vector_load %arg9[%get3A_511] {strides = array<i32>} : memref<304xf32, #tpu.memory_space<vmem>>, vector<16xf32>,
          %lt3A_513 = arith.constant 9.99999968E+37 : f32
          %lt3A_514 = vector.broadcast %lt3A_513 : f32 to vector<16xf32>
          %lt3A_515 = arith.cmpf olt, %get3A_512, %lt3A_514 : vector<16xf32>
          %sub3A_516 = arith.subf %while3A_404#4, %get3A_512 : vector<16xf32>
          %get3A_517 = arith.constant 48 : index
          %get3A_518 = tpu.vector_load %arg7[%get3A_517] {strides = array<i32>} : memref<304xf32, #tpu.memory_space<vmem>>, vector<16xf32>,
          %sub3A_519 = arith.subf %get3A_518, %sub3A_516 : vector<16xf32>
          %get3A_520 = arith.constant 48 : index
          %get3A_521 = tpu.vector_load %arg7[%get3A_520] {strides = array<i32>} : memref<304xf32, #tpu.memory_space<vmem>>, vector<16xf32>,
          %select_n3A_522 = arith.select %lt3A_515, %sub3A_519, %get3A_521 : vector<16xi1>, vector<16xf32>
          %swap3A_523 = arith.constant 48 : index
          %swap3A_524 = tpu.vector_load %arg7[%swap3A_523] {strides = array<i32>} : memref<304xf32, #tpu.memory_space<vmem>>, vector<16xf32>,
          tpu.vector_store %arg7[%swap3A_523], %select_n3A_522 {strides = array<i32>} : memref<304xf32, #tpu.memory_space<vmem>>, vector<16xf32>,
          %get3A_525 = arith.constant 48 : index
          %get3A_526 = tpu.vector_load %arg11[%get3A_525] {strides = array<i32>} : memref<304xi32, #tpu.memory_space<vmem>>, vector<16xi32>,
          %jit3A_527 = arith.constant 0 : i32
          %broadcast_in_dim3A_528 = vector.broadcast %jit3A_527 : i32 to vector<16xi32>
          %select_n3A_529 = arith.select %lt3A_515, %get3A_526, %broadcast_in_dim3A_528 : vector<16xi1>, vector<16xi32>
          %jit3A_530 = arith.constant 0.000000e+00 : f32
          %broadcast_in_dim3A_531 = vector.broadcast %jit3A_530 : f32 to vector<16xf32>
          %select_n3A_532 = arith.select %lt3A_515, %sub3A_516, %broadcast_in_dim3A_531 : vector<16xi1>, vector<16xf32>
          tpu.vector_store_idx %arg12[%select_n3A_529], %select_n3A_532 masked %lt3A_515 {add = true} : memref<304xf32, #tpu.memory_space<vmem>>[vector<16xi32>], vector<16xf32>, vector<16xi1>
          %get3A_533 = arith.constant 64 : index
          %get3A_534 = tpu.vector_load %arg9[%get3A_533] {strides = array<i32>} : memref<304xf32, #tpu.memory_space<vmem>>, vector<16xf32>,
          %lt3A_535 = arith.constant 9.99999968E+37 : f32
          %lt3A_536 = vector.broadcast %lt3A_535 : f32 to vector<16xf32>
          %lt3A_537 = arith.cmpf olt, %get3A_534, %lt3A_536 : vector<16xf32>
          %sub3A_538 = arith.subf %while3A_404#4, %get3A_534 : vector<16xf32>
          %get3A_539 = arith.constant 64 : index
          %get3A_540 = tpu.vector_load %arg7[%get3A_539] {strides = array<i32>} : memref<304xf32, #tpu.memory_space<vmem>>, vector<16xf32>,
          %sub3A_541 = arith.subf %get3A_540, %sub3A_538 : vector<16xf32>
          %get3A_542 = arith.constant 64 : index
          %get3A_543 = tpu.vector_load %arg7[%get3A_542] {strides = array<i32>} : memref<304xf32, #tpu.memory_space<vmem>>, vector<16xf32>,
          %select_n3A_544 = arith.select %lt3A_537, %sub3A_541, %get3A_543 : vector<16xi1>, vector<16xf32>
          %swap3A_545 = arith.constant 64 : index
          %swap3A_546 = tpu.vector_load %arg7[%swap3A_545] {strides = array<i32>} : memref<304xf32, #tpu.memory_space<vmem>>, vector<16xf32>,
          tpu.vector_store %arg7[%swap3A_545], %select_n3A_544 {strides = array<i32>} : memref<304xf32, #tpu.memory_space<vmem>>, vector<16xf32>,
          %get3A_547 = arith.constant 64 : index
          %get3A_548 = tpu.vector_load %arg11[%get3A_547] {strides = array<i32>} : memref<304xi32, #tpu.memory_space<vmem>>, vector<16xi32>,
          %jit3A_549 = arith.constant 0 : i32
          %broadcast_in_dim3A_550 = vector.broadcast %jit3A_549 : i32 to vector<16xi32>
          %select_n3A_551 = arith.select %lt3A_537, %get3A_548, %broadcast_in_dim3A_550 : vector<16xi1>, vector<16xi32>
          %jit3A_552 = arith.constant 0.000000e+00 : f32
          %broadcast_in_dim3A_553 = vector.broadcast %jit3A_552 : f32 to vector<16xf32>
          %select_n3A_554 = arith.select %lt3A_537, %sub3A_538, %broadcast_in_dim3A_553 : vector<16xi1>, vector<16xf32>
          tpu.vector_store_idx %arg12[%select_n3A_551], %select_n3A_554 masked %lt3A_537 {add = true} : memref<304xf32, #tpu.memory_space<vmem>>[vector<16xi32>], vector<16xf32>, vector<16xi1>
          %get3A_555 = arith.constant 80 : index
          %get3A_556 = tpu.vector_load %arg9[%get3A_555] {strides = array<i32>} : memref<304xf32, #tpu.memory_space<vmem>>, vector<16xf32>,
          %lt3A_557 = arith.constant 9.99999968E+37 : f32
          %lt3A_558 = vector.broadcast %lt3A_557 : f32 to vector<16xf32>
          %lt3A_559 = arith.cmpf olt, %get3A_556, %lt3A_558 : vector<16xf32>
          %sub3A_560 = arith.subf %while3A_404#4, %get3A_556 : vector<16xf32>
          %get3A_561 = arith.constant 80 : index
          %get3A_562 = tpu.vector_load %arg7[%get3A_561] {strides = array<i32>} : memref<304xf32, #tpu.memory_space<vmem>>, vector<16xf32>,
          %sub3A_563 = arith.subf %get3A_562, %sub3A_560 : vector<16xf32>
          %get3A_564 = arith.constant 80 : index
          %get3A_565 = tpu.vector_load %arg7[%get3A_564] {strides = array<i32>} : memref<304xf32, #tpu.memory_space<vmem>>, vector<16xf32>,
          %select_n3A_566 = arith.select %lt3A_559, %sub3A_563, %get3A_565 : vector<16xi1>, vector<16xf32>
          %swap3A_567 = arith.constant 80 : index
          %swap3A_568 = tpu.vector_load %arg7[%swap3A_567] {strides = array<i32>} : memref<304xf32, #tpu.memory_space<vmem>>, vector<16xf32>,
          tpu.vector_store %arg7[%swap3A_567], %select_n3A_566 {strides = array<i32>} : memref<304xf32, #tpu.memory_space<vmem>>, vector<16xf32>,
          %get3A_569 = arith.constant 80 : index
          %get3A_570 = tpu.vector_load %arg11[%get3A_569] {strides = array<i32>} : memref<304xi32, #tpu.memory_space<vmem>>, vector<16xi32>,
          %jit3A_571 = arith.constant 0 : i32
          %broadcast_in_dim3A_572 = vector.broadcast %jit3A_571 : i32 to vector<16xi32>
          %select_n3A_573 = arith.select %lt3A_559, %get3A_570, %broadcast_in_dim3A_572 : vector<16xi1>, vector<16xi32>
          %jit3A_574 = arith.constant 0.000000e+00 : f32
          %broadcast_in_dim3A_575 = vector.broadcast %jit3A_574 : f32 to vector<16xf32>
          %select_n3A_576 = arith.select %lt3A_559, %sub3A_560, %broadcast_in_dim3A_575 : vector<16xi1>, vector<16xf32>
          tpu.vector_store_idx %arg12[%select_n3A_573], %select_n3A_576 masked %lt3A_559 {add = true} : memref<304xf32, #tpu.memory_space<vmem>>[vector<16xi32>], vector<16xf32>, vector<16xi1>
          %get3A_577 = arith.constant 96 : index
          %get3A_578 = tpu.vector_load %arg9[%get3A_577] {strides = array<i32>} : memref<304xf32, #tpu.memory_space<vmem>>, vector<16xf32>,
          %lt3A_579 = arith.constant 9.99999968E+37 : f32
          %lt3A_580 = vector.broadcast %lt3A_579 : f32 to vector<16xf32>
          %lt3A_581 = arith.cmpf olt, %get3A_578, %lt3A_580 : vector<16xf32>
          %sub3A_582 = arith.subf %while3A_404#4, %get3A_578 : vector<16xf32>
          %get3A_583 = arith.constant 96 : index
          %get3A_584 = tpu.vector_load %arg7[%get3A_583] {strides = array<i32>} : memref<304xf32, #tpu.memory_space<vmem>>, vector<16xf32>,
          %sub3A_585 = arith.subf %get3A_584, %sub3A_582 : vector<16xf32>
          %get3A_586 = arith.constant 96 : index
          %get3A_587 = tpu.vector_load %arg7[%get3A_586] {strides = array<i32>} : memref<304xf32, #tpu.memory_space<vmem>>, vector<16xf32>,
          %select_n3A_588 = arith.select %lt3A_581, %sub3A_585, %get3A_587 : vector<16xi1>, vector<16xf32>
          %swap3A_589 = arith.constant 96 : index
          %swap3A_590 = tpu.vector_load %arg7[%swap3A_589] {strides = array<i32>} : memref<304xf32, #tpu.memory_space<vmem>>, vector<16xf32>,
          tpu.vector_store %arg7[%swap3A_589], %select_n3A_588 {strides = array<i32>} : memref<304xf32, #tpu.memory_space<vmem>>, vector<16xf32>,
          %get3A_591 = arith.constant 96 : index
          %get3A_592 = tpu.vector_load %arg11[%get3A_591] {strides = array<i32>} : memref<304xi32, #tpu.memory_space<vmem>>, vector<16xi32>,
          %jit3A_593 = arith.constant 0 : i32
          %broadcast_in_dim3A_594 = vector.broadcast %jit3A_593 : i32 to vector<16xi32>
          %select_n3A_595 = arith.select %lt3A_581, %get3A_592, %broadcast_in_dim3A_594 : vector<16xi1>, vector<16xi32>
          %jit3A_596 = arith.constant 0.000000e+00 : f32
          %broadcast_in_dim3A_597 = vector.broadcast %jit3A_596 : f32 to vector<16xf32>
          %select_n3A_598 = arith.select %lt3A_581, %sub3A_582, %broadcast_in_dim3A_597 : vector<16xi1>, vector<16xf32>
          tpu.vector_store_idx %arg12[%select_n3A_595], %select_n3A_598 masked %lt3A_581 {add = true} : memref<304xf32, #tpu.memory_space<vmem>>[vector<16xi32>], vector<16xf32>, vector<16xi1>
          %get3A_599 = arith.constant 112 : index
          %get3A_600 = tpu.vector_load %arg9[%get3A_599] {strides = array<i32>} : memref<304xf32, #tpu.memory_space<vmem>>, vector<16xf32>,
          %lt3A_601 = arith.constant 9.99999968E+37 : f32
          %lt3A_602 = vector.broadcast %lt3A_601 : f32 to vector<16xf32>
          %lt3A_603 = arith.cmpf olt, %get3A_600, %lt3A_602 : vector<16xf32>
          %sub3A_604 = arith.subf %while3A_404#4, %get3A_600 : vector<16xf32>
          %get3A_605 = arith.constant 112 : index
          %get3A_606 = tpu.vector_load %arg7[%get3A_605] {strides = array<i32>} : memref<304xf32, #tpu.memory_space<vmem>>, vector<16xf32>,
          %sub3A_607 = arith.subf %get3A_606, %sub3A_604 : vector<16xf32>
          %get3A_608 = arith.constant 112 : index
          %get3A_609 = tpu.vector_load %arg7[%get3A_608] {strides = array<i32>} : memref<304xf32, #tpu.memory_space<vmem>>, vector<16xf32>,
          %select_n3A_610 = arith.select %lt3A_603, %sub3A_607, %get3A_609 : vector<16xi1>, vector<16xf32>
          %swap3A_611 = arith.constant 112 : index
          %swap3A_612 = tpu.vector_load %arg7[%swap3A_611] {strides = array<i32>} : memref<304xf32, #tpu.memory_space<vmem>>, vector<16xf32>,
          tpu.vector_store %arg7[%swap3A_611], %select_n3A_610 {strides = array<i32>} : memref<304xf32, #tpu.memory_space<vmem>>, vector<16xf32>,
          %get3A_613 = arith.constant 112 : index
          %get3A_614 = tpu.vector_load %arg11[%get3A_613] {strides = array<i32>} : memref<304xi32, #tpu.memory_space<vmem>>, vector<16xi32>,
          %jit3A_615 = arith.constant 0 : i32
          %broadcast_in_dim3A_616 = vector.broadcast %jit3A_615 : i32 to vector<16xi32>
          %select_n3A_617 = arith.select %lt3A_603, %get3A_614, %broadcast_in_dim3A_616 : vector<16xi1>, vector<16xi32>
          %jit3A_618 = arith.constant 0.000000e+00 : f32
          %broadcast_in_dim3A_619 = vector.broadcast %jit3A_618 : f32 to vector<16xf32>
          %select_n3A_620 = arith.select %lt3A_603, %sub3A_604, %broadcast_in_dim3A_619 : vector<16xi1>, vector<16xf32>
          tpu.vector_store_idx %arg12[%select_n3A_617], %select_n3A_620 masked %lt3A_603 {add = true} : memref<304xf32, #tpu.memory_space<vmem>>[vector<16xi32>], vector<16xf32>, vector<16xi1>
          %get3A_621 = arith.constant 128 : index
          %get3A_622 = tpu.vector_load %arg9[%get3A_621] {strides = array<i32>} : memref<304xf32, #tpu.memory_space<vmem>>, vector<16xf32>,
          %lt3A_623 = arith.constant 9.99999968E+37 : f32
          %lt3A_624 = vector.broadcast %lt3A_623 : f32 to vector<16xf32>
          %lt3A_625 = arith.cmpf olt, %get3A_622, %lt3A_624 : vector<16xf32>
          %sub3A_626 = arith.subf %while3A_404#4, %get3A_622 : vector<16xf32>
          %get3A_627 = arith.constant 128 : index
          %get3A_628 = tpu.vector_load %arg7[%get3A_627] {strides = array<i32>} : memref<304xf32, #tpu.memory_space<vmem>>, vector<16xf32>,
          %sub3A_629 = arith.subf %get3A_628, %sub3A_626 : vector<16xf32>
          %get3A_630 = arith.constant 128 : index
          %get3A_631 = tpu.vector_load %arg7[%get3A_630] {strides = array<i32>} : memref<304xf32, #tpu.memory_space<vmem>>, vector<16xf32>,
          %select_n3A_632 = arith.select %lt3A_625, %sub3A_629, %get3A_631 : vector<16xi1>, vector<16xf32>
          %swap3A_633 = arith.constant 128 : index
          %swap3A_634 = tpu.vector_load %arg7[%swap3A_633] {strides = array<i32>} : memref<304xf32, #tpu.memory_space<vmem>>, vector<16xf32>,
          tpu.vector_store %arg7[%swap3A_633], %select_n3A_632 {strides = array<i32>} : memref<304xf32, #tpu.memory_space<vmem>>, vector<16xf32>,
          %get3A_635 = arith.constant 128 : index
          %get3A_636 = tpu.vector_load %arg11[%get3A_635] {strides = array<i32>} : memref<304xi32, #tpu.memory_space<vmem>>, vector<16xi32>,
          %jit3A_637 = arith.constant 0 : i32
          %broadcast_in_dim3A_638 = vector.broadcast %jit3A_637 : i32 to vector<16xi32>
          %select_n3A_639 = arith.select %lt3A_625, %get3A_636, %broadcast_in_dim3A_638 : vector<16xi1>, vector<16xi32>
          %jit3A_640 = arith.constant 0.000000e+00 : f32
          %broadcast_in_dim3A_641 = vector.broadcast %jit3A_640 : f32 to vector<16xf32>
          %select_n3A_642 = arith.select %lt3A_625, %sub3A_626, %broadcast_in_dim3A_641 : vector<16xi1>, vector<16xf32>
          tpu.vector_store_idx %arg12[%select_n3A_639], %select_n3A_642 masked %lt3A_625 {add = true} : memref<304xf32, #tpu.memory_space<vmem>>[vector<16xi32>], vector<16xf32>, vector<16xi1>
          %get3A_643 = arith.constant 144 : index
          %get3A_644 = tpu.vector_load %arg9[%get3A_643] {strides = array<i32>} : memref<304xf32, #tpu.memory_space<vmem>>, vector<16xf32>,
          %lt3A_645 = arith.constant 9.99999968E+37 : f32
          %lt3A_646 = vector.broadcast %lt3A_645 : f32 to vector<16xf32>
          %lt3A_647 = arith.cmpf olt, %get3A_644, %lt3A_646 : vector<16xf32>
          %sub3A_648 = arith.subf %while3A_404#4, %get3A_644 : vector<16xf32>
          %get3A_649 = arith.constant 144 : index
          %get3A_650 = tpu.vector_load %arg7[%get3A_649] {strides = array<i32>} : memref<304xf32, #tpu.memory_space<vmem>>, vector<16xf32>,
          %sub3A_651 = arith.subf %get3A_650, %sub3A_648 : vector<16xf32>
          %get3A_652 = arith.constant 144 : index
          %get3A_653 = tpu.vector_load %arg7[%get3A_652] {strides = array<i32>} : memref<304xf32, #tpu.memory_space<vmem>>, vector<16xf32>,
          %select_n3A_654 = arith.select %lt3A_647, %sub3A_651, %get3A_653 : vector<16xi1>, vector<16xf32>
          %swap3A_655 = arith.constant 144 : index
          %swap3A_656 = tpu.vector_load %arg7[%swap3A_655] {strides = array<i32>} : memref<304xf32, #tpu.memory_space<vmem>>, vector<16xf32>,
          tpu.vector_store %arg7[%swap3A_655], %select_n3A_654 {strides = array<i32>} : memref<304xf32, #tpu.memory_space<vmem>>, vector<16xf32>,
          %get3A_657 = arith.constant 144 : index
          %get3A_658 = tpu.vector_load %arg11[%get3A_657] {strides = array<i32>} : memref<304xi32, #tpu.memory_space<vmem>>, vector<16xi32>,
          %jit3A_659 = arith.constant 0 : i32
          %broadcast_in_dim3A_660 = vector.broadcast %jit3A_659 : i32 to vector<16xi32>
          %select_n3A_661 = arith.select %lt3A_647, %get3A_658, %broadcast_in_dim3A_660 : vector<16xi1>, vector<16xi32>
          %jit3A_662 = arith.constant 0.000000e+00 : f32
          %broadcast_in_dim3A_663 = vector.broadcast %jit3A_662 : f32 to vector<16xf32>
          %select_n3A_664 = arith.select %lt3A_647, %sub3A_648, %broadcast_in_dim3A_663 : vector<16xi1>, vector<16xf32>
          tpu.vector_store_idx %arg12[%select_n3A_661], %select_n3A_664 masked %lt3A_647 {add = true} : memref<304xf32, #tpu.memory_space<vmem>>[vector<16xi32>], vector<16xf32>, vector<16xi1>
          %get3A_665 = arith.constant 160 : index
          %get3A_666 = tpu.vector_load %arg9[%get3A_665] {strides = array<i32>} : memref<304xf32, #tpu.memory_space<vmem>>, vector<16xf32>,
          %lt3A_667 = arith.constant 9.99999968E+37 : f32
          %lt3A_668 = vector.broadcast %lt3A_667 : f32 to vector<16xf32>
          %lt3A_669 = arith.cmpf olt, %get3A_666, %lt3A_668 : vector<16xf32>
          %sub3A_670 = arith.subf %while3A_404#4, %get3A_666 : vector<16xf32>
          %get3A_671 = arith.constant 160 : index
          %get3A_672 = tpu.vector_load %arg7[%get3A_671] {strides = array<i32>} : memref<304xf32, #tpu.memory_space<vmem>>, vector<16xf32>,
          %sub3A_673 = arith.subf %get3A_672, %sub3A_670 : vector<16xf32>
          %get3A_674 = arith.constant 160 : index
          %get3A_675 = tpu.vector_load %arg7[%get3A_674] {strides = array<i32>} : memref<304xf32, #tpu.memory_space<vmem>>, vector<16xf32>,
          %select_n3A_676 = arith.select %lt3A_669, %sub3A_673, %get3A_675 : vector<16xi1>, vector<16xf32>
          %swap3A_677 = arith.constant 160 : index
          %swap3A_678 = tpu.vector_load %arg7[%swap3A_677] {strides = array<i32>} : memref<304xf32, #tpu.memory_space<vmem>>, vector<16xf32>,
          tpu.vector_store %arg7[%swap3A_677], %select_n3A_676 {strides = array<i32>} : memref<304xf32, #tpu.memory_space<vmem>>, vector<16xf32>,
          %get3A_679 = arith.constant 160 : index
          %get3A_680 = tpu.vector_load %arg11[%get3A_679] {strides = array<i32>} : memref<304xi32, #tpu.memory_space<vmem>>, vector<16xi32>,
          %jit3A_681 = arith.constant 0 : i32
          %broadcast_in_dim3A_682 = vector.broadcast %jit3A_681 : i32 to vector<16xi32>
          %select_n3A_683 = arith.select %lt3A_669, %get3A_680, %broadcast_in_dim3A_682 : vector<16xi1>, vector<16xi32>
          %jit3A_684 = arith.constant 0.000000e+00 : f32
          %broadcast_in_dim3A_685 = vector.broadcast %jit3A_684 : f32 to vector<16xf32>
          %select_n3A_686 = arith.select %lt3A_669, %sub3A_670, %broadcast_in_dim3A_685 : vector<16xi1>, vector<16xf32>
          tpu.vector_store_idx %arg12[%select_n3A_683], %select_n3A_686 masked %lt3A_669 {add = true} : memref<304xf32, #tpu.memory_space<vmem>>[vector<16xi32>], vector<16xf32>, vector<16xi1>
          %get3A_687 = arith.constant 176 : index
          %get3A_688 = tpu.vector_load %arg9[%get3A_687] {strides = array<i32>} : memref<304xf32, #tpu.memory_space<vmem>>, vector<16xf32>,
          %lt3A_689 = arith.constant 9.99999968E+37 : f32
          %lt3A_690 = vector.broadcast %lt3A_689 : f32 to vector<16xf32>
          %lt3A_691 = arith.cmpf olt, %get3A_688, %lt3A_690 : vector<16xf32>
          %sub3A_692 = arith.subf %while3A_404#4, %get3A_688 : vector<16xf32>
          %get3A_693 = arith.constant 176 : index
          %get3A_694 = tpu.vector_load %arg7[%get3A_693] {strides = array<i32>} : memref<304xf32, #tpu.memory_space<vmem>>, vector<16xf32>,
          %sub3A_695 = arith.subf %get3A_694, %sub3A_692 : vector<16xf32>
          %get3A_696 = arith.constant 176 : index
          %get3A_697 = tpu.vector_load %arg7[%get3A_696] {strides = array<i32>} : memref<304xf32, #tpu.memory_space<vmem>>, vector<16xf32>,
          %select_n3A_698 = arith.select %lt3A_691, %sub3A_695, %get3A_697 : vector<16xi1>, vector<16xf32>
          %swap3A_699 = arith.constant 176 : index
          %swap3A_700 = tpu.vector_load %arg7[%swap3A_699] {strides = array<i32>} : memref<304xf32, #tpu.memory_space<vmem>>, vector<16xf32>,
          tpu.vector_store %arg7[%swap3A_699], %select_n3A_698 {strides = array<i32>} : memref<304xf32, #tpu.memory_space<vmem>>, vector<16xf32>,
          %get3A_701 = arith.constant 176 : index
          %get3A_702 = tpu.vector_load %arg11[%get3A_701] {strides = array<i32>} : memref<304xi32, #tpu.memory_space<vmem>>, vector<16xi32>,
          %jit3A_703 = arith.constant 0 : i32
          %broadcast_in_dim3A_704 = vector.broadcast %jit3A_703 : i32 to vector<16xi32>
          %select_n3A_705 = arith.select %lt3A_691, %get3A_702, %broadcast_in_dim3A_704 : vector<16xi1>, vector<16xi32>
          %jit3A_706 = arith.constant 0.000000e+00 : f32
          %broadcast_in_dim3A_707 = vector.broadcast %jit3A_706 : f32 to vector<16xf32>
          %select_n3A_708 = arith.select %lt3A_691, %sub3A_692, %broadcast_in_dim3A_707 : vector<16xi1>, vector<16xf32>
          tpu.vector_store_idx %arg12[%select_n3A_705], %select_n3A_708 masked %lt3A_691 {add = true} : memref<304xf32, #tpu.memory_space<vmem>>[vector<16xi32>], vector<16xf32>, vector<16xi1>
          %get3A_709 = arith.constant 192 : index
          %get3A_710 = tpu.vector_load %arg9[%get3A_709] {strides = array<i32>} : memref<304xf32, #tpu.memory_space<vmem>>, vector<16xf32>,
          %lt3A_711 = arith.constant 9.99999968E+37 : f32
          %lt3A_712 = vector.broadcast %lt3A_711 : f32 to vector<16xf32>
          %lt3A_713 = arith.cmpf olt, %get3A_710, %lt3A_712 : vector<16xf32>
          %sub3A_714 = arith.subf %while3A_404#4, %get3A_710 : vector<16xf32>
          %get3A_715 = arith.constant 192 : index
          %get3A_716 = tpu.vector_load %arg7[%get3A_715] {strides = array<i32>} : memref<304xf32, #tpu.memory_space<vmem>>, vector<16xf32>,
          %sub3A_717 = arith.subf %get3A_716, %sub3A_714 : vector<16xf32>
          %get3A_718 = arith.constant 192 : index
          %get3A_719 = tpu.vector_load %arg7[%get3A_718] {strides = array<i32>} : memref<304xf32, #tpu.memory_space<vmem>>, vector<16xf32>,
          %select_n3A_720 = arith.select %lt3A_713, %sub3A_717, %get3A_719 : vector<16xi1>, vector<16xf32>
          %swap3A_721 = arith.constant 192 : index
          %swap3A_722 = tpu.vector_load %arg7[%swap3A_721] {strides = array<i32>} : memref<304xf32, #tpu.memory_space<vmem>>, vector<16xf32>,
          tpu.vector_store %arg7[%swap3A_721], %select_n3A_720 {strides = array<i32>} : memref<304xf32, #tpu.memory_space<vmem>>, vector<16xf32>,
          %get3A_723 = arith.constant 192 : index
          %get3A_724 = tpu.vector_load %arg11[%get3A_723] {strides = array<i32>} : memref<304xi32, #tpu.memory_space<vmem>>, vector<16xi32>,
          %jit3A_725 = arith.constant 0 : i32
          %broadcast_in_dim3A_726 = vector.broadcast %jit3A_725 : i32 to vector<16xi32>
          %select_n3A_727 = arith.select %lt3A_713, %get3A_724, %broadcast_in_dim3A_726 : vector<16xi1>, vector<16xi32>
          %jit3A_728 = arith.constant 0.000000e+00 : f32
          %broadcast_in_dim3A_729 = vector.broadcast %jit3A_728 : f32 to vector<16xf32>
          %select_n3A_730 = arith.select %lt3A_713, %sub3A_714, %broadcast_in_dim3A_729 : vector<16xi1>, vector<16xf32>
          tpu.vector_store_idx %arg12[%select_n3A_727], %select_n3A_730 masked %lt3A_713 {add = true} : memref<304xf32, #tpu.memory_space<vmem>>[vector<16xi32>], vector<16xf32>, vector<16xi1>
          %get3A_731 = arith.constant 208 : index
          %get3A_732 = tpu.vector_load %arg9[%get3A_731] {strides = array<i32>} : memref<304xf32, #tpu.memory_space<vmem>>, vector<16xf32>,
          %lt3A_733 = arith.constant 9.99999968E+37 : f32
          %lt3A_734 = vector.broadcast %lt3A_733 : f32 to vector<16xf32>
          %lt3A_735 = arith.cmpf olt, %get3A_732, %lt3A_734 : vector<16xf32>
          %sub3A_736 = arith.subf %while3A_404#4, %get3A_732 : vector<16xf32>
          %get3A_737 = arith.constant 208 : index
          %get3A_738 = tpu.vector_load %arg7[%get3A_737] {strides = array<i32>} : memref<304xf32, #tpu.memory_space<vmem>>, vector<16xf32>,
          %sub3A_739 = arith.subf %get3A_738, %sub3A_736 : vector<16xf32>
          %get3A_740 = arith.constant 208 : index
          %get3A_741 = tpu.vector_load %arg7[%get3A_740] {strides = array<i32>} : memref<304xf32, #tpu.memory_space<vmem>>, vector<16xf32>,
          %select_n3A_742 = arith.select %lt3A_735, %sub3A_739, %get3A_741 : vector<16xi1>, vector<16xf32>
          %swap3A_743 = arith.constant 208 : index
          %swap3A_744 = tpu.vector_load %arg7[%swap3A_743] {strides = array<i32>} : memref<304xf32, #tpu.memory_space<vmem>>, vector<16xf32>,
          tpu.vector_store %arg7[%swap3A_743], %select_n3A_742 {strides = array<i32>} : memref<304xf32, #tpu.memory_space<vmem>>, vector<16xf32>,
          %get3A_745 = arith.constant 208 : index
          %get3A_746 = tpu.vector_load %arg11[%get3A_745] {strides = array<i32>} : memref<304xi32, #tpu.memory_space<vmem>>, vector<16xi32>,
          %jit3A_747 = arith.constant 0 : i32
          %broadcast_in_dim3A_748 = vector.broadcast %jit3A_747 : i32 to vector<16xi32>
          %select_n3A_749 = arith.select %lt3A_735, %get3A_746, %broadcast_in_dim3A_748 : vector<16xi1>, vector<16xi32>
          %jit3A_750 = arith.constant 0.000000e+00 : f32
          %broadcast_in_dim3A_751 = vector.broadcast %jit3A_750 : f32 to vector<16xf32>
          %select_n3A_752 = arith.select %lt3A_735, %sub3A_736, %broadcast_in_dim3A_751 : vector<16xi1>, vector<16xf32>
          tpu.vector_store_idx %arg12[%select_n3A_749], %select_n3A_752 masked %lt3A_735 {add = true} : memref<304xf32, #tpu.memory_space<vmem>>[vector<16xi32>], vector<16xf32>, vector<16xi1>
          %get3A_753 = arith.constant 224 : index
          %get3A_754 = tpu.vector_load %arg9[%get3A_753] {strides = array<i32>} : memref<304xf32, #tpu.memory_space<vmem>>, vector<16xf32>,
          %lt3A_755 = arith.constant 9.99999968E+37 : f32
          %lt3A_756 = vector.broadcast %lt3A_755 : f32 to vector<16xf32>
          %lt3A_757 = arith.cmpf olt, %get3A_754, %lt3A_756 : vector<16xf32>
          %sub3A_758 = arith.subf %while3A_404#4, %get3A_754 : vector<16xf32>
          %get3A_759 = arith.constant 224 : index
          %get3A_760 = tpu.vector_load %arg7[%get3A_759] {strides = array<i32>} : memref<304xf32, #tpu.memory_space<vmem>>, vector<16xf32>,
          %sub3A_761 = arith.subf %get3A_760, %sub3A_758 : vector<16xf32>
          %get3A_762 = arith.constant 224 : index
          %get3A_763 = tpu.vector_load %arg7[%get3A_762] {strides = array<i32>} : memref<304xf32, #tpu.memory_space<vmem>>, vector<16xf32>,
          %select_n3A_764 = arith.select %lt3A_757, %sub3A_761, %get3A_763 : vector<16xi1>, vector<16xf32>
          %swap3A_765 = arith.constant 224 : index
          %swap3A_766 = tpu.vector_load %arg7[%swap3A_765] {strides = array<i32>} : memref<304xf32, #tpu.memory_space<vmem>>, vector<16xf32>,
          tpu.vector_store %arg7[%swap3A_765], %select_n3A_764 {strides = array<i32>} : memref<304xf32, #tpu.memory_space<vmem>>, vector<16xf32>,
          %get3A_767 = arith.constant 224 : index
          %get3A_768 = tpu.vector_load %arg11[%get3A_767] {strides = array<i32>} : memref<304xi32, #tpu.memory_space<vmem>>, vector<16xi32>,
          %jit3A_769 = arith.constant 0 : i32
          %broadcast_in_dim3A_770 = vector.broadcast %jit3A_769 : i32 to vector<16xi32>
          %select_n3A_771 = arith.select %lt3A_757, %get3A_768, %broadcast_in_dim3A_770 : vector<16xi1>, vector<16xi32>
          %jit3A_772 = arith.constant 0.000000e+00 : f32
          %broadcast_in_dim3A_773 = vector.broadcast %jit3A_772 : f32 to vector<16xf32>
          %select_n3A_774 = arith.select %lt3A_757, %sub3A_758, %broadcast_in_dim3A_773 : vector<16xi1>, vector<16xf32>
          tpu.vector_store_idx %arg12[%select_n3A_771], %select_n3A_774 masked %lt3A_757 {add = true} : memref<304xf32, #tpu.memory_space<vmem>>[vector<16xi32>], vector<16xf32>, vector<16xi1>
          %get3A_775 = arith.constant 240 : index
          %get3A_776 = tpu.vector_load %arg9[%get3A_775] {strides = array<i32>} : memref<304xf32, #tpu.memory_space<vmem>>, vector<16xf32>,
          %lt3A_777 = arith.constant 9.99999968E+37 : f32
          %lt3A_778 = vector.broadcast %lt3A_777 : f32 to vector<16xf32>
          %lt3A_779 = arith.cmpf olt, %get3A_776, %lt3A_778 : vector<16xf32>
          %sub3A_780 = arith.subf %while3A_404#4, %get3A_776 : vector<16xf32>
          %get3A_781 = arith.constant 240 : index
          %get3A_782 = tpu.vector_load %arg7[%get3A_781] {strides = array<i32>} : memref<304xf32, #tpu.memory_space<vmem>>, vector<16xf32>,
          %sub3A_783 = arith.subf %get3A_782, %sub3A_780 : vector<16xf32>
          %get3A_784 = arith.constant 240 : index
          %get3A_785 = tpu.vector_load %arg7[%get3A_784] {strides = array<i32>} : memref<304xf32, #tpu.memory_space<vmem>>, vector<16xf32>,
          %select_n3A_786 = arith.select %lt3A_779, %sub3A_783, %get3A_785 : vector<16xi1>, vector<16xf32>
          %swap3A_787 = arith.constant 240 : index
          %swap3A_788 = tpu.vector_load %arg7[%swap3A_787] {strides = array<i32>} : memref<304xf32, #tpu.memory_space<vmem>>, vector<16xf32>,
          tpu.vector_store %arg7[%swap3A_787], %select_n3A_786 {strides = array<i32>} : memref<304xf32, #tpu.memory_space<vmem>>, vector<16xf32>,
          %get3A_789 = arith.constant 240 : index
          %get3A_790 = tpu.vector_load %arg11[%get3A_789] {strides = array<i32>} : memref<304xi32, #tpu.memory_space<vmem>>, vector<16xi32>,
          %jit3A_791 = arith.constant 0 : i32
          %broadcast_in_dim3A_792 = vector.broadcast %jit3A_791 : i32 to vector<16xi32>
          %select_n3A_793 = arith.select %lt3A_779, %get3A_790, %broadcast_in_dim3A_792 : vector<16xi1>, vector<16xi32>
          %jit3A_794 = arith.constant 0.000000e+00 : f32
          %broadcast_in_dim3A_795 = vector.broadcast %jit3A_794 : f32 to vector<16xf32>
          %select_n3A_796 = arith.select %lt3A_779, %sub3A_780, %broadcast_in_dim3A_795 : vector<16xi1>, vector<16xf32>
          tpu.vector_store_idx %arg12[%select_n3A_793], %select_n3A_796 masked %lt3A_779 {add = true} : memref<304xf32, #tpu.memory_space<vmem>>[vector<16xi32>], vector<16xf32>, vector<16xi1>
          %get3A_797 = arith.constant 256 : index
          %get3A_798 = tpu.vector_load %arg9[%get3A_797] {strides = array<i32>} : memref<304xf32, #tpu.memory_space<vmem>>, vector<16xf32>,
          %lt3A_799 = arith.constant 9.99999968E+37 : f32
          %lt3A_800 = vector.broadcast %lt3A_799 : f32 to vector<16xf32>
          %lt3A_801 = arith.cmpf olt, %get3A_798, %lt3A_800 : vector<16xf32>
          %sub3A_802 = arith.subf %while3A_404#4, %get3A_798 : vector<16xf32>
          %get3A_803 = arith.constant 256 : index
          %get3A_804 = tpu.vector_load %arg7[%get3A_803] {strides = array<i32>} : memref<304xf32, #tpu.memory_space<vmem>>, vector<16xf32>,
          %sub3A_805 = arith.subf %get3A_804, %sub3A_802 : vector<16xf32>
          %get3A_806 = arith.constant 256 : index
          %get3A_807 = tpu.vector_load %arg7[%get3A_806] {strides = array<i32>} : memref<304xf32, #tpu.memory_space<vmem>>, vector<16xf32>,
          %select_n3A_808 = arith.select %lt3A_801, %sub3A_805, %get3A_807 : vector<16xi1>, vector<16xf32>
          %swap3A_809 = arith.constant 256 : index
          %swap3A_810 = tpu.vector_load %arg7[%swap3A_809] {strides = array<i32>} : memref<304xf32, #tpu.memory_space<vmem>>, vector<16xf32>,
          tpu.vector_store %arg7[%swap3A_809], %select_n3A_808 {strides = array<i32>} : memref<304xf32, #tpu.memory_space<vmem>>, vector<16xf32>,
          %get3A_811 = arith.constant 256 : index
          %get3A_812 = tpu.vector_load %arg11[%get3A_811] {strides = array<i32>} : memref<304xi32, #tpu.memory_space<vmem>>, vector<16xi32>,
          %jit3A_813 = arith.constant 0 : i32
          %broadcast_in_dim3A_814 = vector.broadcast %jit3A_813 : i32 to vector<16xi32>
          %select_n3A_815 = arith.select %lt3A_801, %get3A_812, %broadcast_in_dim3A_814 : vector<16xi1>, vector<16xi32>
          %jit3A_816 = arith.constant 0.000000e+00 : f32
          %broadcast_in_dim3A_817 = vector.broadcast %jit3A_816 : f32 to vector<16xf32>
          %select_n3A_818 = arith.select %lt3A_801, %sub3A_802, %broadcast_in_dim3A_817 : vector<16xi1>, vector<16xf32>
          tpu.vector_store_idx %arg12[%select_n3A_815], %select_n3A_818 masked %lt3A_801 {add = true} : memref<304xf32, #tpu.memory_space<vmem>>[vector<16xi32>], vector<16xf32>, vector<16xi1>
          %get3A_819 = arith.constant 272 : index
          %get3A_820 = tpu.vector_load %arg9[%get3A_819] {strides = array<i32>} : memref<304xf32, #tpu.memory_space<vmem>>, vector<16xf32>,
          %lt3A_821 = arith.constant 9.99999968E+37 : f32
          %lt3A_822 = vector.broadcast %lt3A_821 : f32 to vector<16xf32>
          %lt3A_823 = arith.cmpf olt, %get3A_820, %lt3A_822 : vector<16xf32>
          %sub3A_824 = arith.subf %while3A_404#4, %get3A_820 : vector<16xf32>
          %get3A_825 = arith.constant 272 : index
          %get3A_826 = tpu.vector_load %arg7[%get3A_825] {strides = array<i32>} : memref<304xf32, #tpu.memory_space<vmem>>, vector<16xf32>,
          %sub3A_827 = arith.subf %get3A_826, %sub3A_824 : vector<16xf32>
          %get3A_828 = arith.constant 272 : index
          %get3A_829 = tpu.vector_load %arg7[%get3A_828] {strides = array<i32>} : memref<304xf32, #tpu.memory_space<vmem>>, vector<16xf32>,
          %select_n3A_830 = arith.select %lt3A_823, %sub3A_827, %get3A_829 : vector<16xi1>, vector<16xf32>
          %swap3A_831 = arith.constant 272 : index
          %swap3A_832 = tpu.vector_load %arg7[%swap3A_831] {strides = array<i32>} : memref<304xf32, #tpu.memory_space<vmem>>, vector<16xf32>,
          tpu.vector_store %arg7[%swap3A_831], %select_n3A_830 {strides = array<i32>} : memref<304xf32, #tpu.memory_space<vmem>>, vector<16xf32>,
          %get3A_833 = arith.constant 272 : index
          %get3A_834 = tpu.vector_load %arg11[%get3A_833] {strides = array<i32>} : memref<304xi32, #tpu.memory_space<vmem>>, vector<16xi32>,
          %jit3A_835 = arith.constant 0 : i32
          %broadcast_in_dim3A_836 = vector.broadcast %jit3A_835 : i32 to vector<16xi32>
          %select_n3A_837 = arith.select %lt3A_823, %get3A_834, %broadcast_in_dim3A_836 : vector<16xi1>, vector<16xi32>
          %jit3A_838 = arith.constant 0.000000e+00 : f32
          %broadcast_in_dim3A_839 = vector.broadcast %jit3A_838 : f32 to vector<16xf32>
          %select_n3A_840 = arith.select %lt3A_823, %sub3A_824, %broadcast_in_dim3A_839 : vector<16xi1>, vector<16xf32>
          tpu.vector_store_idx %arg12[%select_n3A_837], %select_n3A_840 masked %lt3A_823 {add = true} : memref<304xf32, #tpu.memory_space<vmem>>[vector<16xi32>], vector<16xf32>, vector<16xi1>
          %get3A_841 = arith.constant 288 : index
          %get3A_842 = tpu.vector_load %arg9[%get3A_841] {strides = array<i32>} : memref<304xf32, #tpu.memory_space<vmem>>, vector<16xf32>,
          %lt3A_843 = arith.constant 9.99999968E+37 : f32
          %lt3A_844 = vector.broadcast %lt3A_843 : f32 to vector<16xf32>
          %lt3A_845 = arith.cmpf olt, %get3A_842, %lt3A_844 : vector<16xf32>
          %sub3A_846 = arith.subf %while3A_404#4, %get3A_842 : vector<16xf32>
          %get3A_847 = arith.constant 288 : index
          %get3A_848 = tpu.vector_load %arg7[%get3A_847] {strides = array<i32>} : memref<304xf32, #tpu.memory_space<vmem>>, vector<16xf32>,
          %sub3A_849 = arith.subf %get3A_848, %sub3A_846 : vector<16xf32>
          %get3A_850 = arith.constant 288 : index
          %get3A_851 = tpu.vector_load %arg7[%get3A_850] {strides = array<i32>} : memref<304xf32, #tpu.memory_space<vmem>>, vector<16xf32>,
          %select_n3A_852 = arith.select %lt3A_845, %sub3A_849, %get3A_851 : vector<16xi1>, vector<16xf32>
          %swap3A_853 = arith.constant 288 : index
          %swap3A_854 = tpu.vector_load %arg7[%swap3A_853] {strides = array<i32>} : memref<304xf32, #tpu.memory_space<vmem>>, vector<16xf32>,
          tpu.vector_store %arg7[%swap3A_853], %select_n3A_852 {strides = array<i32>} : memref<304xf32, #tpu.memory_space<vmem>>, vector<16xf32>,
          %get3A_855 = arith.constant 288 : index
          %get3A_856 = tpu.vector_load %arg11[%get3A_855] {strides = array<i32>} : memref<304xi32, #tpu.memory_space<vmem>>, vector<16xi32>,
          %jit3A_857 = arith.constant 0 : i32
          %broadcast_in_dim3A_858 = vector.broadcast %jit3A_857 : i32 to vector<16xi32>
          %select_n3A_859 = arith.select %lt3A_845, %get3A_856, %broadcast_in_dim3A_858 : vector<16xi1>, vector<16xi32>
          %jit3A_860 = arith.constant 0.000000e+00 : f32
          %broadcast_in_dim3A_861 = vector.broadcast %jit3A_860 : f32 to vector<16xf32>
          %select_n3A_862 = arith.select %lt3A_845, %sub3A_846, %broadcast_in_dim3A_861 : vector<16xi1>, vector<16xf32>
          tpu.vector_store_idx %arg12[%select_n3A_859], %select_n3A_862 masked %lt3A_845 {add = true} : memref<304xf32, #tpu.memory_space<vmem>>[vector<16xi32>], vector<16xf32>, vector<16xi1>
          %broadcast_in_dim3A_863 = vector.broadcast %scan3A_158 : i32 to vector<16xi32>
          %iota3A_864 = tpu.iota {dimensions = array<i32: 0>} : vector<16xi32>
          %eq3A_865 = arith.constant 0 : i32
          %eq3A_866 = vector.broadcast %eq3A_865 : i32 to vector<16xi32>
          %eq3A_867 = arith.cmpi eq, %iota3A_864, %eq3A_866 : vector<16xi32>
          tpu.vector_store_idx %arg12[%broadcast_in_dim3A_863], %while3A_404#4 masked %eq3A_867 {add = true} : memref<304xf32, #tpu.memory_space<vmem>>[vector<16xi32>], vector<16xf32>, vector<16xi1>
          %broadcast_in_dim3A_868 = vector.broadcast %scan3A_158 : i32 to vector<16xi32>
          %while3A_869 = arith.constant false
          %while3A_870:2 = scf.while (%while3A_871 = %while3A_404#1, %while3A_872 = %while3A_869) : (vector<16xi32>, i1) -> (vector<16xi32>, i1) {
            %not3A = arith.constant true
            %not3A_873 = arith.xori %while3A_872, %not3A : i1
            scf.condition(%not3A_873) %while3A_871, %while3A_872 : vector<16xi32>, i1
          } do {
          ^bb0(%while3A_871: vector<16xi32>, %while3A_872: i1):
            %gather3A_873 = tpu.vector_load_idx %arg10[%while3A_871] : memref<304xi32, #tpu.memory_space<vmem>>[vector<16xi32>], vector<16xi32>,
            %lt3A_874 = arith.constant 0 : i32
            %lt3A_875 = vector.broadcast %lt3A_874 : i32 to vector<16xi32>
            %lt3A_876 = arith.cmpi slt, %gather3A_873, %lt3A_875 : vector<16xi32>
            %reduce_min3A_877 = arith.constant true
            %reduce_min3A_878 = vector.broadcast %reduce_min3A_877 : i1 to vector<16xi1>
            %reduce_min3A_879 = arith.constant -2147483648 : i32
            %reduce_min3A_880 = vector.broadcast %reduce_min3A_879 : i32 to vector<16xi32>
            %reduce_min3A_881 = arith.xori %gather3A_873, %reduce_min3A_880 : vector<16xi32>
            %reduce_min3A_882 = tpu.scan <min>, %reduce_min3A_881 masked %reduce_min3A_878 : vector<16xi32>, vector<16xi1> -> vector<16xi32>
            %reduce_min3A_883 = arith.xori %reduce_min3A_882, %reduce_min3A_880 : vector<16xi32>
            %reduce_min3A_884 = vector.extract %reduce_min3A_883[15] : i32 from vector<16xi32>
            %lt3A_885 = arith.constant 0 : i32
            %lt3A_886 = arith.cmpi slt, %reduce_min3A_884, %lt3A_885 : i32
            %max3A = arith.constant 0 : i32
            %max3A_887 = vector.broadcast %max3A : i32 to vector<16xi32>
            %max3A_888 = arith.maxsi %gather3A_873, %max3A_887 : vector<16xi32>
            %gather3A_889 = tpu.vector_load_idx %arg11[%max3A_888] : memref<304xi32, #tpu.memory_space<vmem>>[vector<16xi32>], vector<16xi32>,
            %select_n3A_890 = arith.select %lt3A_876, %broadcast_in_dim3A_868, %gather3A_889 : vector<16xi1>, vector<16xi32>
            %iota3A_891 = tpu.iota {dimensions = array<i32: 0>} : vector<16xi32>
            %eq3A_892 = arith.constant 0 : i32
            %eq3A_893 = vector.broadcast %eq3A_892 : i32 to vector<16xi32>
            %eq3A_894 = arith.cmpi eq, %iota3A_891, %eq3A_893 : vector<16xi32>
            tpu.vector_store_idx %arg11[%while3A_871], %select_n3A_890 masked %eq3A_894 : memref<304xi32, #tpu.memory_space<vmem>>[vector<16xi32>], vector<16xi32>, vector<16xi1>
            %select_n3A_895 = arith.select %lt3A_876, %while3A_871, %gather3A_873 : vector<16xi1>, vector<16xi32>
            scf.yield %select_n3A_895, %lt3A_886 : vector<16xi32>, i1
          }
        } else {
        }
      }
      %scan3A_157 = arith.constant 300 : i32
      "tpu.region"() ({
        %run_scoped3A = tpu.sem_alloc : memref<!tpu.dma_semaphore, #tpu.memory_space<semaphore_mem>>
        %dma_start3A = arith.constant 0 : i32
        %dma_start3A_158 = tpu.memref_slice %arg5[%add3A, %dma_start3A] : memref<8x304xi32, #tpu.memory_space<hbm>> -> memref<1x304xi32, #tpu.memory_space<hbm>>
        %dma_start3A_159 = tpu.memref_squeeze %dma_start3A_158 : memref<1x304xi32, #tpu.memory_space<hbm>> -> memref<304xi32, #tpu.memory_space<hbm>>
        %dma_start3A_160 = arith.constant 0 : i32
        %dma_start3A_161 = tpu.memref_slice %arg5[%add3A, %dma_start3A_160] : memref<8x304xi32, #tpu.memory_space<hbm>> -> memref<1x304xi32, #tpu.memory_space<hbm>>
        %dma_start3A_162 = tpu.memref_squeeze %dma_start3A_161 : memref<1x304xi32, #tpu.memory_space<hbm>> -> memref<304xi32, #tpu.memory_space<hbm>>
        tpu.enqueue_dma source(%arg11 : memref<304xi32, #tpu.memory_space<vmem>>) target(%dma_start3A_162 : memref<304xi32, #tpu.memory_space<hbm>>) target_semaphore(%run_scoped3A : memref<!tpu.dma_semaphore, #tpu.memory_space<semaphore_mem>>)
        %dma_wait3A = arith.constant 0 : i32
        %dma_wait3A_163 = tpu.memref_slice %arg5[%add3A, %dma_wait3A] : memref<8x304xi32, #tpu.memory_space<hbm>> -> memref<1x304xi32, #tpu.memory_space<hbm>>
        %dma_wait3A_164 = tpu.memref_squeeze %dma_wait3A_163 : memref<1x304xi32, #tpu.memory_space<hbm>> -> memref<304xi32, #tpu.memory_space<hbm>>
        %dma_wait3A_165 = arith.constant 0 : i32
        %dma_wait3A_166 = tpu.memref_slice %arg5[%add3A, %dma_wait3A_165] : memref<8x304xi32, #tpu.memory_space<hbm>> -> memref<1x304xi32, #tpu.memory_space<hbm>>
        %dma_wait3A_167 = tpu.memref_squeeze %dma_wait3A_166 : memref<1x304xi32, #tpu.memory_space<hbm>> -> memref<304xi32, #tpu.memory_space<hbm>>
        tpu.wait_dma2 semaphore(%run_scoped3A : memref<!tpu.dma_semaphore, #tpu.memory_space<semaphore_mem>>) src(%arg11 : memref<304xi32, #tpu.memory_space<vmem>>) dst(%dma_wait3A_167 : memref<304xi32, #tpu.memory_space<hbm>>)
        tpu.yield
      }) : () -> ()
    } else {
    }
    return
  }
}

module attributes {stable_mosaic.version = 14 : i64} {
  func.func @_prep_kernel(%arg0: memref<8x300x300xf32, #tpu.memory_space<vmem>>, %arg1: memref<8x1x300xi32, #tpu.memory_space<vmem>>, %arg2: memref<8x304x304xf32, #tpu.memory_space<vmem>>, %arg3: memref<8x304xf32, #tpu.memory_space<vmem>>) attributes {dimension_semantics = [], scalar_prefetch = 0 : i64, scratch_operands = 0 : i64, tpu.core_type = #tpu.core_type<tc>} {
    %get3A = arith.constant 0 : index
    %get3A_0 = arith.constant 0 : index
    %get3A_1 = arith.constant 0 : index
    %get3A_2 = vector.load %arg0[%get3A, %get3A_0, %get3A_1] : memref<8x300x300xf32, #tpu.memory_space<vmem>>, vector<8x300x300xf32>
    %get3A_3 = arith.constant 0 : index
    %get3A_4 = arith.constant 0 : index
    %get3A_5 = arith.constant 0 : index
    %get3A_6 = vector.load %arg1[%get3A_3, %get3A_4, %get3A_5] : memref<8x1x300xi32, #tpu.memory_space<vmem>>, vector<8x1x300xi32>
    %abs3A = math.absf %get3A_2 : vector<8x300x300xf32>
    %neg3A = arith.constant 0.000000e+00 : f32
    %neg3A_7 = vector.broadcast %neg3A : f32 to vector<8x300x300xf32>
    %neg3A_8 = arith.subf %neg3A_7, %abs3A : vector<8x300x300xf32>
    %exp3A = math.exp %neg3A_8 : vector<8x300x300xf32>
    %log1p3A = math.log1p %exp3A : vector<8x300x300xf32>
    %max3A = arith.constant 0.000000e+00 : f32
    %max3A_9 = vector.broadcast %max3A : f32 to vector<8x300x300xf32>
    %max3A_10 = arith.maximumf %get3A_2, %max3A_9 : vector<8x300x300xf32>
    %add3A = arith.addf %log1p3A, %max3A_10 : vector<8x300x300xf32>
    %eq3A = arith.constant 0 : i32
    %eq3A_11 = vector.broadcast %eq3A : i32 to vector<8x1x300xi32>
    %eq3A_12 = arith.cmpi eq, %get3A_6, %eq3A_11 : vector<8x1x300xi32>
    %jit3A = arith.constant 0.000000e+00 : f32
    %broadcast_in_dim3A = vector.shape_cast %eq3A_12 : vector<8x1x300xi1> to vector<8x1x300xi1>
    %broadcast_in_dim3A_13 = vector.broadcast %broadcast_in_dim3A : vector<8x1x300xi1> to vector<8x300x300xi1>
    %broadcast_in_dim3A_14 = vector.broadcast %jit3A : f32 to vector<8x300x300xf32>
    %select_n3A = arith.select %broadcast_in_dim3A_13, %add3A, %broadcast_in_dim3A_14 : vector<8x300x300xi1>, vector<8x300x300xf32>
    %reduce_sum3A = arith.constant dense<0.000000e+00> : vector<8x300xf32>
    %reduce_sum3A_15 = vector.multi_reduction <add>, %select_n3A, %reduce_sum3A [2] : vector<8x300x300xf32> to vector<8x300xf32>
    %neg3A_16 = arith.constant 0.000000e+00 : f32
    %neg3A_17 = vector.broadcast %neg3A_16 : f32 to vector<8x300xf32>
    %neg3A_18 = arith.subf %neg3A_17, %reduce_sum3A_15 : vector<8x300xf32>
    %broadcast_in_dim3A_19 = arith.constant 0x7FC00000 : f32
    %broadcast_in_dim3A_20 = vector.broadcast %broadcast_in_dim3A_19 : f32 to vector<8x4xf32>
    %concatenate3A = tpu.concatenate %neg3A_18, %broadcast_in_dim3A_20 in 1 : vector<8x300xf32>, vector<8x4xf32> -> vector<8x304xf32>
    %swap3A = arith.constant 0 : index
    %swap3A_21 = arith.constant 0 : index
    %swap3A_22 = vector.load %arg3[%swap3A, %swap3A_21] : memref<8x304xf32, #tpu.memory_space<vmem>>, vector<8x304xf32>
    tpu.vector_store %arg3[%swap3A, %swap3A_21], %concatenate3A {strides = array<i32>} : memref<8x304xf32, #tpu.memory_space<vmem>>, vector<8x304xf32>,
    %transpose3A = tpu.transpose %get3A_2, [0, 2, 1] : vector<8x300x300xf32> -> vector<8x300x300xf32>
    %broadcast_in_dim3A_23 = arith.constant 0.000000e+00 : f32
    %broadcast_in_dim3A_24 = vector.broadcast %broadcast_in_dim3A_23 : f32 to vector<8x4x300xf32>
    %concatenate3A_25 = tpu.concatenate %transpose3A, %broadcast_in_dim3A_24 in 1 : vector<8x300x300xf32>, vector<8x4x300xf32> -> vector<8x304x300xf32>
    %broadcast_in_dim3A_26 = arith.constant 0.000000e+00 : f32
    %broadcast_in_dim3A_27 = vector.broadcast %broadcast_in_dim3A_26 : f32 to vector<8x304x4xf32>
    %concatenate3A_28 = tpu.concatenate %concatenate3A_25, %broadcast_in_dim3A_27 in 2 : vector<8x304x300xf32>, vector<8x304x4xf32> -> vector<8x304x304xf32>
    %swap3A_29 = arith.constant 0 : index
    %swap3A_30 = arith.constant 0 : index
    %swap3A_31 = arith.constant 0 : index
    %swap3A_32 = vector.load %arg2[%swap3A_29, %swap3A_30, %swap3A_31] : memref<8x304x304xf32, #tpu.memory_space<vmem>>, vector<8x304x304xf32>
    tpu.vector_store %arg2[%swap3A_29, %swap3A_30, %swap3A_31], %concatenate3A_28 {strides = array<i32>} : memref<8x304x304xf32, #tpu.memory_space<vmem>>, vector<8x304x304xf32>,
    return
  }
}

module attributes {stable_mosaic.version = 14 : i64} {
  func.func @_loss_kernel(%arg0: memref<8x300x300xf32, #tpu.memory_space<vmem>>, %arg1: memref<8x1x300xi32, #tpu.memory_space<vmem>>, %arg2: memref<8x300x1xi32, #tpu.memory_space<vmem>>, %arg3: memref<8x300x300xf32, #tpu.memory_space<vmem>>, %arg4: memref<1x1xf32, #tpu.memory_space<smem>>) attributes {dimension_semantics = [], scalar_prefetch = 0 : i64, scratch_operands = 0 : i64, tpu.core_type = #tpu.core_type<tc>} {
    %get3A = arith.constant 0 : index
    %get3A_0 = arith.constant 0 : index
    %get3A_1 = arith.constant 0 : index
    %get3A_2 = vector.load %arg0[%get3A, %get3A_0, %get3A_1] : memref<8x300x300xf32, #tpu.memory_space<vmem>>, vector<8x300x300xf32>
    %get3A_3 = arith.constant 0 : index
    %get3A_4 = arith.constant 0 : index
    %get3A_5 = arith.constant 0 : index
    %get3A_6 = vector.load %arg1[%get3A_3, %get3A_4, %get3A_5] : memref<8x1x300xi32, #tpu.memory_space<vmem>>, vector<8x1x300xi32>
    %get3A_7 = arith.constant 0 : index
    %get3A_8 = arith.constant 0 : index
    %get3A_9 = arith.constant 0 : index
    %get3A_10 = vector.load %arg2[%get3A_7, %get3A_8, %get3A_9] : memref<8x300x1xi32, #tpu.memory_space<vmem>>, vector<8x300x1xi32>
    %iota3A = tpu.iota {dimensions = array<i32: 2>} : vector<8x300x300xi32>
    %eq3A = vector.broadcast %get3A_10 : vector<8x300x1xi32> to vector<8x300x300xi32>
    %eq3A_11 = arith.cmpi eq, %eq3A, %iota3A : vector<8x300x300xi32>
    %convert_element_type3A = arith.extui %eq3A_11 : vector<8x300x300xi1> to vector<8x300x300xi32>
    %convert_element_type3A_12 = arith.sitofp %convert_element_type3A : vector<8x300x300xi32> to vector<8x300x300xf32>
    %ge3A = arith.constant 0 : i32
    %ge3A_13 = vector.broadcast %ge3A : i32 to vector<8x300x1xi32>
    %ge3A_14 = arith.cmpi sge, %get3A_10, %ge3A_13 : vector<8x300x1xi32>
    %convert_element_type3A_15 = arith.extui %ge3A_14 : vector<8x300x1xi1> to vector<8x300x1xi32>
    %convert_element_type3A_16 = arith.sitofp %convert_element_type3A_15 : vector<8x300x1xi32> to vector<8x300x1xf32>
    %eq3A_17 = arith.constant 0 : i32
    %eq3A_18 = vector.broadcast %eq3A_17 : i32 to vector<8x1x300xi32>
    %eq3A_19 = arith.cmpi eq, %get3A_6, %eq3A_18 : vector<8x1x300xi32>
    %neg3A = arith.constant 0.000000e+00 : f32
    %neg3A_20 = vector.broadcast %neg3A : f32 to vector<8x300x300xf32>
    %neg3A_21 = arith.subf %neg3A_20, %get3A_2 : vector<8x300x300xf32>
    %abs3A = math.absf %neg3A_21 : vector<8x300x300xf32>
    %neg3A_22 = arith.constant 0.000000e+00 : f32
    %neg3A_23 = vector.broadcast %neg3A_22 : f32 to vector<8x300x300xf32>
    %neg3A_24 = arith.subf %neg3A_23, %abs3A : vector<8x300x300xf32>
    %exp3A = math.exp %neg3A_24 : vector<8x300x300xf32>
    %log1p3A = math.log1p %exp3A : vector<8x300x300xf32>
    %max3A = arith.constant 0.000000e+00 : f32
    %max3A_25 = vector.broadcast %max3A : f32 to vector<8x300x300xf32>
    %max3A_26 = arith.maximumf %neg3A_21, %max3A_25 : vector<8x300x300xf32>
    %add3A = arith.addf %log1p3A, %max3A_26 : vector<8x300x300xf32>
    %abs3A_27 = math.absf %get3A_2 : vector<8x300x300xf32>
    %neg3A_28 = arith.constant 0.000000e+00 : f32
    %neg3A_29 = vector.broadcast %neg3A_28 : f32 to vector<8x300x300xf32>
    %neg3A_30 = arith.subf %neg3A_29, %abs3A_27 : vector<8x300x300xf32>
    %exp3A_31 = math.exp %neg3A_30 : vector<8x300x300xf32>
    %log1p3A_32 = math.log1p %exp3A_31 : vector<8x300x300xf32>
    %max3A_33 = arith.constant 0.000000e+00 : f32
    %max3A_34 = vector.broadcast %max3A_33 : f32 to vector<8x300x300xf32>
    %max3A_35 = arith.maximumf %get3A_2, %max3A_34 : vector<8x300x300xf32>
    %add3A_36 = arith.addf %log1p3A_32, %max3A_35 : vector<8x300x300xf32>
    %broadcast_in_dim3A = arith.constant 1.000000e+00 : f32
    %broadcast_in_dim3A_37 = vector.broadcast %broadcast_in_dim3A : f32 to vector<8x300x300xf32>
    %mul3A = vector.broadcast %convert_element_type3A_16 : vector<8x300x1xf32> to vector<8x300x300xf32>
    %mul3A_38 = arith.mulf %mul3A, %broadcast_in_dim3A_37 : vector<8x300x300xf32>
    %sub3A = arith.constant 1.000000e+00 : f32
    %sub3A_39 = vector.broadcast %sub3A : f32 to vector<8x300x300xf32>
    %sub3A_40 = arith.subf %sub3A_39, %convert_element_type3A_12 : vector<8x300x300xf32>
    %broadcast_in_dim3A_41 = vector.shape_cast %eq3A_19 : vector<8x1x300xi1> to vector<8x1x300xi1>
    %broadcast_in_dim3A_42 = vector.broadcast %broadcast_in_dim3A_41 : vector<8x1x300xi1> to vector<8x300x300xi1>
    %select_n3A = arith.select %broadcast_in_dim3A_42, %mul3A_38, %sub3A_40 : vector<8x300x300xi1>, vector<8x300x300xf32>
    %mul3A_43 = arith.mulf %convert_element_type3A_12, %add3A : vector<8x300x300xf32>
    %mul3A_44 = arith.mulf %select_n3A, %add3A_36 : vector<8x300x300xf32>
    %add3A_45 = arith.addf %mul3A_43, %mul3A_44 : vector<8x300x300xf32>
    %swap3A = arith.constant 0 : index
    %swap3A_46 = arith.constant 0 : index
    %swap3A_47 = arith.constant 0 : index
    %swap3A_48 = vector.load %arg3[%swap3A, %swap3A_46, %swap3A_47] : memref<8x300x300xf32, #tpu.memory_space<vmem>>, vector<8x300x300xf32>
    tpu.vector_store %arg3[%swap3A, %swap3A_46, %swap3A_47], %convert_element_type3A_12 {strides = array<i32>} : memref<8x300x300xf32, #tpu.memory_space<vmem>>, vector<8x300x300xf32>,
    %reduce_sum3A = vector.shape_cast %add3A_45 : vector<8x300x300xf32> to vector<1x8x300x300xf32>
    %reduce_sum3A_49 = arith.constant dense<0.000000e+00> : vector<1xf32>
    %reduce_sum3A_50 = vector.multi_reduction <add>, %reduce_sum3A, %reduce_sum3A_49 [1, 2, 3] : vector<1x8x300x300xf32> to vector<1xf32>
    %reduce_sum3A_51 = vector.shape_cast %reduce_sum3A_50 : vector<1xf32> to vector<1x1x1x1xf32>
    %reduce_sum3A_52 = vector.extract %reduce_sum3A_51[0, 0, 0, 0] : f32 from vector<1x1x1x1xf32>
    %div3A = arith.constant 7.200000e+05 : f32
    %div3A_53 = arith.divf %reduce_sum3A_52, %div3A : f32
    %swap3A_54 = arith.constant 0 : index
    %swap3A_55 = arith.constant 0 : index
    %swap3A_56 = memref.load %arg4[%swap3A_54, %swap3A_55] : memref<1x1xf32, #tpu.memory_space<smem>>
    memref.store %div3A_53, %arg4[%swap3A_54, %swap3A_55] : memref<1x1xf32, #tpu.memory_space<smem>>
    return
  }
}

</mosaic_0001>

<sc_bundles>
// kernel: kernel.5.cloned.1.call-start
scs
__scs_entry_jumppad:
0x0: {  	(pc) =	sbr.rel $0x88, $3  }
0x1: {  	(tag) =	ssettag $0x0;
	lr =	simm.s32 $0x1  }
0x2: {  	[smem:$0x3F9F] =	sst lr;
	_ =	strace $0xD0000000  }
0x3: {  	_ = 	snop  }
0x4: {  	_ = 	snop  }
0x5: {  	_ = 	snop  }
0x6: {  	_ = 	snop  }
0x7: {  	_ = 	snop  }
__scs_overlays_trampoline_lowered:
0x8: {  	[smem:$0x3FAE] =	sst s0  }
0x9: {  	[smem:$0x3FAF] =	sst s1  }
0xa: {  	[smem:$0x3FB0] =	sst s2  }
0xb: {  	[smem:$0x3FB1] =	sst s3  }
0xc: {  	[smem:$0x3FB2] =	sst s4  }
0xd: {  	[smem:$0x3FB3] =	sst s5  }
0xe: {  	[smem:$0x3FB4] =	sst s6  }
0xf: {  	[smem:$0x3FB5] =	sst s7  }
0x10: {  	[smem:$0x3FB6] =	sst s8  }
0x11: {  	[smem:$0x3FB7] =	sst s9;
	s0 =	simm.s32 @!p0 $0x0  }
0x12: {  	s1 =	sld [smem:$0x3F9D];
	s0 =	simm.s32 @p0 $0x1  }
0x13: {  	[smem:$0x3FB8] =	sst s0;
	s0 =	simm.s32 @!p1 $0x0  }
0x14: {  	s2 =	sld [smem:$0x3F9C];
	s0 =	simm.s32 @p1 $0x1  }
0x15: {  	[smem:$0x3FB9] =	sst s0;
	s0 =	simm.s32 @!p2 $0x0  }
0x16: {  	s3 =	sld [smem:$0x3FDB];
	s0 =	simm.s32 @p2 $0x1  }
0x17: {  	s4 =	simm.s32 $0x1BF5;
	[smem:$0x3FBB] =	sst s0  }
0x18: {  	s0 =	sld [smem:$0x3F9E];
	_ =	swait.ge [sflag:s4], $0x0  }
0x19: {  	s7 =	sld [smem:$0x3F9F]  }
0x1a: {  	s8 =	sadd.s32 $0xFFFFE003, lr  }
0x1b: {  	s9 =	sadd.s32 $0xFFFFFEF7, lr;
	s5 =	simm.s32 $0xFFFFFFFF;
	p2 =	slt.u32 s8, $0xFFFFF086  }
0x1c: {  	p1 =	slt.u32 s9, $0xF7A;
	s5 =	simm.s32 @!p2 $0x0  }
0x1d: {  	s5 =	simm.s32 @p1 $0x1;
	p0 =	seq.s32 s7, s2  }
0x1e: {  	s7 =	smul.u32 @!p0 $0xF7A, s2;
	p2 =	seq.s32 @!p0 s5, $0x0  }
0x1f: {  	s9 =	smul.u32 $0xF7A, s1;
	s8 =	simm.s32 @!p0 $0x1BF5;
	p2 =	por !p2, p0  }
0x20: {  	[sflag:s8] =	ssyncset.s32 @!p0 $0xFFFFF086;
	s6 =	sadd.s32 @!p0 s3, s7;
	s7 =	simm.s32 @!p0 $0x108  }
0x21: {  	s3 =	sadd.s32 s3, s9;
	s6 =	sadd.s32 @!p0 $0x88, s6;
	s7 =	simm.s32 @p2 $0x1082  }
0x22: {  	[simem:s7], [sflag:s8] =	dma.local @!p0 [hbm:s6], $0xF7A  }
0x23: {  	s9 =	sor.u32 $0xD0000000, s2;
	s6 =	simm.s32 $0x108;
	_ =	swait.ge @!p0 [sflag:s8], $0x0  }
0x24: {  	s3 =	sadd.s32 $0x88, s3;
	s6 =	simm.s32 @!p1 $0x1082;
	[sflag:s4] =	ssyncset.s32 $0xFFFFF086  }
0x25: {  	[simem:s6], [sflag:s4] =	dma.local [hbm:s3], $0xF7A  }
0x26: {  	[smem:$0x3F9F] =	sst s1;
	(tag) =	ssettag s2;
	_ =	strace s9  }
0x27: {  	s1 =	sld [smem:$0x3FAF]  }
0x28: {  	s2 =	sld [smem:$0x3FB0]  }
0x29: {  	s4 =	sld [smem:$0x3FB2]  }
0x2a: {  	p0 =	seq.s32 s5, $0x0;
	s5 =	sld [smem:$0x3FB3]  }
0x2b: {  	s6 =	sld [smem:$0x3FB4]  }
0x2c: {  	s7 =	sld [smem:$0x3FB5]  }
0x2d: {  	s3 =	simm.s32 $0x108;
	s8 =	sld [smem:$0x3FB6]  }
0x2e: {  	s3 =	simm.s32 @!p0 $0x1082;
	s9 =	sld [smem:$0x3FB7]  }
0x2f: {  	lr =	sadd.s32 s0, s3;
	s0 =	sld [smem:$0x3FAE]  }
0x30: {  	s3 =	sld [smem:$0x3FB1]  }
0x31: {  	[smem:$0x3FBA] =	sst s10  }
0x32: {  	s10 =	sld [smem:$0x3FB8];
	_ =	sdelay $0x3  }
0x33: {  	p0 =	seq.s32 s10, $0x1;
	s10 =	sld [smem:$0x3FBA];
	_ =	sdelay $0x3  }
0x34: {  	[smem:$0x3FBA] =	sst s10  }
0x35: {  	s10 =	sld [smem:$0x3FB9];
	_ =	sdelay $0x3  }
0x36: {  	p1 =	seq.s32 s10, $0x1;
	s10 =	sld [smem:$0x3FBA];
	_ =	sdelay $0x3  }
0x37: {  	[smem:$0x3FBA] =	sst s10  }
0x38: {  	s10 =	sld [smem:$0x3FBB]  }
0x39: {  	_ = 	snop;
	(pc) =	sbr.ind lr, $3  }
0x3a: {  	_ = 	snop  }
0x3b: {  	_ = 	snop  }
0x3c: {  	p2 =	seq.s32 s10, $0x1;
	s10 =	sld [smem:$0x3FBA]  }
0x3d: {  	_ =	shalt  }
0x3e: {  	_ =	shalt  }
0x3f: {  	_ =	shalt  }
0x40: {  	_ =	shalt  }
0x41: {  	_ =	shalt  }
0x42: {  	_ =	shalt  }
0x43: {  	_ =	shalt  }
0x44: {  	_ =	shalt  }
0x45: {  	_ =	shalt  }
0x46: {  	_ =	shalt  }
0x47: {  	_ =	shalt  }
0x48: {  	_ =	shalt  }
0x49: {  	_ =	shalt  }
0x4a: {  	_ =	shalt  }
0x4b: {  	_ =	shalt  }
0x4c: {  	_ =	shalt  }
0x4d: {  	_ =	shalt  }
0x4e: {  	_ =	shalt  }
0x4f: {  	_ =	shalt  }
0x50: {  	_ =	shalt  }
0x51: {  	_ =	shalt  }
0x52: {  	_ =	shalt  }
0x53: {  	_ =	shalt  }
0x54: {  	_ =	shalt  }
0x55: {  	_ =	shalt  }
0x56: {  	_ =	shalt  }
0x57: {  	_ =	shalt  }
0x58: {  	_ =	shalt  }
0x59: {  	_ =	shalt  }
0x5a: {  	_ =	shalt  }
0x5b: {  	_ =	shalt  }
0x5c: {  	_ =	shalt  }
0x5d: {  	_ =	shalt  }
0x5e: {  	_ =	shalt  }
0x5f: {  	_ =	shalt  }
0x60: {  	_ =	shalt  }
0x61: {  	_ =	shalt  }
0x62: {  	_ =	shalt  }
0x63: {  	_ =	shalt  }
0x64: {  	_ =	shalt  }
0x65: {  	_ =	shalt  }
0x66: {  	_ =	shalt  }
0x67: {  	_ =	shalt  }
0x68: {  	_ =	shalt  }
0x69: {  	_ =	shalt  }
0x6a: {  	_ =	shalt  }
0x6b: {  	_ =	shalt  }
0x6c: {  	_ =	shalt  }
0x6d: {  	_ =	shalt  }
0x6e: {  	_ =	shalt  }
0x6f: {  	_ =	shalt  }
0x70: {  	_ =	shalt  }
0x71: {  	_ =	shalt  }
0x72: {  	_ =	shalt  }
0x73: {  	_ =	shalt  }
0x74: {  	_ =	shalt  }
0x75: {  	_ =	shalt  }
0x76: {  	_ =	shalt  }
0x77: {  	_ =	shalt  }
0x78: {  	_ =	shalt  }
0x79: {  	_ =	shalt  }
0x7a: {  	_ =	shalt  }
0x7b: {  	_ =	shalt  }
0x7c: {  	_ =	shalt  }
0x7d: {  	_ =	shalt  }
0x7e: {  	_ =	shalt  }
0x7f: {  	_ =	shalt  }
0x80: {  	_ =	shalt  }
0x81: {  	_ =	shalt  }
0x82: {  	_ =	shalt  }
0x83: {  	_ =	shalt  }
0x84: {  	_ =	shalt  }
0x85: {  	_ =	shalt  }
0x86: {  	_ =	shalt  }
0x87: {  	_ =	shalt  }
.Lfunc_end0:
.L_simem_size_0:
called_computation_lowered:
.L_overlay_start_0:
0x88: {  	s2 =	sld [smem:$0x3FD9]  }
0x89: {  	s3 =	sld [smem:$0x3FFE];
	_ =	sdelay $0x1  }
0x8a: {  	s1 =	srdreg.scid  }
0x8b: {  	s0 =	sand.u32 $0x1, s1  }
0x8c: {  	s14 =	sshll.u32 s0, $0xA;
	s2 =	sadd.s32 s3, s2  }
0x8d: {  	s2 =	sadd.s32 s2, s14  }
0x8e: {  	[smem:$0x3FC6] =	sst s2  }
0x8f: {  	_ = 	snop  }
0x90: {  	s2 =	sld [smem:$0x3FD0];
	_ =	sdelay $0x2  }
0x91: {  	s15 =	simm.s32 $0xA;
	s4 =	simm.s32 $0x10  }
0x92: {  	[smem:s4], [sflag:s15] =	dma.local [hbm:s2], $0x1  }
0x93: {  	_ =	swait.eq [sflag:s15], $0x1  }
0x94: {  	[sflag:s15] =	ssyncset.done $0x0  }
0x95: {  	[sflag:s15] =	ssyncadd.s32 $0xFFFFFFFF  }
0x96: {  	s16 =	sld [smem:$0x11];
	(tm) =	ssettm $0x1  }
0x97: {  	s17 =	sld [smem:$0x3FFB];
	_ =	sdelay $0x3  }
0x98: {  	_ =	strace s17  }
0x99: {  	s3 =	sld [smem:$0x3FFC];
	_ =	sdelay $0x3  }
0x9a: {  	_ =	strace s3  }
0x9b: {  	s3 =	sld [smem:$0x3FFD];
	_ =	sdelay $0x3  }
0x9c: {  	_ =	strace s3  }
0x9d: {  	_ =	strace $0x8FFFFFFF  }
0x9e: {  	s18 =	sld [smem:$0x3FDB];
	_ =	sdelay $0x1  }
0x9f: {  	s19 =	simm.s32 $_scs_section_size  }
0xa0: {  	s5 =	simm.s32 $_size__tile_overlayer_lowered;
	s6 =	simm.s32 $_tile_overlayer_lowered  }
0xa1: {  	s22 =	simm.s32 $0x1BFF;
	s21 =	sshll.u32 s6, $0x1;
	s3 =	sadd.s32 s19, s18  }
0xa2: {  	s7 =	simm.s32 $0x0;
	s20 =	sshll.u32 s5, $0x1;
	s5 =	sadd.s32 s21, s3  }
0xa3: {  	[timem:s7], [sflag:s22] =	dma.local [hbm:s5], s20  }
0xa4: {  	_ =	swait.ge [sflag:s22], s20  }
0xa5: {  	s4 =	ssub.s32 $0x0, s20;
	[sflag:s22] =	ssyncset.done $0x0  }
0xa6: {  	[sflag:s22] =	ssyncadd.s32 s4;
	_ =	sdelay $0x1  }
0xa7: {  	s23 =	simm.s32 $0x1B8B  }
0xa8: {  	_ =	swait.ge [sflag:s23], $0x1  }
0xa9: {  	[sflag:s23] =	ssyncset.done $0x0  }
0xaa: {  	s25 =	simm.s32 $0x1B8E;
	s24 =	sld [smem:$0x3FFE];
	[sflag:s23] =	ssyncadd.s32 $0xFFFFFFFF  }
0xab: {  	s26 =	simm.s32 $execute0_lowered;
	[smem:$0x3FD2] =	sst s25  }
0xac: {  	s5 =	sshll.u32 s26, $0x1;
	_ =	strace $0x80000046;
	[dreg:$0x1] =	wrdreg $0xFFFFFFFF  }
0xad: {  	s28 =	simm.s32 $_size_execute0_lowered;
	s3 =	sadd.s32 s3, s5;
	[dreg:$0x0] =	wrdreg $0x0  }
0xae: {  	s5 =	sshll.u32 s28, $0x1;
	[dreg:$0x2] =	wrdreg s3  }
0xaf: {  	[dreg:$0x3] =	wrdreg s5  }
0xb0: {  	[dreg:$0x4] =	wrdreg $0xC0  }
0xb1: {  	_ =	task [dreg:s7], $0x5FFFF  }
0xb2: {  	[dreg:$0x1] =	wrdreg $0xFFFFFFFF  }
0xb3: {  	[dreg:$0x0] =	wrdreg $0x60  }
0xb4: {  	[dreg:$0x2] =	wrdreg s16  }
0xb5: {  	[dreg:$0x3] =	wrdreg s24  }
0xb6: {  	[dreg:$0x4] =	wrdreg $0x9  }
0xb7: {  	_ =	task.clear_ibuf [dreg:s7], $0x5FFFF;
	_ =	strace $0x90000046  }
0xb8: {  	s29 =	simm.s32 $0x9;
	_ =	strace $0x80000048  }
0xb9: {  	_ =	swait.ge [sflag:s29], $0x1  }
0xba: {  	[sflag:s29] =	ssyncadd.s32 $0xFFFFFFFF  }
0xbb: {  	_ =	strace $0x90000048  }
0xbc: {  	_ =	sfence  }
0xbd: {  	s30 =	sld [smem:$0x0];
	_ =	sdelay $0x2  }
0xbe: {  	s31 =	sshll.u32 s1, $0xD;
	s1 =	sshrl.u32 s1, $0x2  }
0xbf: {  	s3 =	sand.u32 $0x4000, s31;
	s1 =	sadd.s32 s1, s30  }
0xc0: {  	s0 =	sor.u32 s3, s0;
	s1 =	sshll.u32 s1, $0x11  }
0xc1: {  	s0 =	sor.u32 s1, s0  }
0xc2: {  	s0 =	sadd.s32 $0x8F2B, s0  }
0xc3: {  	[sflag:s0] =	ssyncadd.remote.s32 $0x1  }
0xc4: {  	_ =	sfence.sel $0xFFFF  }
0xc5: {  	[dreg:$0x0] =	wrdreg $0xFFFFFFFF;
	(pc) =	sbr.abs _section_cstart, $3  }
0xc6: {  	[dreg:$0x1] =	wrdreg $0xFFFFFFFF  }
0xc7: {  	_ =	task.clear_ibuf [dreg:s7], $0x2FFFF;
	_ =	strace $0x9FFFFFFF  }
0xc8: {  	(tm) =	ssettm $0x7FFFFFFF  }
0xc9: {  	_ =	shalt  }
tec
execute0_lowered:
.L_overlay_start_1:
0x0: {  	(tag) =	ssettag $0x1  }
0x1: {  	s1 =	stileid.u32  }
0x2: {  	p0 =	sgt.u32 s1, $0x3  }
.Ltmp0:
0x3: {  	_ = 	snop;
	(pc) =	sbr.rel @p0 .LBB2_10-.Ltmp0, $4  }
0x4: {  	s6 =	rddreg [dreg:$0x0]  }
0x5: {  	s3 =	rddreg [dreg:$0x1];
	s2 =	simm.s32 $0x0  }
0x6: {  	[smem:$0x7FF] =	sst s2  }
0x7: {  	s0 =	rddreg [dreg:$0x2];
	_ =	strace $0x80000047  }
0x8: {  	v0 =	vlaneseq.u32  }
0x9: {  	v11 =	vor.u32 $0x10, v0  }
0xa: {  	v19 =	vor.u32 $0x20, v0;
	[tilespmem:$0x1FEF0] =	vst v11  }
0xb: {  	v9 =	vor.u32 $0x30, v0;
	[tilespmem:$0x1FF00] =	vst v19  }
0xc: {  	v10 =	vor.u32 $0x40, v0;
	[tilespmem:$0x1FF10] =	vst v9  }
0xd: {  	v14 =	vor.u32 $0x50, v0;
	[tilespmem:$0x1FF20] =	vst v10  }
0xe: {  	v15 =	vor.u32 $0x60, v0;
	[tilespmem:$0x1FF30] =	vst v14  }
0xf: {  	v16 =	vor.u32 $0x70, v0;
	[tilespmem:$0x1FF40] =	vst v15  }
0x10: {  	v17 =	vor.u32 $0x80, v0;
	[tilespmem:$0x1FF50] =	vst v16  }
0x11: {  	s4 =	srdreg.scid;
	v18 =	vor.u32 $0x90, v0;
	[tilespmem:$0x1FF60] =	vst v17  }
0x12: {  	s5 =	sshll.u32 s1, $0x1;
	s4 =	sand.u32 $0x1, s4;
	v20 =	vor.u32 $0xF0, v0;
	[tilespmem:$0x1FF70] =	vst v18  }
0x13: {  	v2 =	vor.u32 $0xC0, v0;
	s5 =	sor.u32 s4, s5;
	[tilespmem:$0x1FF80] =	vst v20  }
0x14: {  	s11 =	simm.s32 $0x16EF0;
	s12 =	simm.s32 $0x16B60;
	v3 =	vor.u32 $0xD0, v0;
	[tilespmem:$0x1FF90] =	vst v2;
	s7 =	smul.u32 $0x26, s5  }
0x15: {  	s13 =	simm.s32 $0x16A30;
	v4 =	vor.u32 $0xE0, v0;
	s8 =	ssub.s32 $0x2, s4;
	[tilespmem:$0x1FFA0] =	vst v3;
	s10 =	smul.u32 $0x2D20, s5  }
.Ltmp1:
0x16: {  	s14 =	simm.s32 $0x16DC0;
	v5 =	vor.u32 $0x100, v0;
	[tilespmem:$0x1FFB0] =	vst v4;
	s9 =	sshrl.u32 s8, $0x1;
	(pc) =	sbr.rel .LBB2_2-.Ltmp1, $4  }
0x17: {  	s15 =	simm.s32 $0x16C90;
	s16 =	simm.s32 $0x0;
	v21 =	vor.u32 $0xB0, v0;
	[tilespmem:$0x1FFC0] =	vst v5;
	s8 =	ssub.s32 s8, s9  }
0x18: {  	v6 =	vor.u32 $0x110, v0;
	[tilespmem:$0x1FFD0] =	vst v21;
	s9 =	simm.s32 $0x16900;
	s7 =	sadd.s32 s7, s3;
	s6 =	sadd.s32 s6, s10  }
0x19: {  	v7 =	vor.u32 $0x120, v0;
	[tilespmem:$0x1FFE0] =	vst v6;
	s10 =	simm.s32 $0x17020;
	s3 =	sadd.s32 $0xA00, s7;
	s4 =	sadd.s32 $0xC00, s7  }
0x1a: {  	v13 =	vor.u32 $0xA0, v0;
	[tilespmem:$0x1FFF0] =	vst v7;
	s5 =	sadd.s32 $0xE00, s7;
	s7 =	smax.u32 s8, $0x1;
	s8 =	simm.s32 $0x1  }
.LBB2_9:
0x1b: {  	s16 =	sadd.s32 $0x1, s16  }
0x1c: {  	p0 =	sne.s32 s16, s7  }
.Ltmp2:
0x1d: {  	_ = 	snop;
	(pc) =	sbr.rel @!p0 .LBB2_10-.Ltmp2, $4  }
0x1e: {  	[hbm4b:s5+s2] =	stream.linear.scatter [tilespmem:s14], [sflag:$0x1], $0x130, $0x38;
	[tilespmem:$0x17150] =	vst v63  }
0x1f: {  	_ =	swait.ge [sflag:s8], $0x130  }
0x20: {  	[sflag:s8] =	ssyncset.done $0x0  }
0x21: {  	[sflag:s8] =	ssyncadd.s32 $0xFFFFFED0  }
.LBB2_2:
0x22: {  	s17 =	simm.s32 $0x0  }
0x23: {  	[tilespmem:s17], [sflag:$0x1] =	stream.linear.gather [hbm4b:s6+s17], $0x16900, $0x38;
	[tilespmem:$0x17150] =	vst v63  }
0x24: {  	_ =	swait.ge [sflag:s8], $0x16900  }
0x25: {  	[sflag:s8] =	ssyncset.done $0x0  }
0x26: {  	[sflag:s8] =	ssyncadd.s32 $0xFFFE9700  }
0x27: {  	[tilespmem:s9], [sflag:$0x1] =	stream.linear.gather [hbm4b:s3+s17], $0x130, $0x38;
	[tilespmem:$0x17150] =	vst v63  }
0x28: {  	_ =	swait.ge [sflag:s8], $0x130  }
0x29: {  	[sflag:s8] =	ssyncset.done $0x0  }
0x2a: {  	[sflag:s8] =	ssyncadd.s32 $0xFFFFFED0  }
0x2b: {  	[tilespmem:s10], [sflag:$0x1] =	stream.linear.gather [hbm4b:s4+s17], $0x130, $0x38;
	[tilespmem:$0x17150] =	vst v63  }
0x2c: {  	_ =	swait.ge [sflag:s8], $0x130  }
0x2d: {  	[sflag:s8] =	ssyncset.done $0x0  }
0x2e: {  	v0 =	vimm.f32 $0.0e+00;
	[sflag:s8] =	ssyncadd.s32 $0xFFFFFED0  }
0x2f: {  	v1 =	vimm.s32 $0xFFFFFFFF;
	[tilespmem:$0x16EF0] =	vst v0  }
0x30: {  	[tilespmem:$0x16DC0] =	vst v1  }
0x31: {  	[tilespmem:$0x16F00] =	vst v0  }
0x32: {  	[tilespmem:$0x16DD0] =	vst v1  }
0x33: {  	[tilespmem:$0x16F10] =	vst v0  }
0x34: {  	[tilespmem:$0x16DE0] =	vst v1  }
0x35: {  	[tilespmem:$0x16F20] =	vst v0  }
0x36: {  	[tilespmem:$0x16DF0] =	vst v1  }
0x37: {  	[tilespmem:$0x16F30] =	vst v0  }
0x38: {  	[tilespmem:$0x16E00] =	vst v1  }
0x39: {  	[tilespmem:$0x16F40] =	vst v0  }
0x3a: {  	[tilespmem:$0x16E10] =	vst v1  }
0x3b: {  	[tilespmem:$0x16F50] =	vst v0  }
0x3c: {  	[tilespmem:$0x16E20] =	vst v1  }
0x3d: {  	[tilespmem:$0x16F60] =	vst v0  }
0x3e: {  	[tilespmem:$0x16E30] =	vst v1  }
0x3f: {  	[tilespmem:$0x16F70] =	vst v0  }
0x40: {  	[tilespmem:$0x16E40] =	vst v1  }
0x41: {  	[tilespmem:$0x16F80] =	vst v0  }
0x42: {  	[tilespmem:$0x16E50] =	vst v1  }
0x43: {  	[tilespmem:$0x16F90] =	vst v0  }
0x44: {  	[tilespmem:$0x16E60] =	vst v1  }
0x45: {  	[tilespmem:$0x16FA0] =	vst v0  }
0x46: {  	[tilespmem:$0x16E70] =	vst v1  }
0x47: {  	[tilespmem:$0x16FB0] =	vst v0  }
0x48: {  	[tilespmem:$0x16E80] =	vst v1  }
0x49: {  	[tilespmem:$0x16FC0] =	vst v0  }
0x4a: {  	[tilespmem:$0x16E90] =	vst v1  }
0x4b: {  	[tilespmem:$0x16FD0] =	vst v0  }
0x4c: {  	[tilespmem:$0x16EA0] =	vst v1  }
0x4d: {  	[tilespmem:$0x16FE0] =	vst v0  }
0x4e: {  	[tilespmem:$0x16EB0] =	vst v1  }
0x4f: {  	[tilespmem:$0x16FF0] =	vst v0  }
.Ltmp3:
0x50: {  	[tilespmem:$0x16EC0] =	vst v1;
	(pc) =	sbr.rel .LBB2_3-.Ltmp3, $4  }
0x51: {  	[tilespmem:$0x17000] =	vst v0  }
0x52: {  	[tilespmem:$0x16ED0] =	vst v1  }
0x53: {  	[tilespmem:$0x17010] =	vst v0  }
0x54: {  	[tilespmem:$0x16EE0] =	vst v1  }
.LBB2_8:
0x55: {  	s17 =	sadd.s32 $0x1, s17  }
0x56: {  	p0 =	sne.s32 s17, $0x12C  }
.Ltmp4:
0x57: {  	_ = 	snop;
	(pc) =	sbr.rel @!p0 .LBB2_9-.Ltmp4, $1  }
0x58: {  	_ =	sdelay $0x3  }
.LBB2_3:
0x59: {  	v0 =	vmov s17;
	_ =	sdelay $0x4  }
0x5a: {  	v22 =	vld.idx.msk [tilespmem:v0+s10+$0x0], $0xffff;
	_ =	sdelay $0x4  }
0x5b: {  	v22 =	vxor.u32 $0x80000000, v22  }
0x5c: {  	(xrf0) =	vmin.scan.msk.u32 $0xffff, v22;
	_ =	sdelay $0x5  }
0x5d: {  	v22, _, _ =	vpop (xrf0)  }
0x5e: {  	(v2sf) =	vpush v22, $0xF;
	_ =	sdelay $0xe  }
0x5f: {  	s18 =	spop (v2sf)  }
0x60: {  	p0 =	slt.u32 s18, $0x80000001  }
.Ltmp5:
0x61: {  	_ = 	snop;
	(pc) =	sbr.rel @p0 .LBB2_8-.Ltmp5, $1  }
0x62: {  	_ =	sdelay $0x3  }
0x63: {  	v45 =	vimm.f32 $3.000000010e+38;
	[tilespmem:$0x1FEE0] =	vst v0  }
0x64: {  	[tilespmem:$0x16B60] =	vst v45  }
0x65: {  	[tilespmem:$0x16B70] =	vst v45  }
0x66: {  	[tilespmem:$0x16B80] =	vst v45  }
0x67: {  	[tilespmem:$0x16B90] =	vst v45  }
0x68: {  	[tilespmem:$0x16BA0] =	vst v45  }
0x69: {  	[tilespmem:$0x16BB0] =	vst v45  }
0x6a: {  	[tilespmem:$0x16BC0] =	vst v45  }
0x6b: {  	[tilespmem:$0x16BD0] =	vst v45  }
0x6c: {  	[tilespmem:$0x16BE0] =	vst v45  }
0x6d: {  	v22 =	vld [tilespmem:$0x16900];
	[tilespmem:$0x16BF0] =	vst v45  }
0x6e: {  	[tilespmem:$0x16C00] =	vst v45  }
0x6f: {  	[tilespmem:$0x16C10] =	vst v45  }
0x70: {  	[tilespmem:$0x16C20] =	vst v45  }
0x71: {  	[tilespmem:$0x16C30] =	vst v45  }
0x72: {  	v62 =	vimm.s32 $0xFFFFFFFF;
	[tilespmem:$0x16A30] =	vst v22;
	v22 =	vld [tilespmem:$0x16930]  }
0x73: {  	v63 =	vimm.s32 $0xFFFFFFFF;
	[tilespmem:$0x1FEC0] =	vst v62  }
0x74: {  	[tilespmem:$0x1FED0] =	vst v63  }
0x75: {  	v24 =	vld [tilespmem:$0x16910];
	[tilespmem:$0x16C40] =	vst v45  }
0x76: {  	v25 =	vld [tilespmem:$0x16920];
	[tilespmem:$0x16C50] =	vst v45  }
0x77: {  	[tilespmem:$0x16A60] =	vst v22;
	v22 =	vld [tilespmem:$0x16960]  }
0x78: {  	[tilespmem:$0x16C60] =	vst v45  }
0x79: {  	v26 =	vld [tilespmem:$0x169D0];
	[tilespmem:$0x16C70] =	vst v45  }
0x7a: {  	[tilespmem:$0x16A40] =	vst v24;
	v24 =	vld [tilespmem:$0x16940]  }
0x7b: {  	[tilespmem:$0x16A50] =	vst v25;
	v25 =	vld [tilespmem:$0x16950]  }
0x7c: {  	[tilespmem:$0x16A90] =	vst v22;
	v22 =	vld [tilespmem:$0x16990]  }
0x7d: {  	v32 =	vld [tilespmem:$0x169E0];
	[tilespmem:$0x16C80] =	vst v45  }
0x7e: {  	v44 =	vld [tilespmem:$0x16A00];
	[tilespmem:$0x16B00] =	vst v26  }
0x7f: {  	[tilespmem:$0x16A70] =	vst v24;
	v24 =	vld [tilespmem:$0x16970]  }
0x80: {  	[tilespmem:$0x16A80] =	vst v25;
	v25 =	vld [tilespmem:$0x16980]  }
0x81: {  	v1 =	vimm.s32 $0xFFFFFFFF;
	v28 =	vimm.s32 $0xFFFFFFFF;
	v29 =	vimm.s32 $0xFFFFFFFF;
	[tilespmem:$0x16AC0] =	vst v22;
	v22 =	vld [tilespmem:$0x169C0]  }
0x82: {  	v30 =	vimm.s32 $0xFFFFFFFF;
	v31 =	vimm.s32 $0xFFFFFFFF;
	v33 =	vimm.s32 $0xFFFFFFFF;
	v46 =	vld [tilespmem:$0x16A10];
	[tilespmem:$0x16B10] =	vst v32  }
0x83: {  	v34 =	vimm.s32 $0xFFFFFFFF;
	v35 =	vimm.s32 $0xFFFFFFFF;
	v36 =	vimm.s32 $0xFFFFFFFF;
	v48 =	vld [tilespmem:$0x16A20];
	[tilespmem:$0x16B30] =	vst v44  }
0x84: {  	v37 =	vimm.s32 $0xFFFFFFFF;
	v38 =	vimm.s32 $0xFFFFFFFF;
	v39 =	vimm.s32 $0xFFFFFFFF;
	[tilespmem:$0x16AA0] =	vst v24;
	v24 =	vld [tilespmem:$0x169A0]  }
0x85: {  	v40 =	vimm.s32 $0xFFFFFFFF;
	v41 =	vimm.s32 $0xFFFFFFFF;
	v42 =	vimm.s32 $0xFFFFFFFF;
	[tilespmem:$0x16AB0] =	vst v25;
	v25 =	vld [tilespmem:$0x169B0]  }
0x86: {  	v43 =	vimm.s32 $0xFFFFFFFF;
	v61 =	vimm.f32 $3.000000010e+38;
	v47 =	vimm.f32 $3.000000010e+38;
	[tilespmem:$0x16AF0] =	vst v22;
	v22 =	vld [tilespmem:$0x169F0]  }
0x87: {  	v50 =	vimm.f32 $3.000000010e+38;
	v49 =	vimm.f32 $3.000000010e+38;
	v54 =	vimm.f32 $3.000000010e+38;
	[tilespmem:$0x16B40] =	vst v46  }
0x88: {  	v60 =	vimm.f32 $3.000000010e+38;
	v57 =	vimm.f32 $3.000000010e+38;
	v59 =	vimm.f32 $3.000000010e+38;
	[tilespmem:$0x16B50] =	vst v48  }
0x89: {  	v58 =	vimm.f32 $3.000000010e+38;
	v56 =	vimm.f32 $3.000000010e+38;
	v55 =	vimm.f32 $3.000000010e+38;
	[tilespmem:$0x16AD0] =	vst v24  }
0x8a: {  	v53 =	vimm.f32 $3.000000010e+38;
	v52 =	vimm.f32 $3.000000010e+38;
	v51 =	vimm.f32 $3.000000010e+38;
	[tilespmem:$0x16AE0] =	vst v25  }
0x8b: {  	v63 =	vimm.f32 $3.000000010e+38;
	v62 =	vimm.f32 $3.000000010e+38;
	v32 =	vimm.s32 $0xFFFFFFFF;
	[tilespmem:$0x16B20] =	vst v22  }
0x8c: {  	s18 =	smov.u32 s17;
	[tilespmem:$0x1FEB0] =	vst v1;
	v48 =	vimm.f32 $3.000000010e+38;
	v24 =	vimm.s32 $0xFFFFFFFF;
	v22 =	vimm.f32 $3.000000010e+38;
	v46 =	vld.idx.msk [tilespmem:v0+s11+$0x0], $0xffff  }
.LBB2_5:
0x8d: {  	v20 =	vld [tilespmem:$0x16A30]  }
0x8e: {  	v1 =	vld [tilespmem:$0x16A40]  }
0x8f: {  	v2 =	vld [tilespmem:$0x16A50]  }
0x90: {  	s18 =	smul.u32 $0x4C0, s18;
	v4 =	vld [tilespmem:$0x16A60]  }
0x91: {  	v5 =	vld [tilespmem:$0x16A70]  }
0x92: {  	v8 =	vld [tilespmem:$0x16AB0];
	s18 =	sshra.s32 s18, $0x2  }
0x93: {  	v0 =	vld [tilespmem:s18+$0x0]  }
0x94: {  	v21 =	vld [tilespmem:s18+$0x10]  }
0x95: {  	v23 =	vld [tilespmem:s18+$0x20]  }
0x96: {  	v3 =	vld [tilespmem:s18+$0x30]  }
0x97: {  	v16 =	vld [tilespmem:$0x16AC0]  }
0x98: {  	v25 =	vld [tilespmem:$0x1FF00]  }
0x99: {  	v44 =	vsub.f32 $0.0e+00, v46;
	v14 =	vld [tilespmem:$0x1FF20];
	v0 =	vadd.f32 v20, v0  }
0x9a: {  	v6 =	vld [tilespmem:s18+$0x50];
	v1 =	vadd.f32 v1, v21;
	v2 =	vadd.f32 v2, v23  }
0x9b: {  	v7 =	vimm.s32 $0x0;
	v20 =	vld [tilespmem:s18+$0x40];
	v3 =	vadd.f32 v4, v3;
	v0 =	vsub.f32 v44, v0  }
0x9c: {  	v9 =	vimm.s32 $0x0;
	v21 =	vld [tilespmem:$0x16A80];
	v18 =	vsub.f32 v44, v1;
	v2 =	vsub.f32 v44, v2  }
0x9d: {  	v19 =	vimm.s32 $0x0;
	v10 =	vlaneseq.u32;
	v4 =	vld [tilespmem:s18+$0x80];
	v3 =	vsub.f32 v44, v3  }
0x9e: {  	v15 =	vld [tilespmem:$0x1FF30];
	vm0 =	vlt.f32 v0, v48;
	vm1 =	vlt.f32 v18, v51;
	vm2 =	vlt.f32 v2, v52  }
0x9f: {  	v23 =	vld [tilespmem:s18+$0x60];
	vm14 =	vlt.f32 v3, v53;
	v7 =	vsel vm0, $0xFFFFFFFF, v7;
	v48 =	vsel vm0, v0, v48  }
0xa0: {  	v1 =	vld [tilespmem:$0x16A90];
	v9 =	vsel vm1, $0xFFFFFFFF, v9;
	v51 =	vsel vm1, v18, v51;
	v52 =	vsel vm2, v2, v52  }
0xa1: {  	v12 =	vld [tilespmem:$0x1FFA0];
	v5 =	vadd.f32 v5, v20;
	v53 =	vsel vm14, v3, v53;
	v17 =	vadd.f32 v21, v6  }
0xa2: {  	v26 =	vld [tilespmem:$0x1FFE0];
	v4 =	vadd.f32 v8, v4;
	vm0 =	vlt.f32 v48, $3.000000010e+38;
	[tilespmem:$0x1FE60] =	vst v9;
	v9 =	vsel vm2, $0xFFFFFFFF, v19  }
0xa3: {  	v18 =	vld [tilespmem:$0x1FEF0];
	vm13 =	vlt.f32 v51, $3.000000010e+38;
	vm15 =	vlt.f32 v52, $3.000000010e+38;
	v19 =	vimm.s32 $0x0  }
0xa4: {  	v6 =	vld [tilespmem:s18+$0x70];
	[tilespmem:$0x1FE50] =	vst v7;
	v7 =	vnsel vm0, $0x7F61B1E6, v48;
	v0 =	vnsel vm0, $0x0, v10;
	v10 =	vimm.s32 $0x0  }
0xa5: {  	[tilespmem:$0x1FE70] =	vst v9;
	v9 =	vld [tilespmem:s18+$0x90];
	v20 =	vnsel vm13, $0x7F61B1E6, v51;
	v5 =	vsub.f32 v44, v5;
	v1 =	vadd.f32 v1, v23  }
0xa6: {  	v8 =	vld [tilespmem:s18+$0xC0];
	v3 =	vsub.f32 v44, v17;
	v17 =	vimm.s32 $0x0;
	v4 =	vsub.f32 v44, v4  }
0xa7: {  	v23 =	vld [tilespmem:$0x16AA0];
	v10 =	vsel vm14, $0xFFFFFFFF, v10;
	vm10 =	vlt.f32 v5, v55;
	v1 =	vsub.f32 v44, v1  }
0xa8: {  	vm11 =	vlt.f32 v3, v56;
	vm7 =	vlt.f32 v4, v57;
	v21 =	vnsel vm13, $0x0, v18;
	v18 =	vld [tilespmem:s18+$0xD0]  }
0xa9: {  	[tilespmem:$0x1FE80] =	vst v10;
	v10 =	vsel vm10, $0xFFFFFFFF, v19;
	v55 =	vsel vm10, v5, v55;
	v5 =	vsel vm11, $0xFFFFFFFF, v17;
	v19 =	vld [tilespmem:$0x16B00]  }
0xaa: {  	v56 =	vsel vm11, v3, v56;
	v57 =	vsel vm7, v4, v57;
	v17 =	vld [tilespmem:$0x1FF60];
	v2 =	vadd.f32 v16, v9  }
0xab: {  	vm6 =	vlt.f32 v1, v58;
	vm12 =	vlt.f32 v55, v7;
	vm13 =	vlt.f32 v56, v20;
	v16 =	vld [tilespmem:$0x16AF0]  }
0xac: {  	[tilespmem:$0x1FEA0] =	vst v5;
	v5 =	vld [tilespmem:$0x16B40];
	v58 =	vsel vm6, v1, v58;
	v1 =	vnsel vm15, $0x7F61B1E6, v52;
	v2 =	vsub.f32 v44, v2  }
0xad: {  	v6 =	vadd.f32 v23, v6;
	v23 =	vnsel vm15, $0x0, v25;
	v7 =	vsel vm12, v55, v7;
	v9 =	vld [tilespmem:s18+$0x110]  }
0xae: {  	v4 =	vld [tilespmem:s18+$0x100];
	v0 =	vsel vm12, v14, v0;
	v20 =	vsel vm13, v56, v20;
	vm8 =	vlt.f32 v2, v60  }
0xaf: {  	v21 =	vsel vm13, v15, v21;
	v3 =	vadd.f32 v19, v18;
	v60 =	vsel vm8, v2, v60;
	v2 =	vld [tilespmem:$0x16B30]  }
0xb0: {  	v11 =	vmovc v13;
	v13 =	vld [tilespmem:$0x1FF10];
	vm14 =	vlt.f32 v57, v7;
	v6 =	vsub.f32 v44, v6;
	v8 =	vadd.f32 v16, v8  }
0xb1: {  	v7 =	vsel vm14, v57, v7;
	v0 =	vsel vm14, v17, v0;
	v18 =	vld [tilespmem:$0x1FF70];
	v3 =	vsub.f32 v44, v3  }
0xb2: {  	v19 =	vld [tilespmem:$0x1FF90];
	vm9 =	vlt.f32 v6, v59;
	v5 =	vadd.f32 v5, v9;
	v8 =	vsub.f32 v44, v8  }
0xb3: {  	v9 =	vld [tilespmem:$0x16AD0];
	v6 =	vsel vm9, v6, v59;
	vm15 =	vlt.f32 v60, v20;
	vm11 =	vlt.f32 v3, v22  }
0xb4: {  	[tilespmem:$0x1FE90] =	vst v10;
	v10 =	vsub.f32 v44, v5;
	v5 =	vld [tilespmem:s18+$0xB0];
	vm10 =	vlt.f32 v8, v62;
	v2 =	vadd.f32 v2, v4  }
0xb5: {  	v20 =	vsel vm15, v60, v20;
	v22 =	vsel vm11, v3, v22;
	v62 =	vsel vm10, v8, v62;
	v8 =	vld [tilespmem:s18+$0xA0]  }
0xb6: {  	vm13 =	vlt.f32 v10, v61;
	v4 =	vsel vm15, v18, v21;
	v21 =	vld [tilespmem:$0x16AE0];
	v2 =	vsub.f32 v44, v2  }
0xb7: {  	vm5 =	vlt.f32 v22, v20;
	v61 =	vsel vm13, v10, v61;
	v10 =	vld [tilespmem:$0x1FFC0];
	vm4 =	vlt.f32 v62, v7  }
0xb8: {  	v16 =	vld [tilespmem:$0x16B10];
	v20 =	vsel vm5, v22, v20;
	v7 =	vsel vm4, v62, v7;
	vm12 =	vlt.f32 v2, v63  }
0xb9: {  	v0 =	vsel vm4, v19, v0;
	v63 =	vsel vm12, v2, v63;
	v2 =	vsel vm5, v12, v4;
	v4 =	vld [tilespmem:s18+$0xE0]  }
0xba: {  	v59 =	vld [tilespmem:s18+$0x120];
	vm5 =	vlt.f32 v61, v20;
	v8 =	vadd.f32 v9, v8;
	vm4 =	vlt.f32 v63, v7  }
0xbb: {  	v9 =	vld [tilespmem:$0x16B50];
	v5 =	vadd.f32 v21, v5;
	v20 =	vsel vm5, v61, v20;
	v7 =	vsel vm4, v63, v7  }
0xbc: {  	v21 =	vld [tilespmem:$0x16B20];
	v2 =	vsel vm5, v26, v2;
	v0 =	vsel vm4, v10, v0;
	vm15 =	vlt.f32 v20, v7  }
0xbd: {  	v0 =	vsel vm15, v2, v0;
	v2 =	vld [tilespmem:s18+$0xF0]  }
0xbe: {  	vm14 =	vlt.f32 v53, $3.000000010e+38;
	v8 =	vsub.f32 v44, v8;
	v3 =	vadd.f32 v16, v4;
	v16 =	vld [tilespmem:$0x1FF40]  }
0xbf: {  	vm4 =	vlt.f32 v58, v1;
	v5 =	vsub.f32 v44, v5;
	v7 =	vsel vm15, v20, v7  }
0xc0: {  	v20 =	vnsel vm14, $0x7F61B1E6, v53;
	v4 =	vnsel vm14, $0x0, v13;
	vm14 =	vlt.f32 v8, v54  }
0xc1: {  	v1 =	vsel vm4, v58, v1;
	vm5 =	vlt.f32 v6, v20;
	v8 =	vsel vm14, v8, v54;
	v54 =	vld [tilespmem:$0x1FF50]  }
0xc2: {  	v9 =	vadd.f32 v9, v59;
	v20 =	vsel vm5, v6, v20;
	v3 =	vsub.f32 v44, v3  }
0xc3: {  	vm1 =	vlt.f32 v8, v1;
	v2 =	vadd.f32 v21, v2;
	v23 =	vsel vm4, v16, v23  }
0xc4: {  	v9 =	vsub.f32 v44, v9;
	v1 =	vsel vm1, v8, v1;
	v21 =	vsel vm1, v11, v23;
	v23 =	vld [tilespmem:$0x1FFD0]  }
0xc5: {  	vm15 =	vlt.f32 v3, v50;
	vm4 =	vlt.f32 v5, v49;
	v2 =	vsub.f32 v44, v2  }
0xc6: {  	v3 =	vsel vm15, v3, v50;
	v4 =	vsel vm5, v54, v4;
	v5 =	vsel vm4, v5, v49  }
0xc7: {  	vm5 =	vlt.f32 v9, v45;
	vm0 =	vlt.f32 v5, v20;
	vm3 =	vlt.f32 v2, v47  }
0xc8: {  	v9 =	vsel vm5, v9, v45;
	v45 =	vld [tilespmem:$0x1FFB0];
	v20 =	vsel vm0, v5, v20;
	v2 =	vsel vm3, v2, v47  }
0xc9: {  	v27 =	vld [tilespmem:$0x1FFF0];
	vm2 =	vlt.f32 v3, v1;
	v4 =	vsel vm0, v23, v4;
	vm0 =	vlt.f32 v2, v20  }
0xca: {  	v1 =	vsel vm2, v3, v1;
	v49 =	vsel vm0, v2, v20;
	v20 =	vld [tilespmem:$0x1FF80]  }
0xcb: {  	vm1 =	vlt.f32 v9, v1  }
0xcc: {  	v1 =	vsel vm1, v9, v1  }
0xcd: {  	v21 =	vsel vm2, v45, v21;
	vm2 =	vlt.f32 v1, v7  }
0xce: {  	v21 =	vsel vm1, v27, v21;
	v1 =	vsel vm2, v1, v7  }
0xcf: {  	v0 =	vsel vm2, v21, v0;
	v4 =	vsel vm0, v20, v4;
	vm0 =	vlt.f32 v49, v1  }
0xd0: {  	v1 =	vsel vm0, v49, v1;
	v0 =	vsel vm0, v4, v0  }
0xd1: {  	(xrf1) =	vsort.ascd.msk.f32 $0xffff, v1, v0;
	_ =	sdelay $0x1  }
0xd2: {  	v59 =	vld [tilespmem:$0x1FE60]  }
0xd3: {  	v50 =	vld [tilespmem:$0x1FE50]  }
0xd4: {  	v44 =	vld [tilespmem:$0x1FE90]  }
0xd5: {  	v47 =	vld [tilespmem:$0x1FEA0]  }
0xd6: {  	v4 =	vld [tilespmem:$0x1FE70]  }
0xd7: {  	v35 =	vsel vm7, v24, v35;
	v37 =	vsel vm6, v24, v37;
	v7 =	vld [tilespmem:$0x1FE80]  }
0xd8: {  	v36 =	vsel vm9, v24, v36;
	v34 =	vsel vm8, v24, v34;
	v30 =	vsel vm11, v24, v30;
	v49 =	vld [tilespmem:$0x1FED0]  }
0xd9: {  	v31 =	vsel vm10, v24, v31;
	v33 =	vsel vm14, v24, v33;
	vm0 =	vnez.u8 v50;
	v50 =	vld [tilespmem:$0x1FEC0]  }
0xda: {  	v29 =	vsel vm15, v24, v29;
	v43 =	vsel vm0, v24, v43;
	vm0 =	vnez.u8 v59;
	v59 =	vld [tilespmem:$0x1FEB0]  }
0xdb: {  	v32 =	vsel vm4, v24, v32;
	v42 =	vsel vm0, v24, v42;
	vm0 =	vnez.u8 v4  }
0xdc: {  	v28 =	vsel vm3, v24, v28;
	v41 =	vsel vm0, v24, v41;
	vm0 =	vnez.u8 v7  }
0xdd: {  	v0 =	vsel vm12, v24, v49;
	v40 =	vsel vm0, v24, v40;
	vm0 =	vnez.u8 v44  }
0xde: {  	[tilespmem:$0x1FED0] =	vst v0;
	v0 =	vsel vm13, v24, v50;
	v39 =	vsel vm0, v24, v39;
	vm0 =	vnez.u8 v47;
	v4, v1, _ =	vpop (xrf1)  }
0xdf: {  	[tilespmem:$0x1FEC0] =	vst v0;
	v0 =	vsel vm5, v24, v59;
	v38 =	vsel vm0, v24, v38;
	v24 =	vbroadcast v1, $0x0;
	_ =	sdelay $0x3  }
0xe0: {  	v44 =	vbroadcast v4, $0x0;
	_ =	sdelay $0x1  }
0xe1: {  	v21 =	vimm.f32 $-3.000000010e+38;
	[tilespmem:v24+s12+$0x0] =	vst.idx.msk $0x1, v44  }
0xe2: {  	[tilespmem:v24+s13+$0x0] =	vst.idx.msk $0x1, v21  }
0xe3: {  	v7 =	vld.idx.msk [tilespmem:v24+s14+$0x0], $0xffff;
	_ =	sdelay $0x4  }
0xe4: {  	(v2sf) =	vpush v7, $0x0;
	_ =	sdelay $0x3  }
0xe5: {  	v59 =	vld [tilespmem:$0x1FEF0];
	_ =	sdelay $0x2  }
0xe6: {  	v50 =	vlaneseq.u32;
	vm8 =	vlt.s32 v7, $0x0  }
0xe7: {  	vm9 =	veq.s32 v24, v50;
	v47 =	vsel vm8, $0x0, v7  }
0xe8: {  	vm10 =	veq.s32 v24, v59;
	vm11 =	veq.s32 v24, v25;
	vm12 =	veq.s32 v24, v13  }
0xe9: {  	vm13 =	veq.s32 v24, v14;
	vm14 =	veq.s32 v24, v15;
	vm15 =	veq.s32 v24, v16  }
0xea: {  	vm4 =	veq.s32 v24, v54;
	vm5 =	veq.s32 v24, v17;
	vm6 =	veq.s32 v24, v18  }
0xeb: {  	vm7 =	veq.s32 v24, v11;
	v48 =	vsel vm9, $0x7F61B1E6, v48;
	v51 =	vsel vm10, $0x7F61B1E6, v51  }
0xec: {  	v52 =	vsel vm11, $0x7F61B1E6, v52;
	v53 =	vsel vm12, $0x7F61B1E6, v53;
	v55 =	vsel vm13, $0x7F61B1E6, v55;
	v1 =	vld.idx.msk [tilespmem:v47+s11+$0x0], $0xffff  }
0xed: {  	v56 =	vsel vm14, $0x7F61B1E6, v56;
	v58 =	vsel vm15, $0x7F61B1E6, v58;
	v59 =	vsel vm4, $0x7F61B1E6, v6  }
0xee: {  	v57 =	vsel vm5, $0x7F61B1E6, v57;
	v60 =	vsel vm6, $0x7F61B1E6, v60;
	vm9 =	veq.s32 v24, v19;
	s18 =	spop (v2sf)  }
0xef: {  	v54 =	vsel vm7, $0x7F61B1E6, v8;
	vm10 =	veq.s32 v24, v12;
	vm11 =	veq.s32 v24, v45;
	p0 =	sgt.s32 s18, $0xFFFFFFFF  }
.Ltmp6:
0xf0: {  	vm12 =	veq.s32 v24, v20;
	vm13 =	veq.s32 v24, v10;
	vm14 =	veq.s32 v24, v26;
	(pc) =	sbr.rel @p0 .LBB2_5-.Ltmp6, $4  }
0xf1: {  	vm15 =	veq.s32 v24, v27;
	v62 =	vsel vm9, $0x7F61B1E6, v62;
	v49 =	vsub.f32 v1, v44  }
0xf2: {  	v22 =	vsel vm10, $0x7F61B1E6, v22;
	v50 =	vsel vm11, $0x7F61B1E6, v3;
	v63 =	vsel vm13, $0x7F61B1E6, v63  }
0xf3: {  	v61 =	vsel vm14, $0x7F61B1E6, v61;
	v46 =	vsel vm8, v46, v49;
	vm8 =	veq.s32 v24, v23  }
0xf4: {  	[tilespmem:$0x1FEB0] =	vst v0;
	v13 =	vmovc v11;
	v45 =	vsel vm15, $0x7F61B1E6, v9;
	v47 =	vsel vm12, $0x7F61B1E6, v2;
	v49 =	vsel vm8, $0x7F61B1E6, v5  }
0xf5: {  	[tilespmem:$0x16C90] =	vst v43  }
0xf6: {  	[tilespmem:$0x16CA0] =	vst v42  }
0xf7: {  	[tilespmem:$0x16CB0] =	vst v41  }
0xf8: {  	[tilespmem:$0x16CC0] =	vst v40  }
0xf9: {  	[tilespmem:$0x16CD0] =	vst v39  }
0xfa: {  	[tilespmem:$0x16CE0] =	vst v38  }
0xfb: {  	[tilespmem:$0x16CF0] =	vst v37  }
0xfc: {  	[tilespmem:$0x16D00] =	vst v36  }
0xfd: {  	[tilespmem:$0x16D10] =	vst v35  }
0xfe: {  	[tilespmem:$0x16D20] =	vst v34  }
0xff: {  	[tilespmem:$0x16D30] =	vst v33  }
0x100: {  	[tilespmem:$0x16D40] =	vst v32;
	v0 =	vld [tilespmem:$0x1FED0]  }
0x101: {  	[tilespmem:$0x16D50] =	vst v31;
	v20 =	vld [tilespmem:$0x1FEC0]  }
0x102: {  	[tilespmem:$0x16D60] =	vst v30;
	v21 =	vld [tilespmem:$0x1FEB0]  }
0x103: {  	[tilespmem:$0x16D70] =	vst v29  }
0x104: {  	[tilespmem:$0x16D80] =	vst v28  }
0x105: {  	[tilespmem:$0x16D90] =	vst v0  }
0x106: {  	[tilespmem:$0x16DA0] =	vst v20  }
0x107: {  	v22 =	vimm.f32 $3.000000010e+38;
	[tilespmem:$0x16DB0] =	vst v21  }
0x108: {  	[tilespmem:v24+s12+$0x0] =	vst.idx.msk $0x1, v22  }
0x109: {  	v0 =	vld [tilespmem:$0x16B60]  }
0x10a: {  	v1 =	vld [tilespmem:$0x16DC0]  }
0x10b: {  	v2 =	vld [tilespmem:$0x16900];
	_ =	sdelay $0x2  }
0x10c: {  	vm0 =	vlt.f32 v0, $9.999999680e+37;
	v0 =	vsub.f32 v44, v0  }
0x10d: {  	v1 =	vnsel vm0, $0x0, v1  }
0x10e: {  	v3 =	vsub.f32 v2, v0;
	_ =	sdelay $0x1  }
0x10f: {  	v2 =	vsel vm0, v3, v2  }
0x110: {  	v0 =	vnsel vm0, $0x0, v0;
	[tilespmem:$0x16900] =	vst v2  }
0x111: {  	[tilespmem:v1+s11+$0x0] =	vst.idx.add.f32.msk vm0, v0  }
0x112: {  	v0 =	vld [tilespmem:$0x16B70]  }
0x113: {  	v1 =	vld [tilespmem:$0x16DD0]  }
0x114: {  	v23 =	vld [tilespmem:$0x16910];
	_ =	sdelay $0x2  }
0x115: {  	vm10 =	vlt.f32 v0, $9.999999680e+37;
	v0 =	vsub.f32 v44, v0  }
0x116: {  	v1 =	vnsel vm10, $0x0, v1  }
0x117: {  	v28 =	vsub.f32 v23, v0;
	_ =	sdelay $0x1  }
0x118: {  	v2 =	vsel vm10, v28, v23  }
0x119: {  	v0 =	vnsel vm10, $0x0, v0;
	[tilespmem:$0x16910] =	vst v2  }
0x11a: {  	[tilespmem:v1+s11+$0x0] =	vst.idx.add.f32.msk vm10, v0  }
0x11b: {  	v0 =	vld [tilespmem:$0x16B80]  }
0x11c: {  	v1 =	vld [tilespmem:$0x16DE0]  }
0x11d: {  	v29 =	vld [tilespmem:$0x16920];
	_ =	sdelay $0x2  }
0x11e: {  	vm11 =	vlt.f32 v0, $9.999999680e+37;
	v0 =	vsub.f32 v44, v0  }
0x11f: {  	v1 =	vnsel vm11, $0x0, v1  }
0x120: {  	v30 =	vsub.f32 v29, v0;
	_ =	sdelay $0x1  }
0x121: {  	v2 =	vsel vm11, v30, v29  }
0x122: {  	v0 =	vnsel vm11, $0x0, v0;
	[tilespmem:$0x16920] =	vst v2  }
0x123: {  	[tilespmem:v1+s11+$0x0] =	vst.idx.add.f32.msk vm11, v0  }
0x124: {  	v0 =	vld [tilespmem:$0x16B90]  }
0x125: {  	v1 =	vld [tilespmem:$0x16DF0]  }
0x126: {  	v31 =	vld [tilespmem:$0x16930];
	_ =	sdelay $0x2  }
0x127: {  	vm12 =	vlt.f32 v0, $9.999999680e+37;
	v0 =	vsub.f32 v44, v0  }
0x128: {  	v1 =	vnsel vm12, $0x0, v1  }
0x129: {  	v32 =	vsub.f32 v31, v0;
	_ =	sdelay $0x1  }
0x12a: {  	v2 =	vsel vm12, v32, v31  }
0x12b: {  	v0 =	vnsel vm12, $0x0, v0;
	[tilespmem:$0x16930] =	vst v2  }
0x12c: {  	[tilespmem:v1+s11+$0x0] =	vst.idx.add.f32.msk vm12, v0  }
0x12d: {  	v0 =	vld [tilespmem:$0x16BA0]  }
0x12e: {  	v1 =	vld [tilespmem:$0x16E00]  }
0x12f: {  	v33 =	vld [tilespmem:$0x16940];
	_ =	sdelay $0x2  }
0x130: {  	vm13 =	vlt.f32 v0, $9.999999680e+37;
	v0 =	vsub.f32 v44, v0  }
0x131: {  	v1 =	vnsel vm13, $0x0, v1  }
0x132: {  	v34 =	vsub.f32 v33, v0;
	_ =	sdelay $0x1  }
0x133: {  	v2 =	vsel vm13, v34, v33  }
0x134: {  	v0 =	vnsel vm13, $0x0, v0;
	[tilespmem:$0x16940] =	vst v2  }
0x135: {  	[tilespmem:v1+s11+$0x0] =	vst.idx.add.f32.msk vm13, v0  }
0x136: {  	v0 =	vld [tilespmem:$0x16BB0]  }
0x137: {  	v1 =	vld [tilespmem:$0x16E10]  }
0x138: {  	v35 =	vld [tilespmem:$0x16950];
	_ =	sdelay $0x2  }
0x139: {  	vm14 =	vlt.f32 v0, $9.999999680e+37;
	v0 =	vsub.f32 v44, v0  }
0x13a: {  	v1 =	vnsel vm14, $0x0, v1  }
0x13b: {  	v36 =	vsub.f32 v35, v0;
	_ =	sdelay $0x1  }
0x13c: {  	v2 =	vsel vm14, v36, v35  }
0x13d: {  	v0 =	vnsel vm14, $0x0, v0;
	[tilespmem:$0x16950] =	vst v2  }
0x13e: {  	[tilespmem:v1+s11+$0x0] =	vst.idx.add.f32.msk vm14, v0  }
0x13f: {  	v0 =	vld [tilespmem:$0x16BC0]  }
0x140: {  	v1 =	vld [tilespmem:$0x16E20]  }
0x141: {  	v37 =	vld [tilespmem:$0x16960];
	_ =	sdelay $0x2  }
0x142: {  	vm15 =	vlt.f32 v0, $9.999999680e+37;
	v0 =	vsub.f32 v44, v0  }
0x143: {  	v1 =	vnsel vm15, $0x0, v1  }
0x144: {  	v38 =	vsub.f32 v37, v0;
	_ =	sdelay $0x1  }
0x145: {  	v2 =	vsel vm15, v38, v37  }
0x146: {  	v0 =	vnsel vm15, $0x0, v0;
	[tilespmem:$0x16960] =	vst v2  }
0x147: {  	[tilespmem:v1+s11+$0x0] =	vst.idx.add.f32.msk vm15, v0  }
0x148: {  	v0 =	vld [tilespmem:$0x16BD0]  }
0x149: {  	v1 =	vld [tilespmem:$0x16E30]  }
0x14a: {  	v39 =	vld [tilespmem:$0x16970];
	_ =	sdelay $0x2  }
0x14b: {  	vm4 =	vlt.f32 v0, $9.999999680e+37;
	v0 =	vsub.f32 v44, v0  }
0x14c: {  	v1 =	vnsel vm4, $0x0, v1  }
0x14d: {  	v40 =	vsub.f32 v39, v0;
	_ =	sdelay $0x1  }
0x14e: {  	v2 =	vsel vm4, v40, v39  }
0x14f: {  	v0 =	vnsel vm4, $0x0, v0;
	[tilespmem:$0x16970] =	vst v2  }
0x150: {  	[tilespmem:v1+s11+$0x0] =	vst.idx.add.f32.msk vm4, v0  }
0x151: {  	v0 =	vld [tilespmem:$0x16BE0]  }
0x152: {  	v1 =	vld [tilespmem:$0x16E40]  }
0x153: {  	v41 =	vld [tilespmem:$0x16980];
	_ =	sdelay $0x2  }
0x154: {  	vm5 =	vlt.f32 v0, $9.999999680e+37;
	v0 =	vsub.f32 v44, v0  }
0x155: {  	v1 =	vnsel vm5, $0x0, v1  }
0x156: {  	v42 =	vsub.f32 v41, v0;
	_ =	sdelay $0x1  }
0x157: {  	v2 =	vsel vm5, v42, v41  }
0x158: {  	v0 =	vnsel vm5, $0x0, v0;
	[tilespmem:$0x16980] =	vst v2  }
0x159: {  	[tilespmem:v1+s11+$0x0] =	vst.idx.add.f32.msk vm5, v0  }
0x15a: {  	v0 =	vld [tilespmem:$0x16BF0]  }
0x15b: {  	v1 =	vld [tilespmem:$0x16E50]  }
0x15c: {  	v43 =	vld [tilespmem:$0x16990];
	_ =	sdelay $0x2  }
0x15d: {  	vm6 =	vlt.f32 v0, $9.999999680e+37;
	v0 =	vsub.f32 v44, v0  }
0x15e: {  	v1 =	vnsel vm6, $0x0, v1  }
0x15f: {  	v45 =	vsub.f32 v43, v0;
	_ =	sdelay $0x1  }
0x160: {  	v2 =	vsel vm6, v45, v43  }
0x161: {  	v0 =	vnsel vm6, $0x0, v0;
	[tilespmem:$0x16990] =	vst v2  }
0x162: {  	[tilespmem:v1+s11+$0x0] =	vst.idx.add.f32.msk vm6, v0  }
0x163: {  	v0 =	vld [tilespmem:$0x16C00]  }
0x164: {  	v1 =	vld [tilespmem:$0x16E60]  }
0x165: {  	v46 =	vld [tilespmem:$0x169A0];
	_ =	sdelay $0x2  }
0x166: {  	vm7 =	vlt.f32 v0, $9.999999680e+37;
	v0 =	vsub.f32 v44, v0  }
0x167: {  	v1 =	vnsel vm7, $0x0, v1  }
0x168: {  	v47 =	vsub.f32 v46, v0;
	_ =	sdelay $0x1  }
0x169: {  	v2 =	vsel vm7, v47, v46  }
0x16a: {  	v0 =	vnsel vm7, $0x0, v0;
	[tilespmem:$0x169A0] =	vst v2  }
0x16b: {  	[tilespmem:v1+s11+$0x0] =	vst.idx.add.f32.msk vm7, v0  }
0x16c: {  	v0 =	vld [tilespmem:$0x16C10]  }
0x16d: {  	v1 =	vld [tilespmem:$0x16E70]  }
0x16e: {  	v48 =	vld [tilespmem:$0x169B0];
	_ =	sdelay $0x2  }
0x16f: {  	vm8 =	vlt.f32 v0, $9.999999680e+37;
	v0 =	vsub.f32 v44, v0  }
0x170: {  	v1 =	vnsel vm8, $0x0, v1  }
0x171: {  	v49 =	vsub.f32 v48, v0;
	_ =	sdelay $0x1  }
0x172: {  	v2 =	vsel vm8, v49, v48  }
0x173: {  	v0 =	vnsel vm8, $0x0, v0;
	[tilespmem:$0x169B0] =	vst v2  }
0x174: {  	[tilespmem:v1+s11+$0x0] =	vst.idx.add.f32.msk vm8, v0  }
0x175: {  	v0 =	vld [tilespmem:$0x16C20]  }
0x176: {  	v1 =	vld [tilespmem:$0x16E80]  }
0x177: {  	v50 =	vld [tilespmem:$0x169C0];
	_ =	sdelay $0x2  }
0x178: {  	vm9 =	vlt.f32 v0, $9.999999680e+37;
	v0 =	vsub.f32 v44, v0  }
0x179: {  	v1 =	vnsel vm9, $0x0, v1  }
0x17a: {  	v51 =	vsub.f32 v50, v0;
	_ =	sdelay $0x1  }
0x17b: {  	v2 =	vsel vm9, v51, v50  }
0x17c: {  	v0 =	vnsel vm9, $0x0, v0;
	[tilespmem:$0x169C0] =	vst v2  }
0x17d: {  	[tilespmem:v1+s11+$0x0] =	vst.idx.add.f32.msk vm9, v0  }
0x17e: {  	v0 =	vld [tilespmem:$0x16C30]  }
0x17f: {  	v1 =	vld [tilespmem:$0x16E90]  }
0x180: {  	v52 =	vld [tilespmem:$0x169D0];
	_ =	sdelay $0x2  }
0x181: {  	vm10 =	vlt.f32 v0, $9.999999680e+37;
	v0 =	vsub.f32 v44, v0  }
0x182: {  	v1 =	vnsel vm10, $0x0, v1  }
0x183: {  	v53 =	vsub.f32 v52, v0;
	_ =	sdelay $0x1  }
0x184: {  	v2 =	vsel vm10, v53, v52  }
0x185: {  	v0 =	vnsel vm10, $0x0, v0;
	[tilespmem:$0x169D0] =	vst v2  }
0x186: {  	[tilespmem:v1+s11+$0x0] =	vst.idx.add.f32.msk vm10, v0  }
0x187: {  	v0 =	vld [tilespmem:$0x16C40]  }
0x188: {  	v1 =	vld [tilespmem:$0x16EA0]  }
0x189: {  	v54 =	vld [tilespmem:$0x169E0];
	_ =	sdelay $0x2  }
0x18a: {  	vm11 =	vlt.f32 v0, $9.999999680e+37;
	v0 =	vsub.f32 v44, v0  }
0x18b: {  	v1 =	vnsel vm11, $0x0, v1  }
0x18c: {  	v55 =	vsub.f32 v54, v0;
	_ =	sdelay $0x1  }
0x18d: {  	v2 =	vsel vm11, v55, v54  }
0x18e: {  	v0 =	vnsel vm11, $0x0, v0;
	[tilespmem:$0x169E0] =	vst v2  }
0x18f: {  	[tilespmem:v1+s11+$0x0] =	vst.idx.add.f32.msk vm11, v0  }
0x190: {  	v0 =	vld [tilespmem:$0x16C50]  }
0x191: {  	v1 =	vld [tilespmem:$0x16EB0]  }
0x192: {  	v56 =	vld [tilespmem:$0x169F0];
	_ =	sdelay $0x2  }
0x193: {  	vm12 =	vlt.f32 v0, $9.999999680e+37;
	v0 =	vsub.f32 v44, v0  }
0x194: {  	v1 =	vnsel vm12, $0x0, v1  }
0x195: {  	v57 =	vsub.f32 v56, v0;
	_ =	sdelay $0x1  }
0x196: {  	v2 =	vsel vm12, v57, v56  }
0x197: {  	v0 =	vnsel vm12, $0x0, v0;
	[tilespmem:$0x169F0] =	vst v2  }
0x198: {  	[tilespmem:v1+s11+$0x0] =	vst.idx.add.f32.msk vm12, v0  }
0x199: {  	v0 =	vld [tilespmem:$0x16C60]  }
0x19a: {  	v1 =	vld [tilespmem:$0x16EC0]  }
0x19b: {  	v58 =	vld [tilespmem:$0x16A00];
	_ =	sdelay $0x2  }
0x19c: {  	vm13 =	vlt.f32 v0, $9.999999680e+37;
	v0 =	vsub.f32 v44, v0  }
0x19d: {  	v1 =	vnsel vm13, $0x0, v1  }
0x19e: {  	v59 =	vsub.f32 v58, v0;
	_ =	sdelay $0x1  }
0x19f: {  	v2 =	vsel vm13, v59, v58  }
0x1a0: {  	v0 =	vnsel vm13, $0x0, v0;
	[tilespmem:$0x16A00] =	vst v2  }
0x1a1: {  	[tilespmem:v1+s11+$0x0] =	vst.idx.add.f32.msk vm13, v0  }
0x1a2: {  	v0 =	vld [tilespmem:$0x16C70]  }
0x1a3: {  	v1 =	vld [tilespmem:$0x16ED0]  }
0x1a4: {  	v60 =	vld [tilespmem:$0x16A10];
	_ =	sdelay $0x2  }
0x1a5: {  	vm14 =	vlt.f32 v0, $9.999999680e+37;
	v0 =	vsub.f32 v44, v0  }
0x1a6: {  	v1 =	vnsel vm14, $0x0, v1  }
0x1a7: {  	v61 =	vsub.f32 v60, v0;
	_ =	sdelay $0x1  }
0x1a8: {  	v2 =	vsel vm14, v61, v60  }
0x1a9: {  	v0 =	vnsel vm14, $0x0, v0;
	[tilespmem:$0x16A10] =	vst v2  }
0x1aa: {  	[tilespmem:v1+s11+$0x0] =	vst.idx.add.f32.msk vm14, v0  }
0x1ab: {  	v0 =	vld [tilespmem:$0x16C80]  }
0x1ac: {  	v1 =	vld [tilespmem:$0x16EE0]  }
0x1ad: {  	v62 =	vld [tilespmem:$0x16A20];
	_ =	sdelay $0x1  }
0x1ae: {  	v8 =	vld [tilespmem:$0x1FEE0]  }
0x1af: {  	vm15 =	vlt.f32 v0, $9.999999680e+37;
	v0 =	vsub.f32 v44, v0  }
0x1b0: {  	v1 =	vnsel vm15, $0x0, v1  }
0x1b1: {  	v63 =	vsub.f32 v62, v0;
	_ =	sdelay $0x1  }
0x1b2: {  	v2 =	vsel vm15, v63, v62  }
0x1b3: {  	v0 =	vnsel vm15, $0x0, v0;
	[tilespmem:$0x16A20] =	vst v2  }
0x1b4: {  	[tilespmem:v1+s11+$0x0] =	vst.idx.add.f32.msk vm15, v0  }
0x1b5: {  	[tilespmem:v8+s11+$0x0] =	vst.idx.add.f32.msk $0x1, v44  }
.LBB2_7:
0x1b6: {  	v0 =	vld.idx.msk [tilespmem:v24+s15+$0x0], $0xffff;
	_ =	sdelay $0x4  }
0x1b7: {  	v1 =	vxor.u32 $0x80000000, v0  }
0x1b8: {  	(xrf0) =	vmin.scan.msk.u32 $0xffff, v1;
	_ =	sdelay $0x5  }
0x1b9: {  	v1, _, _ =	vpop (xrf0)  }
0x1ba: {  	(v2sf) =	vpush v1, $0xF;
	_ =	sdelay $0x8  }
0x1bb: {  	vm0 =	vlt.s32 v0, $0x0  }
0x1bc: {  	v63 =	vsel vm0, $0x0, v0;
	_ =	sdelay $0x4  }
0x1bd: {  	v1 =	vld.idx.msk [tilespmem:v63+s14+$0x0], $0xffff;
	s18 =	spop (v2sf)  }
0x1be: {  	p0 =	slt.s32 s18, $0x0  }
.Ltmp7:
0x1bf: {  	_ = 	snop;
	(pc) =	sbr.rel @p0 .LBB2_7-.Ltmp7, $3  }
0x1c0: {  	_ =	sdelay $0x1  }
0x1c1: {  	v1 =	vsel vm0, v8, v1  }
0x1c2: {  	[tilespmem:v24+s14+$0x0] =	vst.idx.msk $0x1, v1;
	v24 =	vsel vm0, v24, v0  }
.Ltmp8:
0x1c3: {  	_ = 	snop;
	(pc) =	sbr.rel .LBB2_8-.Ltmp8, $1  }
0x1c4: {  	_ =	sdelay $0x3  }
.LBB2_10:
0x1c5: {  	_ =	sfence.sel $0x180000  }
0x1c6: {  	[bflag:$0x0] =	sbarrier.arrive $0xFFFF  }
0x1c7: {  	p0 =	sne.s32 s1, $0x0;
	_ =	strace $0x90000047  }
0x1c8: {  	s0 =	sadd.s32 @!p0 $0x100000, s0;
	[bflag:$0x2] =	sbarrier.arrive $0xFFFF  }
0x1c9: {  	[sflag:s0] =	ssyncadd.tile.s32 @!p0 $0x1;
	_ =	shalt  }
.Lfunc_end2:
_tile_overlayer_lowered:
.L_overlay_start_2:
0x1ca: {  	(tag) =	ssettag $0x2  }
0x1cb: {  	s0 =	rddreg [dreg:$0x0];
	s2 =	stileid.u32  }
0x1cc: {  	s1 =	rddreg [dreg:$0x1];
	p0 =	sne.s32 s2, $0x0  }
0x1cd: {  	s3 =	rddreg [dreg:$0x2];
	[bflag:$0x3] =	sbarrier.arrive $0xFFFF;
	s2 =	simm.s32 @!p0 $0x1C01  }
0x1ce: {  	[timem:s3], [sflag:s2] =	dma.local @!p0 [hbm:s0], s1  }
0x1cf: {  	s0 =	simm.s32 @!p0 $0x1  }
0x1d0: {  	_ =	swait.ge @!p0 [sflag:s0], s1  }
0x1d1: {  	s1 =	ssub.s32 @!p0 $0x0, s1;
	[sflag:s0] =	ssyncset.done @!p0 $0x0  }
0x1d2: {  	[sflag:s0] =	ssyncadd.s32 @!p0 s1  }
0x1d3: {  	[bflag:$0x3] =	sbarrier.arrive $0xFFFF  }
0x1d4: {  	_ =	shalt  }

</sc_bundles>
